<compile_context>
chip_gen: v7x
topology: tpu7x:2x2x1
jax: 0.10.2.dev20260603
libtpu: 0.0.44.dev20260713+nightly
codegen_flags: <defaults>
</compile_context>

<pallas_src>
import functools

import jax
import jax.numpy as jnp
from jax import lax
from jax.experimental import pallas as pl
from jax.experimental.pallas import tpu as pltpu
from jax.experimental.pallas import tpu_sc as plsc

N = 10000
D = 128
E = 320000
L = 3

NC = 2
NS = 16
NW = NC * NS
CHUNK = 120
NCHUNK = 84
EPAD = NW * NCHUNK * CHUNK
NP = N + 48
NBUF = 3
GCH = 12
NGROUP = NCHUNK // GCH
BPG = GCH // NBUF
RPT = 624
TAIL = N - NS * RPT


def _sc_aggregate(h, ei, zeros):
    mesh = plsc.VectorSubcoreMesh(core_axis_name="c", subcore_axis_name="s")

    @functools.partial(
        pl.kernel,
        out_type=jax.ShapeDtypeStruct((NC, N, D), jnp.float32),
        mesh=mesh,
        scratch_types=[
            pltpu.VMEM_SHARED((NP, D), jnp.float32),
            pltpu.VMEM((2 * GCH, CHUNK), jnp.int32),
        ] + [pltpu.VMEM((CHUNK, D), jnp.float32) for _ in range(NBUF)]
          + [pltpu.SemaphoreType.DMA for _ in range(2 * NBUF)],
    )
    def agg(h_hbm, e_hbm, z_hbm, out_hbm, aggr_sh, idx, *bufs_and_sems):
        rows = bufs_and_sems[:NBUF]
        gsem = bufs_and_sems[NBUF:2 * NBUF]
        ssem = bufs_and_sems[2 * NBUF:]
        c = lax.axis_index("c")
        s = lax.axis_index("s")
        wid = c * NS + s
        pltpu.sync_copy(z_hbm.at[pl.ds(s * RPT, RPT)],
                        aggr_sh.at[pl.ds(s * RPT, RPT)])

        @pl.when(s == NS - 1)
        def _():
            pltpu.sync_copy(z_hbm.at[pl.ds(NS * RPT, TAIL)],
                            aggr_sh.at[pl.ds(NS * RPT, TAIL)])
        plsc.subcore_barrier()

        def drain_scatter(b):
            pltpu.make_async_copy(rows[b], aggr_sh.at[idx.at[1]],
                                  ssem[b]).wait()

        def group(g, carry):
            base = wid * 2 * NCHUNK + g * 2 * GCH
            pltpu.sync_copy(e_hbm.at[pl.ds(base, 2 * GCH)], idx)

            def batch(t, carry2):
                for b in range(NBUF):
                    m = t * NBUF + b
                    pltpu.async_copy(h_hbm.at[idx.at[2 * m]], rows[b],
                                     gsem[b])
                for b in range(NBUF):
                    m = t * NBUF + b
                    pltpu.make_async_copy(h_hbm.at[idx.at[2 * m]], rows[b],
                                          gsem[b]).wait()
                    pltpu.sync_copy(rows[b], aggr_sh.at[idx.at[2 * m + 1]],
                                    add=True)
                return carry2

            lax.fori_loop(0, BPG, batch, 0)
            return carry

        lax.fori_loop(0, NGROUP, group, 0)
        plsc.subcore_barrier()
        pltpu.sync_copy(aggr_sh.at[pl.ds(s * RPT, RPT)],
                        out_hbm.at[c, pl.ds(s * RPT, RPT)])

        @pl.when(s == NS - 1)
        def _():
            pltpu.sync_copy(aggr_sh.at[pl.ds(NS * RPT, TAIL)],
                            out_hbm.at[c, pl.ds(NS * RPT, TAIL)])

    return agg(h, ei, zeros)


def _mlp_body(relu_out, h_ref, p_ref, w1_ref, b1_ref, g1_ref, be1_ref,
              w2_ref, b2_ref, g2_ref, be2_ref, o_ref):
    out = h_ref[...] + p_ref[0] + p_ref[1]
    z = jnp.dot(out, w1_ref[...], preferred_element_type=jnp.float32)
    z = z + b1_ref[...]
    m = jnp.mean(z, axis=0, keepdims=True)
    v = jnp.mean((z - m) ** 2, axis=0, keepdims=True)
    z = (z - m) * lax.rsqrt(v + 1e-5) * g1_ref[...] + be1_ref[...]
    z = jnp.maximum(z, 0.0)
    z = jnp.dot(z, w2_ref[...], preferred_element_type=jnp.float32)
    z = z + b2_ref[...]
    m2 = jnp.mean(z, axis=0, keepdims=True)
    v2 = jnp.mean((z - m2) ** 2, axis=0, keepdims=True)
    z = (z - m2) * lax.rsqrt(v2 + 1e-5) * g2_ref[...] + be2_ref[...]
    if relu_out:
        z = jnp.maximum(z, 0.0)
    o_ref[...] = z


def _mlp(h, parts, w1, b1, g1, be1, w2, b2, g2, be2, relu_out):
    return pl.pallas_call(
        functools.partial(_mlp_body, relu_out),
        out_shape=jax.ShapeDtypeStruct((N, D), jnp.float32),
    )(h, parts, w1, b1.reshape(1, D), g1.reshape(1, D), be1.reshape(1, D),
      w2, b2.reshape(1, D), g2.reshape(1, D), be2.reshape(1, D))


def kernel(x, edge_index, W1, b1, g1, be1, W2, b2, g2, be2):
    e2 = edge_index.astype(jnp.int32)
    pad = jnp.stack([jnp.zeros((EPAD - E,), jnp.int32),
                     N + (jnp.arange(EPAD - E, dtype=jnp.int32) % (NP - N))])
    ei = jnp.concatenate([e2, pad], axis=1)
    ei = ei.reshape(2, NW, NCHUNK, CHUNK)
    ei = jnp.transpose(ei, (1, 2, 0, 3)).reshape(NW * NCHUNK * 2, CHUNK)
    zeros = jnp.zeros((N, D), jnp.float32)
    h = x
    for l in range(L):
        parts = _sc_aggregate(h, ei, zeros)
        h = _mlp(h, parts, W1[l], b1[l], g1[l], be1[l],
                 W2[l], b2[l], g2[l], be2[l], l < L - 1)
    return h

# --- scband reference (transcript-rebuilt; emitter-appended) ---
"""Pipeline reference for scband-gnn-node-39256001085525 (READ-ONLY COPY).

The authoritative reference and input builder live on the scoring server;
editing this copy changes nothing except your own understanding.
"""

import jax, jax.numpy as jnp
import numpy as np

N = 10000
E = 320000
D = 128
L = 3


def setup_inputs(seed: int = 0) -> dict:
    key = jax.random.key(seed)
    ks = jax.random.split(key, 4)
    inp = {
        "x": jax.random.normal(ks[0], (N, D), dtype=jnp.float32),
        "edge_index": jax.random.randint(ks[1], (2, E), 0, N),
        # GIN MLP params per layer (stacked over L layers):
        # Linear(D->D) -> BatchNorm(D) -> ReLU -> Linear(D->D), then outer BatchNorm(D)
        "W1": 0.05 * jax.random.normal(ks[2], (L, D, D), dtype=jnp.float32),
        "b1": jnp.zeros((L, D), dtype=jnp.float32),
        "g1": jnp.ones((L, D), dtype=jnp.float32),
        "be1": jnp.zeros((L, D), dtype=jnp.float32),
        "W2": 0.05 * jax.random.normal(ks[3], (L, D, D), dtype=jnp.float32),
        "b2": jnp.zeros((L, D), dtype=jnp.float32),
        "g2": jnp.ones((L, D), dtype=jnp.float32),
        "be2": jnp.zeros((L, D), dtype=jnp.float32),
    }
    return inp


def _batch_norm(h, g, b, eps=1e-5):
    m = jnp.mean(h, axis=0)
    v = jnp.var(h, axis=0)
    return (h - m) / jnp.sqrt(v + eps) * g + b


def reference(x, edge_index, W1, b1, g1, be1, W2, b2, g2, be2):
    # node_encoder is None -> x.float() passthrough
    src = edge_index[0]
    dst = edge_index[1]
    h = x
    for l in range(L):
        # GINConv: h_out = MLP((1+eps)*h + sum_{j in N(i)} h_j), eps=0
        aggr = jnp.zeros_like(h).at[dst].add(h[src])
        out = h + aggr
        z = out @ W1[l] + b1[l]
        z = _batch_norm(z, g1[l], be1[l])
        z = jax.nn.relu(z)
        z = z @ W2[l] + b2[l]
        # outer BatchNorm1d
        z = _batch_norm(z, g2[l], be2[l])
        # dropout treated as identity (deterministic reference)
        if l < L - 1:
            z = jax.nn.relu(z)
        h = z
    return h

if __name__ == "__main__":
    import jax
    _d = setup_inputs()
    print(jax.jit(kernel)(*tuple(_d.values())))

</pallas_src>

<mosaic_0001>
#map = affine_map<(d0, d1) -> (0, 0)>
#map1 = affine_map<(d0, d1) -> (0, 0, 0)>
module attributes {stable_mosaic.version = 14 : i64} {
  func.func @agg(%arg0: i32, %arg1: i32, %arg2: memref<10000x128xf32, #tpu.memory_space<hbm>>, %arg3: memref<5376x120xi32, #tpu.memory_space<hbm>>, %arg4: memref<10000x128xf32, #tpu.memory_space<hbm>>, %arg5: memref<2x10000x128xf32, #tpu.memory_space<hbm>>, %arg6: memref<10048x128xf32, #tpu.memory_space<vmem_shared>>, %arg7: memref<24x120xi32, #tpu.memory_space<vmem>>, %arg8: memref<120x128xf32, #tpu.memory_space<vmem>>, %arg9: memref<120x128xf32, #tpu.memory_space<vmem>>, %arg10: memref<120x128xf32, #tpu.memory_space<vmem>>, %arg11: memref<!tpu.dma_semaphore, #tpu.memory_space<semaphore_mem>>, %arg12: memref<!tpu.dma_semaphore, #tpu.memory_space<semaphore_mem>>, %arg13: memref<!tpu.dma_semaphore, #tpu.memory_space<semaphore_mem>>, %arg14: memref<!tpu.dma_semaphore, #tpu.memory_space<semaphore_mem>>, %arg15: memref<!tpu.dma_semaphore, #tpu.memory_space<semaphore_mem>>, %arg16: memref<!tpu.dma_semaphore, #tpu.memory_space<semaphore_mem>>) attributes {dimension_semantics = [#tpu.dimension_semantics<core_parallel>, #tpu.dimension_semantics<subcore_parallel>], iteration_bounds = array<i64: 2, 16>, scalar_prefetch = 0 : i64, scratch_operands = 11 : i64, tpu.core_type = #tpu.core_type<sc_vector_subcore>, window_params = [{transform_indices = #map}, {transform_indices = #map}, {transform_indices = #map}, {transform_indices = #map1}]} {
    %mul3A = arith.constant 16 : i32
    %mul3A_0 = arith.muli %arg0, %mul3A : i32
    %add3A = arith.addi %mul3A_0, %arg1 : i32
    %mul3A_1 = arith.constant 624 : i32
    %mul3A_2 = arith.muli %arg1, %mul3A_1 : i32
    %mul3A_3 = arith.constant 624 : i32
    %mul3A_4 = arith.muli %arg1, %mul3A_3 : i32
    "tpu.region"() ({
      %run_scoped3A = tpu.sem_alloc : memref<!tpu.dma_semaphore, #tpu.memory_space<semaphore_mem>>
      %dma_start3A = arith.constant 0 : i32
      %dma_start3A_22 = tpu.memref_slice %arg6[%mul3A_4, %dma_start3A] : memref<10048x128xf32, #tpu.memory_space<vmem_shared>> -> memref<624x128xf32, #tpu.memory_space<vmem_shared>>
      %dma_start3A_23 = arith.constant 0 : i32
      %dma_start3A_24 = tpu.memref_slice %arg4[%mul3A_2, %dma_start3A_23] : memref<10000x128xf32, #tpu.memory_space<hbm>> -> memref<624x128xf32, #tpu.memory_space<hbm>>
      tpu.enqueue_dma source(%dma_start3A_24 : memref<624x128xf32, #tpu.memory_space<hbm>>) target(%dma_start3A_22 : memref<624x128xf32, #tpu.memory_space<vmem_shared>>) target_semaphore(%run_scoped3A : memref<!tpu.dma_semaphore, #tpu.memory_space<semaphore_mem>>)
      %dma_wait3A = arith.constant 0 : i32
      %dma_wait3A_25 = tpu.memref_slice %arg6[%mul3A_4, %dma_wait3A] : memref<10048x128xf32, #tpu.memory_space<vmem_shared>> -> memref<624x128xf32, #tpu.memory_space<vmem_shared>>
      %dma_wait3A_26 = arith.constant 0 : i32
      %dma_wait3A_27 = tpu.memref_slice %arg4[%mul3A_2, %dma_wait3A_26] : memref<10000x128xf32, #tpu.memory_space<hbm>> -> memref<624x128xf32, #tpu.memory_space<hbm>>
      tpu.wait_dma2 semaphore(%run_scoped3A : memref<!tpu.dma_semaphore, #tpu.memory_space<semaphore_mem>>) src(%dma_wait3A_27 : memref<624x128xf32, #tpu.memory_space<hbm>>) dst(%dma_wait3A_25 : memref<624x128xf32, #tpu.memory_space<vmem_shared>>)
      tpu.yield
    }) : () -> ()
    %eq3A = arith.constant 15 : i32
    %eq3A_5 = arith.cmpi eq, %arg1, %eq3A : i32
    %convert_element_type3A = arith.extui %eq3A_5 : i1 to i32
    %cond3A = arith.constant 0 : i32
    %cond3A_6 = arith.cmpi ne, %convert_element_type3A, %cond3A : i32
    scf.if %cond3A_6 {
      "tpu.region"() ({
        %run_scoped3A = tpu.sem_alloc : memref<!tpu.dma_semaphore, #tpu.memory_space<semaphore_mem>>
        %dma_start3A = arith.constant 9984 : i32
        %dma_start3A_22 = arith.constant 0 : i32
        %dma_start3A_23 = tpu.memref_slice %arg6[%dma_start3A, %dma_start3A_22] : memref<10048x128xf32, #tpu.memory_space<vmem_shared>> -> memref<16x128xf32, #tpu.memory_space<vmem_shared>>
        %dma_start3A_24 = arith.constant 9984 : i32
        %dma_start3A_25 = arith.constant 0 : i32
        %dma_start3A_26 = tpu.memref_slice %arg4[%dma_start3A_24, %dma_start3A_25] : memref<10000x128xf32, #tpu.memory_space<hbm>> -> memref<16x128xf32, #tpu.memory_space<hbm>>
        tpu.enqueue_dma source(%dma_start3A_26 : memref<16x128xf32, #tpu.memory_space<hbm>>) target(%dma_start3A_23 : memref<16x128xf32, #tpu.memory_space<vmem_shared>>) target_semaphore(%run_scoped3A : memref<!tpu.dma_semaphore, #tpu.memory_space<semaphore_mem>>)
        %dma_wait3A = arith.constant 9984 : i32
        %dma_wait3A_27 = arith.constant 0 : i32
        %dma_wait3A_28 = tpu.memref_slice %arg6[%dma_wait3A, %dma_wait3A_27] : memref<10048x128xf32, #tpu.memory_space<vmem_shared>> -> memref<16x128xf32, #tpu.memory_space<vmem_shared>>
        %dma_wait3A_29 = arith.constant 9984 : i32
        %dma_wait3A_30 = arith.constant 0 : i32
        %dma_wait3A_31 = tpu.memref_slice %arg4[%dma_wait3A_29, %dma_wait3A_30] : memref<10000x128xf32, #tpu.memory_space<hbm>> -> memref<16x128xf32, #tpu.memory_space<hbm>>
        tpu.wait_dma2 semaphore(%run_scoped3A : memref<!tpu.dma_semaphore, #tpu.memory_space<semaphore_mem>>) src(%dma_wait3A_31 : memref<16x128xf32, #tpu.memory_space<hbm>>) dst(%dma_wait3A_28 : memref<16x128xf32, #tpu.memory_space<vmem_shared>>)
        tpu.yield
      }) : () -> ()
    } else {
    }
    %barrier3A = arith.constant 0 : index
    tpu.barrier barrier_id(%barrier3A)
    %scan3A = arith.constant 0 : i32
    %scan3A_7 = arith.constant 0 : i32
    %scan3A_8 = arith.constant 7 : i32
    %scan3A_9 = arith.addi %scan3A_7, %scan3A_8 : i32
    %scan3A_10 = arith.constant 1 : i32
    scf.for %scan3A_22 = %scan3A_7 to %scan3A_9 step %scan3A_10  : i32 {
      %mul3A_23 = arith.constant 2 : i32
      %mul3A_24 = arith.muli %add3A, %mul3A_23 : i32
      %mul3A_25 = arith.constant 84 : i32
      %mul3A_26 = arith.muli %mul3A_24, %mul3A_25 : i32
      %mul3A_27 = arith.constant 2 : i32
      %mul3A_28 = arith.muli %scan3A_22, %mul3A_27 : i32
      %mul3A_29 = arith.constant 12 : i32
      %mul3A_30 = arith.muli %mul3A_28, %mul3A_29 : i32
      %add3A_31 = arith.addi %mul3A_26, %mul3A_30 : i32
      "tpu.region"() ({
        %run_scoped3A = tpu.sem_alloc : memref<!tpu.dma_semaphore, #tpu.memory_space<semaphore_mem>>
        %dma_start3A = arith.constant 0 : i32
        %dma_start3A_38 = tpu.memref_slice %arg3[%add3A_31, %dma_start3A] : memref<5376x120xi32, #tpu.memory_space<hbm>> -> memref<24x120xi32, #tpu.memory_space<hbm>>
        %dma_start3A_39 = arith.constant 0 : i32
        %dma_start3A_40 = tpu.memref_slice %arg3[%add3A_31, %dma_start3A_39] : memref<5376x120xi32, #tpu.memory_space<hbm>> -> memref<24x120xi32, #tpu.memory_space<hbm>>
        tpu.enqueue_dma source(%dma_start3A_40 : memref<24x120xi32, #tpu.memory_space<hbm>>) target(%arg7 : memref<24x120xi32, #tpu.memory_space<vmem>>) target_semaphore(%run_scoped3A : memref<!tpu.dma_semaphore, #tpu.memory_space<semaphore_mem>>)
        %dma_wait3A = arith.constant 0 : i32
        %dma_wait3A_41 = tpu.memref_slice %arg3[%add3A_31, %dma_wait3A] : memref<5376x120xi32, #tpu.memory_space<hbm>> -> memref<24x120xi32, #tpu.memory_space<hbm>>
        %dma_wait3A_42 = arith.constant 0 : i32
        %dma_wait3A_43 = tpu.memref_slice %arg3[%add3A_31, %dma_wait3A_42] : memref<5376x120xi32, #tpu.memory_space<hbm>> -> memref<24x120xi32, #tpu.memory_space<hbm>>
        tpu.wait_dma2 semaphore(%run_scoped3A : memref<!tpu.dma_semaphore, #tpu.memory_space<semaphore_mem>>) src(%dma_wait3A_43 : memref<24x120xi32, #tpu.memory_space<hbm>>) dst(%arg7 : memref<24x120xi32, #tpu.memory_space<vmem>>)
        tpu.yield
      }) : () -> ()
      %scan3A_32 = arith.constant 0 : i32
      %scan3A_33 = arith.constant 0 : i32
      %scan3A_34 = arith.constant 4 : i32
      %scan3A_35 = arith.addi %scan3A_33, %scan3A_34 : i32
      %scan3A_36 = arith.constant 1 : i32
      scf.for %scan3A_38 = %scan3A_33 to %scan3A_35 step %scan3A_36  : i32 {
        %mul3A_39 = arith.constant 3 : i32
        %mul3A_40 = arith.muli %scan3A_38, %mul3A_39 : i32
        %add3A_41 = arith.constant 0 : i32
        %add3A_42 = arith.addi %mul3A_40, %add3A_41 : i32
        %mul3A_43 = arith.constant 2 : i32
        %mul3A_44 = arith.muli %mul3A_43, %add3A_42 : i32
        %dma_start3A = arith.constant 0 : i32
        %dma_start3A_45 = tpu.memref_slice %arg7[%mul3A_44, %dma_start3A] : memref<24x120xi32, #tpu.memory_space<vmem>> -> memref<1x120xi32, #tpu.memory_space<vmem>>
        %dma_start3A_46 = tpu.memref_squeeze %dma_start3A_45 : memref<1x120xi32, #tpu.memory_space<vmem>> -> memref<120xi32, #tpu.memory_space<vmem>>
        %dma_start3A_47 = arith.constant 0 : i32
        %dma_start3A_48 = arith.constant 0 : i32
        %dma_start3A_49 = tpu.memref_slice %arg2[%dma_start3A_47, %dma_start3A_48] : memref<10000x128xf32, #tpu.memory_space<hbm>> -> memref<10000x128xf32, #tpu.memory_space<hbm>>
        tpu.enqueue_indirect_dma source(%dma_start3A_49 : memref<10000x128xf32, #tpu.memory_space<hbm>>) target(%arg8 : memref<120x128xf32, #tpu.memory_space<vmem>>) offsets(%dma_start3A_46 : memref<120xi32, #tpu.memory_space<vmem>>) semaphore(%arg11 : memref<!tpu.dma_semaphore, #tpu.memory_space<semaphore_mem>>)
        %mul3A_50 = arith.constant 3 : i32
        %mul3A_51 = arith.muli %scan3A_38, %mul3A_50 : i32
        %add3A_52 = arith.constant 1 : i32
        %add3A_53 = arith.addi %mul3A_51, %add3A_52 : i32
        %mul3A_54 = arith.constant 2 : i32
        %mul3A_55 = arith.muli %mul3A_54, %add3A_53 : i32
        %dma_start3A_56 = arith.constant 0 : i32
        %dma_start3A_57 = tpu.memref_slice %arg7[%mul3A_55, %dma_start3A_56] : memref<24x120xi32, #tpu.memory_space<vmem>> -> memref<1x120xi32, #tpu.memory_space<vmem>>
        %dma_start3A_58 = tpu.memref_squeeze %dma_start3A_57 : memref<1x120xi32, #tpu.memory_space<vmem>> -> memref<120xi32, #tpu.memory_space<vmem>>
        %dma_start3A_59 = arith.constant 0 : i32
        %dma_start3A_60 = arith.constant 0 : i32
        %dma_start3A_61 = tpu.memref_slice %arg2[%dma_start3A_59, %dma_start3A_60] : memref<10000x128xf32, #tpu.memory_space<hbm>> -> memref<10000x128xf32, #tpu.memory_space<hbm>>
        tpu.enqueue_indirect_dma source(%dma_start3A_61 : memref<10000x128xf32, #tpu.memory_space<hbm>>) target(%arg9 : memref<120x128xf32, #tpu.memory_space<vmem>>) offsets(%dma_start3A_58 : memref<120xi32, #tpu.memory_space<vmem>>) semaphore(%arg12 : memref<!tpu.dma_semaphore, #tpu.memory_space<semaphore_mem>>)
        %mul3A_62 = arith.constant 3 : i32
        %mul3A_63 = arith.muli %scan3A_38, %mul3A_62 : i32
        %add3A_64 = arith.constant 2 : i32
        %add3A_65 = arith.addi %mul3A_63, %add3A_64 : i32
        %mul3A_66 = arith.constant 2 : i32
        %mul3A_67 = arith.muli %mul3A_66, %add3A_65 : i32
        %dma_start3A_68 = arith.constant 0 : i32
        %dma_start3A_69 = tpu.memref_slice %arg7[%mul3A_67, %dma_start3A_68] : memref<24x120xi32, #tpu.memory_space<vmem>> -> memref<1x120xi32, #tpu.memory_space<vmem>>
        %dma_start3A_70 = tpu.memref_squeeze %dma_start3A_69 : memref<1x120xi32, #tpu.memory_space<vmem>> -> memref<120xi32, #tpu.memory_space<vmem>>
        %dma_start3A_71 = arith.constant 0 : i32
        %dma_start3A_72 = arith.constant 0 : i32
        %dma_start3A_73 = tpu.memref_slice %arg2[%dma_start3A_71, %dma_start3A_72] : memref<10000x128xf32, #tpu.memory_space<hbm>> -> memref<10000x128xf32, #tpu.memory_space<hbm>>
        tpu.enqueue_indirect_dma source(%dma_start3A_73 : memref<10000x128xf32, #tpu.memory_space<hbm>>) target(%arg10 : memref<120x128xf32, #tpu.memory_space<vmem>>) offsets(%dma_start3A_70 : memref<120xi32, #tpu.memory_space<vmem>>) semaphore(%arg13 : memref<!tpu.dma_semaphore, #tpu.memory_space<semaphore_mem>>)
        %mul3A_74 = arith.constant 3 : i32
        %mul3A_75 = arith.muli %scan3A_38, %mul3A_74 : i32
        %add3A_76 = arith.constant 0 : i32
        %add3A_77 = arith.addi %mul3A_75, %add3A_76 : i32
        %mul3A_78 = arith.constant 2 : i32
        %mul3A_79 = arith.muli %mul3A_78, %add3A_77 : i32
        %dma_wait3A = arith.constant 0 : i32
        %dma_wait3A_80 = tpu.memref_slice %arg7[%mul3A_79, %dma_wait3A] : memref<24x120xi32, #tpu.memory_space<vmem>> -> memref<1x120xi32, #tpu.memory_space<vmem>>
        %dma_wait3A_81 = tpu.memref_squeeze %dma_wait3A_80 : memref<1x120xi32, #tpu.memory_space<vmem>> -> memref<120xi32, #tpu.memory_space<vmem>>
        %dma_wait3A_82 = arith.constant 0 : i32
        %dma_wait3A_83 = arith.constant 0 : i32
        %dma_wait3A_84 = tpu.memref_slice %arg2[%dma_wait3A_82, %dma_wait3A_83] : memref<10000x128xf32, #tpu.memory_space<hbm>> -> memref<10000x128xf32, #tpu.memory_space<hbm>>
        tpu.wait_indirect_dma semaphore(%arg11 : memref<!tpu.dma_semaphore, #tpu.memory_space<semaphore_mem>>) src(%dma_wait3A_84 : memref<10000x128xf32, #tpu.memory_space<hbm>>) dst(%arg8 : memref<120x128xf32, #tpu.memory_space<vmem>>)
        %mul3A_85 = arith.constant 2 : i32
        %mul3A_86 = arith.muli %mul3A_85, %add3A_77 : i32
        %add3A_87 = arith.constant 1 : i32
        %add3A_88 = arith.addi %mul3A_86, %add3A_87 : i32
        "tpu.region"() ({
          %run_scoped3A = tpu.sem_alloc : memref<!tpu.dma_semaphore, #tpu.memory_space<semaphore_mem>>
          %dma_start3A_121 = arith.constant 0 : i32
          %dma_start3A_122 = tpu.memref_slice %arg7[%add3A_88, %dma_start3A_121] : memref<24x120xi32, #tpu.memory_space<vmem>> -> memref<1x120xi32, #tpu.memory_space<vmem>>
          %dma_start3A_123 = tpu.memref_squeeze %dma_start3A_122 : memref<1x120xi32, #tpu.memory_space<vmem>> -> memref<120xi32, #tpu.memory_space<vmem>>
          %dma_start3A_124 = arith.constant 0 : i32
          %dma_start3A_125 = arith.constant 0 : i32
          %dma_start3A_126 = tpu.memref_slice %arg6[%dma_start3A_124, %dma_start3A_125] : memref<10048x128xf32, #tpu.memory_space<vmem_shared>> -> memref<10048x128xf32, #tpu.memory_space<vmem_shared>>
          tpu.enqueue_indirect_dma source(%arg8 : memref<120x128xf32, #tpu.memory_space<vmem>>) target(%dma_start3A_126 : memref<10048x128xf32, #tpu.memory_space<vmem_shared>>) offsets(%dma_start3A_123 : memref<120xi32, #tpu.memory_space<vmem>>) semaphore(%run_scoped3A : memref<!tpu.dma_semaphore, #tpu.memory_space<semaphore_mem>>) {add = true}
          %dma_wait3A_127 = arith.constant 0 : i32
          %dma_wait3A_128 = tpu.memref_slice %arg7[%add3A_88, %dma_wait3A_127] : memref<24x120xi32, #tpu.memory_space<vmem>> -> memref<1x120xi32, #tpu.memory_space<vmem>>
          %dma_wait3A_129 = tpu.memref_squeeze %dma_wait3A_128 : memref<1x120xi32, #tpu.memory_space<vmem>> -> memref<120xi32, #tpu.memory_space<vmem>>
          %dma_wait3A_130 = arith.constant 0 : i32
          %dma_wait3A_131 = arith.constant 0 : i32
          %dma_wait3A_132 = tpu.memref_slice %arg6[%dma_wait3A_130, %dma_wait3A_131] : memref<10048x128xf32, #tpu.memory_space<vmem_shared>> -> memref<10048x128xf32, #tpu.memory_space<vmem_shared>>
          tpu.wait_indirect_dma semaphore(%run_scoped3A : memref<!tpu.dma_semaphore, #tpu.memory_space<semaphore_mem>>) src(%arg8 : memref<120x128xf32, #tpu.memory_space<vmem>>) dst(%dma_wait3A_132 : memref<10048x128xf32, #tpu.memory_space<vmem_shared>>)
          tpu.yield
        }) : () -> ()
        %mul3A_89 = arith.constant 3 : i32
        %mul3A_90 = arith.muli %scan3A_38, %mul3A_89 : i32
        %add3A_91 = arith.constant 1 : i32
        %add3A_92 = arith.addi %mul3A_90, %add3A_91 : i32
        %mul3A_93 = arith.constant 2 : i32
        %mul3A_94 = arith.muli %mul3A_93, %add3A_92 : i32
        %dma_wait3A_95 = arith.constant 0 : i32
        %dma_wait3A_96 = tpu.memref_slice %arg7[%mul3A_94, %dma_wait3A_95] : memref<24x120xi32, #tpu.memory_space<vmem>> -> memref<1x120xi32, #tpu.memory_space<vmem>>
        %dma_wait3A_97 = tpu.memref_squeeze %dma_wait3A_96 : memref<1x120xi32, #tpu.memory_space<vmem>> -> memref<120xi32, #tpu.memory_space<vmem>>
        %dma_wait3A_98 = arith.constant 0 : i32
        %dma_wait3A_99 = arith.constant 0 : i32
        %dma_wait3A_100 = tpu.memref_slice %arg2[%dma_wait3A_98, %dma_wait3A_99] : memref<10000x128xf32, #tpu.memory_space<hbm>> -> memref<10000x128xf32, #tpu.memory_space<hbm>>
        tpu.wait_indirect_dma semaphore(%arg12 : memref<!tpu.dma_semaphore, #tpu.memory_space<semaphore_mem>>) src(%dma_wait3A_100 : memref<10000x128xf32, #tpu.memory_space<hbm>>) dst(%arg9 : memref<120x128xf32, #tpu.memory_space<vmem>>)
        %mul3A_101 = arith.constant 2 : i32
        %mul3A_102 = arith.muli %mul3A_101, %add3A_92 : i32
        %add3A_103 = arith.constant 1 : i32
        %add3A_104 = arith.addi %mul3A_102, %add3A_103 : i32
        "tpu.region"() ({
          %run_scoped3A = tpu.sem_alloc : memref<!tpu.dma_semaphore, #tpu.memory_space<semaphore_mem>>
          %dma_start3A_121 = arith.constant 0 : i32
          %dma_start3A_122 = tpu.memref_slice %arg7[%add3A_104, %dma_start3A_121] : memref<24x120xi32, #tpu.memory_space<vmem>> -> memref<1x120xi32, #tpu.memory_space<vmem>>
          %dma_start3A_123 = tpu.memref_squeeze %dma_start3A_122 : memref<1x120xi32, #tpu.memory_space<vmem>> -> memref<120xi32, #tpu.memory_space<vmem>>
          %dma_start3A_124 = arith.constant 0 : i32
          %dma_start3A_125 = arith.constant 0 : i32
          %dma_start3A_126 = tpu.memref_slice %arg6[%dma_start3A_124, %dma_start3A_125] : memref<10048x128xf32, #tpu.memory_space<vmem_shared>> -> memref<10048x128xf32, #tpu.memory_space<vmem_shared>>
          tpu.enqueue_indirect_dma source(%arg9 : memref<120x128xf32, #tpu.memory_space<vmem>>) target(%dma_start3A_126 : memref<10048x128xf32, #tpu.memory_space<vmem_shared>>) offsets(%dma_start3A_123 : memref<120xi32, #tpu.memory_space<vmem>>) semaphore(%run_scoped3A : memref<!tpu.dma_semaphore, #tpu.memory_space<semaphore_mem>>) {add = true}
          %dma_wait3A_127 = arith.constant 0 : i32
          %dma_wait3A_128 = tpu.memref_slice %arg7[%add3A_104, %dma_wait3A_127] : memref<24x120xi32, #tpu.memory_space<vmem>> -> memref<1x120xi32, #tpu.memory_space<vmem>>
          %dma_wait3A_129 = tpu.memref_squeeze %dma_wait3A_128 : memref<1x120xi32, #tpu.memory_space<vmem>> -> memref<120xi32, #tpu.memory_space<vmem>>
          %dma_wait3A_130 = arith.constant 0 : i32
          %dma_wait3A_131 = arith.constant 0 : i32
          %dma_wait3A_132 = tpu.memref_slice %arg6[%dma_wait3A_130, %dma_wait3A_131] : memref<10048x128xf32, #tpu.memory_space<vmem_shared>> -> memref<10048x128xf32, #tpu.memory_space<vmem_shared>>
          tpu.wait_indirect_dma semaphore(%run_scoped3A : memref<!tpu.dma_semaphore, #tpu.memory_space<semaphore_mem>>) src(%arg9 : memref<120x128xf32, #tpu.memory_space<vmem>>) dst(%dma_wait3A_132 : memref<10048x128xf32, #tpu.memory_space<vmem_shared>>)
          tpu.yield
        }) : () -> ()
        %mul3A_105 = arith.constant 3 : i32
        %mul3A_106 = arith.muli %scan3A_38, %mul3A_105 : i32
        %add3A_107 = arith.constant 2 : i32
        %add3A_108 = arith.addi %mul3A_106, %add3A_107 : i32
        %mul3A_109 = arith.constant 2 : i32
        %mul3A_110 = arith.muli %mul3A_109, %add3A_108 : i32
        %dma_wait3A_111 = arith.constant 0 : i32
        %dma_wait3A_112 = tpu.memref_slice %arg7[%mul3A_110, %dma_wait3A_111] : memref<24x120xi32, #tpu.memory_space<vmem>> -> memref<1x120xi32, #tpu.memory_space<vmem>>
        %dma_wait3A_113 = tpu.memref_squeeze %dma_wait3A_112 : memref<1x120xi32, #tpu.memory_space<vmem>> -> memref<120xi32, #tpu.memory_space<vmem>>
        %dma_wait3A_114 = arith.constant 0 : i32
        %dma_wait3A_115 = arith.constant 0 : i32
        %dma_wait3A_116 = tpu.memref_slice %arg2[%dma_wait3A_114, %dma_wait3A_115] : memref<10000x128xf32, #tpu.memory_space<hbm>> -> memref<10000x128xf32, #tpu.memory_space<hbm>>
        tpu.wait_indirect_dma semaphore(%arg13 : memref<!tpu.dma_semaphore, #tpu.memory_space<semaphore_mem>>) src(%dma_wait3A_116 : memref<10000x128xf32, #tpu.memory_space<hbm>>) dst(%arg10 : memref<120x128xf32, #tpu.memory_space<vmem>>)
        %mul3A_117 = arith.constant 2 : i32
        %mul3A_118 = arith.muli %mul3A_117, %add3A_108 : i32
        %add3A_119 = arith.constant 1 : i32
        %add3A_120 = arith.addi %mul3A_118, %add3A_119 : i32
        "tpu.region"() ({
          %run_scoped3A = tpu.sem_alloc : memref<!tpu.dma_semaphore, #tpu.memory_space<semaphore_mem>>
          %dma_start3A_121 = arith.constant 0 : i32
          %dma_start3A_122 = tpu.memref_slice %arg7[%add3A_120, %dma_start3A_121] : memref<24x120xi32, #tpu.memory_space<vmem>> -> memref<1x120xi32, #tpu.memory_space<vmem>>
          %dma_start3A_123 = tpu.memref_squeeze %dma_start3A_122 : memref<1x120xi32, #tpu.memory_space<vmem>> -> memref<120xi32, #tpu.memory_space<vmem>>
          %dma_start3A_124 = arith.constant 0 : i32
          %dma_start3A_125 = arith.constant 0 : i32
          %dma_start3A_126 = tpu.memref_slice %arg6[%dma_start3A_124, %dma_start3A_125] : memref<10048x128xf32, #tpu.memory_space<vmem_shared>> -> memref<10048x128xf32, #tpu.memory_space<vmem_shared>>
          tpu.enqueue_indirect_dma source(%arg10 : memref<120x128xf32, #tpu.memory_space<vmem>>) target(%dma_start3A_126 : memref<10048x128xf32, #tpu.memory_space<vmem_shared>>) offsets(%dma_start3A_123 : memref<120xi32, #tpu.memory_space<vmem>>) semaphore(%run_scoped3A : memref<!tpu.dma_semaphore, #tpu.memory_space<semaphore_mem>>) {add = true}
          %dma_wait3A_127 = arith.constant 0 : i32
          %dma_wait3A_128 = tpu.memref_slice %arg7[%add3A_120, %dma_wait3A_127] : memref<24x120xi32, #tpu.memory_space<vmem>> -> memref<1x120xi32, #tpu.memory_space<vmem>>
          %dma_wait3A_129 = tpu.memref_squeeze %dma_wait3A_128 : memref<1x120xi32, #tpu.memory_space<vmem>> -> memref<120xi32, #tpu.memory_space<vmem>>
          %dma_wait3A_130 = arith.constant 0 : i32
          %dma_wait3A_131 = arith.constant 0 : i32
          %dma_wait3A_132 = tpu.memref_slice %arg6[%dma_wait3A_130, %dma_wait3A_131] : memref<10048x128xf32, #tpu.memory_space<vmem_shared>> -> memref<10048x128xf32, #tpu.memory_space<vmem_shared>>
          tpu.wait_indirect_dma semaphore(%run_scoped3A : memref<!tpu.dma_semaphore, #tpu.memory_space<semaphore_mem>>) src(%arg10 : memref<120x128xf32, #tpu.memory_space<vmem>>) dst(%dma_wait3A_132 : memref<10048x128xf32, #tpu.memory_space<vmem_shared>>)
          tpu.yield
        }) : () -> ()
      }
      %scan3A_37 = arith.constant 4 : i32
    }
    %scan3A_11 = arith.constant 7 : i32
    %barrier3A_12 = arith.constant 0 : index
    tpu.barrier barrier_id(%barrier3A_12)
    %mul3A_13 = arith.constant 624 : i32
    %mul3A_14 = arith.muli %arg1, %mul3A_13 : i32
    %mul3A_15 = arith.constant 624 : i32
    %mul3A_16 = arith.muli %arg1, %mul3A_15 : i32
    "tpu.region"() ({
      %run_scoped3A = tpu.sem_alloc : memref<!tpu.dma_semaphore, #tpu.memory_space<semaphore_mem>>
      %dma_start3A = arith.constant 0 : i32
      %dma_start3A_22 = tpu.memref_slice %arg5[%arg0, %mul3A_16, %dma_start3A] : memref<2x10000x128xf32, #tpu.memory_space<hbm>> -> memref<1x624x128xf32, #tpu.memory_space<hbm>>
      %dma_start3A_23 = tpu.memref_squeeze %dma_start3A_22 : memref<1x624x128xf32, #tpu.memory_space<hbm>> -> memref<624x128xf32, #tpu.memory_space<hbm>>
      %dma_start3A_24 = arith.constant 0 : i32
      %dma_start3A_25 = tpu.memref_slice %arg6[%mul3A_14, %dma_start3A_24] : memref<10048x128xf32, #tpu.memory_space<vmem_shared>> -> memref<624x128xf32, #tpu.memory_space<vmem_shared>>
      tpu.enqueue_dma source(%dma_start3A_25 : memref<624x128xf32, #tpu.memory_space<vmem_shared>>) target(%dma_start3A_23 : memref<624x128xf32, #tpu.memory_space<hbm>>) target_semaphore(%run_scoped3A : memref<!tpu.dma_semaphore, #tpu.memory_space<semaphore_mem>>)
      %dma_wait3A = arith.constant 0 : i32
      %dma_wait3A_26 = tpu.memref_slice %arg5[%arg0, %mul3A_16, %dma_wait3A] : memref<2x10000x128xf32, #tpu.memory_space<hbm>> -> memref<1x624x128xf32, #tpu.memory_space<hbm>>
      %dma_wait3A_27 = tpu.memref_squeeze %dma_wait3A_26 : memref<1x624x128xf32, #tpu.memory_space<hbm>> -> memref<624x128xf32, #tpu.memory_space<hbm>>
      %dma_wait3A_28 = arith.constant 0 : i32
      %dma_wait3A_29 = tpu.memref_slice %arg6[%mul3A_14, %dma_wait3A_28] : memref<10048x128xf32, #tpu.memory_space<vmem_shared>> -> memref<624x128xf32, #tpu.memory_space<vmem_shared>>
      tpu.wait_dma2 semaphore(%run_scoped3A : memref<!tpu.dma_semaphore, #tpu.memory_space<semaphore_mem>>) src(%dma_wait3A_29 : memref<624x128xf32, #tpu.memory_space<vmem_shared>>) dst(%dma_wait3A_27 : memref<624x128xf32, #tpu.memory_space<hbm>>)
      tpu.yield
    }) : () -> ()
    %eq3A_17 = arith.constant 15 : i32
    %eq3A_18 = arith.cmpi eq, %arg1, %eq3A_17 : i32
    %convert_element_type3A_19 = arith.extui %eq3A_18 : i1 to i32
    %cond3A_20 = arith.constant 0 : i32
    %cond3A_21 = arith.cmpi ne, %convert_element_type3A_19, %cond3A_20 : i32
    scf.if %cond3A_21 {
      "tpu.region"() ({
        %run_scoped3A = tpu.sem_alloc : memref<!tpu.dma_semaphore, #tpu.memory_space<semaphore_mem>>
        %dma_start3A = arith.constant 9984 : i32
        %dma_start3A_22 = arith.constant 0 : i32
        %dma_start3A_23 = tpu.memref_slice %arg5[%arg0, %dma_start3A, %dma_start3A_22] : memref<2x10000x128xf32, #tpu.memory_space<hbm>> -> memref<1x16x128xf32, #tpu.memory_space<hbm>>
        %dma_start3A_24 = tpu.memref_squeeze %dma_start3A_23 : memref<1x16x128xf32, #tpu.memory_space<hbm>> -> memref<16x128xf32, #tpu.memory_space<hbm>>
        %dma_start3A_25 = arith.constant 9984 : i32
        %dma_start3A_26 = arith.constant 0 : i32
        %dma_start3A_27 = tpu.memref_slice %arg6[%dma_start3A_25, %dma_start3A_26] : memref<10048x128xf32, #tpu.memory_space<vmem_shared>> -> memref<16x128xf32, #tpu.memory_space<vmem_shared>>
        tpu.enqueue_dma source(%dma_start3A_27 : memref<16x128xf32, #tpu.memory_space<vmem_shared>>) target(%dma_start3A_24 : memref<16x128xf32, #tpu.memory_space<hbm>>) target_semaphore(%run_scoped3A : memref<!tpu.dma_semaphore, #tpu.memory_space<semaphore_mem>>)
        %dma_wait3A = arith.constant 9984 : i32
        %dma_wait3A_28 = arith.constant 0 : i32
        %dma_wait3A_29 = tpu.memref_slice %arg5[%arg0, %dma_wait3A, %dma_wait3A_28] : memref<2x10000x128xf32, #tpu.memory_space<hbm>> -> memref<1x16x128xf32, #tpu.memory_space<hbm>>
        %dma_wait3A_30 = tpu.memref_squeeze %dma_wait3A_29 : memref<1x16x128xf32, #tpu.memory_space<hbm>> -> memref<16x128xf32, #tpu.memory_space<hbm>>
        %dma_wait3A_31 = arith.constant 9984 : i32
        %dma_wait3A_32 = arith.constant 0 : i32
        %dma_wait3A_33 = tpu.memref_slice %arg6[%dma_wait3A_31, %dma_wait3A_32] : memref<10048x128xf32, #tpu.memory_space<vmem_shared>> -> memref<16x128xf32, #tpu.memory_space<vmem_shared>>
        tpu.wait_dma2 semaphore(%run_scoped3A : memref<!tpu.dma_semaphore, #tpu.memory_space<semaphore_mem>>) src(%dma_wait3A_33 : memref<16x128xf32, #tpu.memory_space<vmem_shared>>) dst(%dma_wait3A_30 : memref<16x128xf32, #tpu.memory_space<hbm>>)
        tpu.yield
      }) : () -> ()
    } else {
    }
    return
  }
}

#map = affine_map<(d0, d1) -> (0, 0)>
#map1 = affine_map<(d0, d1) -> (0, 0, 0)>
module attributes {stable_mosaic.version = 14 : i64} {
  func.func @agg(%arg0: i32, %arg1: i32, %arg2: memref<10000x128xf32, #tpu.memory_space<hbm>>, %arg3: memref<5376x120xi32, #tpu.memory_space<hbm>>, %arg4: memref<10000x128xf32, #tpu.memory_space<hbm>>, %arg5: memref<2x10000x128xf32, #tpu.memory_space<hbm>>, %arg6: memref<10048x128xf32, #tpu.memory_space<vmem_shared>>, %arg7: memref<24x120xi32, #tpu.memory_space<vmem>>, %arg8: memref<120x128xf32, #tpu.memory_space<vmem>>, %arg9: memref<120x128xf32, #tpu.memory_space<vmem>>, %arg10: memref<120x128xf32, #tpu.memory_space<vmem>>, %arg11: memref<!tpu.dma_semaphore, #tpu.memory_space<semaphore_mem>>, %arg12: memref<!tpu.dma_semaphore, #tpu.memory_space<semaphore_mem>>, %arg13: memref<!tpu.dma_semaphore, #tpu.memory_space<semaphore_mem>>, %arg14: memref<!tpu.dma_semaphore, #tpu.memory_space<semaphore_mem>>, %arg15: memref<!tpu.dma_semaphore, #tpu.memory_space<semaphore_mem>>, %arg16: memref<!tpu.dma_semaphore, #tpu.memory_space<semaphore_mem>>) attributes {dimension_semantics = [#tpu.dimension_semantics<core_parallel>, #tpu.dimension_semantics<subcore_parallel>], iteration_bounds = array<i64: 2, 16>, scalar_prefetch = 0 : i64, scratch_operands = 11 : i64, tpu.core_type = #tpu.core_type<sc_vector_subcore>, window_params = [{transform_indices = #map}, {transform_indices = #map}, {transform_indices = #map}, {transform_indices = #map1}]} {
    %mul3A = arith.constant 16 : i32
    %mul3A_0 = arith.muli %arg0, %mul3A : i32
    %add3A = arith.addi %mul3A_0, %arg1 : i32
    %mul3A_1 = arith.constant 624 : i32
    %mul3A_2 = arith.muli %arg1, %mul3A_1 : i32
    %mul3A_3 = arith.constant 624 : i32
    %mul3A_4 = arith.muli %arg1, %mul3A_3 : i32
    "tpu.region"() ({
      %run_scoped3A = tpu.sem_alloc : memref<!tpu.dma_semaphore, #tpu.memory_space<semaphore_mem>>
      %dma_start3A = arith.constant 0 : i32
      %dma_start3A_22 = tpu.memref_slice %arg6[%mul3A_4, %dma_start3A] : memref<10048x128xf32, #tpu.memory_space<vmem_shared>> -> memref<624x128xf32, #tpu.memory_space<vmem_shared>>
      %dma_start3A_23 = arith.constant 0 : i32
      %dma_start3A_24 = tpu.memref_slice %arg4[%mul3A_2, %dma_start3A_23] : memref<10000x128xf32, #tpu.memory_space<hbm>> -> memref<624x128xf32, #tpu.memory_space<hbm>>
      tpu.enqueue_dma source(%dma_start3A_24 : memref<624x128xf32, #tpu.memory_space<hbm>>) target(%dma_start3A_22 : memref<624x128xf32, #tpu.memory_space<vmem_shared>>) target_semaphore(%run_scoped3A : memref<!tpu.dma_semaphore, #tpu.memory_space<semaphore_mem>>)
      %dma_wait3A = arith.constant 0 : i32
      %dma_wait3A_25 = tpu.memref_slice %arg6[%mul3A_4, %dma_wait3A] : memref<10048x128xf32, #tpu.memory_space<vmem_shared>> -> memref<624x128xf32, #tpu.memory_space<vmem_shared>>
      %dma_wait3A_26 = arith.constant 0 : i32
      %dma_wait3A_27 = tpu.memref_slice %arg4[%mul3A_2, %dma_wait3A_26] : memref<10000x128xf32, #tpu.memory_space<hbm>> -> memref<624x128xf32, #tpu.memory_space<hbm>>
      tpu.wait_dma2 semaphore(%run_scoped3A : memref<!tpu.dma_semaphore, #tpu.memory_space<semaphore_mem>>) src(%dma_wait3A_27 : memref<624x128xf32, #tpu.memory_space<hbm>>) dst(%dma_wait3A_25 : memref<624x128xf32, #tpu.memory_space<vmem_shared>>)
      tpu.yield
    }) : () -> ()
    %eq3A = arith.constant 15 : i32
    %eq3A_5 = arith.cmpi eq, %arg1, %eq3A : i32
    %convert_element_type3A = arith.extui %eq3A_5 : i1 to i32
    %cond3A = arith.constant 0 : i32
    %cond3A_6 = arith.cmpi ne, %convert_element_type3A, %cond3A : i32
    scf.if %cond3A_6 {
      "tpu.region"() ({
        %run_scoped3A = tpu.sem_alloc : memref<!tpu.dma_semaphore, #tpu.memory_space<semaphore_mem>>
        %dma_start3A = arith.constant 9984 : i32
        %dma_start3A_22 = arith.constant 0 : i32
        %dma_start3A_23 = tpu.memref_slice %arg6[%dma_start3A, %dma_start3A_22] : memref<10048x128xf32, #tpu.memory_space<vmem_shared>> -> memref<16x128xf32, #tpu.memory_space<vmem_shared>>
        %dma_start3A_24 = arith.constant 9984 : i32
        %dma_start3A_25 = arith.constant 0 : i32
        %dma_start3A_26 = tpu.memref_slice %arg4[%dma_start3A_24, %dma_start3A_25] : memref<10000x128xf32, #tpu.memory_space<hbm>> -> memref<16x128xf32, #tpu.memory_space<hbm>>
        tpu.enqueue_dma source(%dma_start3A_26 : memref<16x128xf32, #tpu.memory_space<hbm>>) target(%dma_start3A_23 : memref<16x128xf32, #tpu.memory_space<vmem_shared>>) target_semaphore(%run_scoped3A : memref<!tpu.dma_semaphore, #tpu.memory_space<semaphore_mem>>)
        %dma_wait3A = arith.constant 9984 : i32
        %dma_wait3A_27 = arith.constant 0 : i32
        %dma_wait3A_28 = tpu.memref_slice %arg6[%dma_wait3A, %dma_wait3A_27] : memref<10048x128xf32, #tpu.memory_space<vmem_shared>> -> memref<16x128xf32, #tpu.memory_space<vmem_shared>>
        %dma_wait3A_29 = arith.constant 9984 : i32
        %dma_wait3A_30 = arith.constant 0 : i32
        %dma_wait3A_31 = tpu.memref_slice %arg4[%dma_wait3A_29, %dma_wait3A_30] : memref<10000x128xf32, #tpu.memory_space<hbm>> -> memref<16x128xf32, #tpu.memory_space<hbm>>
        tpu.wait_dma2 semaphore(%run_scoped3A : memref<!tpu.dma_semaphore, #tpu.memory_space<semaphore_mem>>) src(%dma_wait3A_31 : memref<16x128xf32, #tpu.memory_space<hbm>>) dst(%dma_wait3A_28 : memref<16x128xf32, #tpu.memory_space<vmem_shared>>)
        tpu.yield
      }) : () -> ()
    } else {
    }
    %barrier3A = arith.constant 0 : index
    tpu.barrier barrier_id(%barrier3A)
    %scan3A = arith.constant 0 : i32
    %scan3A_7 = arith.constant 0 : i32
    %scan3A_8 = arith.constant 7 : i32
    %scan3A_9 = arith.addi %scan3A_7, %scan3A_8 : i32
    %scan3A_10 = arith.constant 1 : i32
    scf.for %scan3A_22 = %scan3A_7 to %scan3A_9 step %scan3A_10  : i32 {
      %mul3A_23 = arith.constant 2 : i32
      %mul3A_24 = arith.muli %add3A, %mul3A_23 : i32
      %mul3A_25 = arith.constant 84 : i32
      %mul3A_26 = arith.muli %mul3A_24, %mul3A_25 : i32
      %mul3A_27 = arith.constant 2 : i32
      %mul3A_28 = arith.muli %scan3A_22, %mul3A_27 : i32
      %mul3A_29 = arith.constant 12 : i32
      %mul3A_30 = arith.muli %mul3A_28, %mul3A_29 : i32
      %add3A_31 = arith.addi %mul3A_26, %mul3A_30 : i32
      "tpu.region"() ({
        %run_scoped3A = tpu.sem_alloc : memref<!tpu.dma_semaphore, #tpu.memory_space<semaphore_mem>>
        %dma_start3A = arith.constant 0 : i32
        %dma_start3A_38 = tpu.memref_slice %arg3[%add3A_31, %dma_start3A] : memref<5376x120xi32, #tpu.memory_space<hbm>> -> memref<24x120xi32, #tpu.memory_space<hbm>>
        %dma_start3A_39 = arith.constant 0 : i32
        %dma_start3A_40 = tpu.memref_slice %arg3[%add3A_31, %dma_start3A_39] : memref<5376x120xi32, #tpu.memory_space<hbm>> -> memref<24x120xi32, #tpu.memory_space<hbm>>
        tpu.enqueue_dma source(%dma_start3A_40 : memref<24x120xi32, #tpu.memory_space<hbm>>) target(%arg7 : memref<24x120xi32, #tpu.memory_space<vmem>>) target_semaphore(%run_scoped3A : memref<!tpu.dma_semaphore, #tpu.memory_space<semaphore_mem>>)
        %dma_wait3A = arith.constant 0 : i32
        %dma_wait3A_41 = tpu.memref_slice %arg3[%add3A_31, %dma_wait3A] : memref<5376x120xi32, #tpu.memory_space<hbm>> -> memref<24x120xi32, #tpu.memory_space<hbm>>
        %dma_wait3A_42 = arith.constant 0 : i32
        %dma_wait3A_43 = tpu.memref_slice %arg3[%add3A_31, %dma_wait3A_42] : memref<5376x120xi32, #tpu.memory_space<hbm>> -> memref<24x120xi32, #tpu.memory_space<hbm>>
        tpu.wait_dma2 semaphore(%run_scoped3A : memref<!tpu.dma_semaphore, #tpu.memory_space<semaphore_mem>>) src(%dma_wait3A_43 : memref<24x120xi32, #tpu.memory_space<hbm>>) dst(%arg7 : memref<24x120xi32, #tpu.memory_space<vmem>>)
        tpu.yield
      }) : () -> ()
      %scan3A_32 = arith.constant 0 : i32
      %scan3A_33 = arith.constant 0 : i32
      %scan3A_34 = arith.constant 4 : i32
      %scan3A_35 = arith.addi %scan3A_33, %scan3A_34 : i32
      %scan3A_36 = arith.constant 1 : i32
      scf.for %scan3A_38 = %scan3A_33 to %scan3A_35 step %scan3A_36  : i32 {
        %mul3A_39 = arith.constant 3 : i32
        %mul3A_40 = arith.muli %scan3A_38, %mul3A_39 : i32
        %add3A_41 = arith.constant 0 : i32
        %add3A_42 = arith.addi %mul3A_40, %add3A_41 : i32
        %mul3A_43 = arith.constant 2 : i32
        %mul3A_44 = arith.muli %mul3A_43, %add3A_42 : i32
        %dma_start3A = arith.constant 0 : i32
        %dma_start3A_45 = tpu.memref_slice %arg7[%mul3A_44, %dma_start3A] : memref<24x120xi32, #tpu.memory_space<vmem>> -> memref<1x120xi32, #tpu.memory_space<vmem>>
        %dma_start3A_46 = tpu.memref_squeeze %dma_start3A_45 : memref<1x120xi32, #tpu.memory_space<vmem>> -> memref<120xi32, #tpu.memory_space<vmem>>
        %dma_start3A_47 = arith.constant 0 : i32
        %dma_start3A_48 = arith.constant 0 : i32
        %dma_start3A_49 = tpu.memref_slice %arg2[%dma_start3A_47, %dma_start3A_48] : memref<10000x128xf32, #tpu.memory_space<hbm>> -> memref<10000x128xf32, #tpu.memory_space<hbm>>
        tpu.enqueue_indirect_dma source(%dma_start3A_49 : memref<10000x128xf32, #tpu.memory_space<hbm>>) target(%arg8 : memref<120x128xf32, #tpu.memory_space<vmem>>) offsets(%dma_start3A_46 : memref<120xi32, #tpu.memory_space<vmem>>) semaphore(%arg11 : memref<!tpu.dma_semaphore, #tpu.memory_space<semaphore_mem>>)
        %mul3A_50 = arith.constant 3 : i32
        %mul3A_51 = arith.muli %scan3A_38, %mul3A_50 : i32
        %add3A_52 = arith.constant 1 : i32
        %add3A_53 = arith.addi %mul3A_51, %add3A_52 : i32
        %mul3A_54 = arith.constant 2 : i32
        %mul3A_55 = arith.muli %mul3A_54, %add3A_53 : i32
        %dma_start3A_56 = arith.constant 0 : i32
        %dma_start3A_57 = tpu.memref_slice %arg7[%mul3A_55, %dma_start3A_56] : memref<24x120xi32, #tpu.memory_space<vmem>> -> memref<1x120xi32, #tpu.memory_space<vmem>>
        %dma_start3A_58 = tpu.memref_squeeze %dma_start3A_57 : memref<1x120xi32, #tpu.memory_space<vmem>> -> memref<120xi32, #tpu.memory_space<vmem>>
        %dma_start3A_59 = arith.constant 0 : i32
        %dma_start3A_60 = arith.constant 0 : i32
        %dma_start3A_61 = tpu.memref_slice %arg2[%dma_start3A_59, %dma_start3A_60] : memref<10000x128xf32, #tpu.memory_space<hbm>> -> memref<10000x128xf32, #tpu.memory_space<hbm>>
        tpu.enqueue_indirect_dma source(%dma_start3A_61 : memref<10000x128xf32, #tpu.memory_space<hbm>>) target(%arg9 : memref<120x128xf32, #tpu.memory_space<vmem>>) offsets(%dma_start3A_58 : memref<120xi32, #tpu.memory_space<vmem>>) semaphore(%arg12 : memref<!tpu.dma_semaphore, #tpu.memory_space<semaphore_mem>>)
        %mul3A_62 = arith.constant 3 : i32
        %mul3A_63 = arith.muli %scan3A_38, %mul3A_62 : i32
        %add3A_64 = arith.constant 2 : i32
        %add3A_65 = arith.addi %mul3A_63, %add3A_64 : i32
        %mul3A_66 = arith.constant 2 : i32
        %mul3A_67 = arith.muli %mul3A_66, %add3A_65 : i32
        %dma_start3A_68 = arith.constant 0 : i32
        %dma_start3A_69 = tpu.memref_slice %arg7[%mul3A_67, %dma_start3A_68] : memref<24x120xi32, #tpu.memory_space<vmem>> -> memref<1x120xi32, #tpu.memory_space<vmem>>
        %dma_start3A_70 = tpu.memref_squeeze %dma_start3A_69 : memref<1x120xi32, #tpu.memory_space<vmem>> -> memref<120xi32, #tpu.memory_space<vmem>>
        %dma_start3A_71 = arith.constant 0 : i32
        %dma_start3A_72 = arith.constant 0 : i32
        %dma_start3A_73 = tpu.memref_slice %arg2[%dma_start3A_71, %dma_start3A_72] : memref<10000x128xf32, #tpu.memory_space<hbm>> -> memref<10000x128xf32, #tpu.memory_space<hbm>>
        tpu.enqueue_indirect_dma source(%dma_start3A_73 : memref<10000x128xf32, #tpu.memory_space<hbm>>) target(%arg10 : memref<120x128xf32, #tpu.memory_space<vmem>>) offsets(%dma_start3A_70 : memref<120xi32, #tpu.memory_space<vmem>>) semaphore(%arg13 : memref<!tpu.dma_semaphore, #tpu.memory_space<semaphore_mem>>)
        %mul3A_74 = arith.constant 3 : i32
        %mul3A_75 = arith.muli %scan3A_38, %mul3A_74 : i32
        %add3A_76 = arith.constant 0 : i32
        %add3A_77 = arith.addi %mul3A_75, %add3A_76 : i32
        %mul3A_78 = arith.constant 2 : i32
        %mul3A_79 = arith.muli %mul3A_78, %add3A_77 : i32
        %dma_wait3A = arith.constant 0 : i32
        %dma_wait3A_80 = tpu.memref_slice %arg7[%mul3A_79, %dma_wait3A] : memref<24x120xi32, #tpu.memory_space<vmem>> -> memref<1x120xi32, #tpu.memory_space<vmem>>
        %dma_wait3A_81 = tpu.memref_squeeze %dma_wait3A_80 : memref<1x120xi32, #tpu.memory_space<vmem>> -> memref<120xi32, #tpu.memory_space<vmem>>
        %dma_wait3A_82 = arith.constant 0 : i32
        %dma_wait3A_83 = arith.constant 0 : i32
        %dma_wait3A_84 = tpu.memref_slice %arg2[%dma_wait3A_82, %dma_wait3A_83] : memref<10000x128xf32, #tpu.memory_space<hbm>> -> memref<10000x128xf32, #tpu.memory_space<hbm>>
        tpu.wait_indirect_dma semaphore(%arg11 : memref<!tpu.dma_semaphore, #tpu.memory_space<semaphore_mem>>) src(%dma_wait3A_84 : memref<10000x128xf32, #tpu.memory_space<hbm>>) dst(%arg8 : memref<120x128xf32, #tpu.memory_space<vmem>>)
        %mul3A_85 = arith.constant 2 : i32
        %mul3A_86 = arith.muli %mul3A_85, %add3A_77 : i32
        %add3A_87 = arith.constant 1 : i32
        %add3A_88 = arith.addi %mul3A_86, %add3A_87 : i32
        "tpu.region"() ({
          %run_scoped3A = tpu.sem_alloc : memref<!tpu.dma_semaphore, #tpu.memory_space<semaphore_mem>>
          %dma_start3A_121 = arith.constant 0 : i32
          %dma_start3A_122 = tpu.memref_slice %arg7[%add3A_88, %dma_start3A_121] : memref<24x120xi32, #tpu.memory_space<vmem>> -> memref<1x120xi32, #tpu.memory_space<vmem>>
          %dma_start3A_123 = tpu.memref_squeeze %dma_start3A_122 : memref<1x120xi32, #tpu.memory_space<vmem>> -> memref<120xi32, #tpu.memory_space<vmem>>
          %dma_start3A_124 = arith.constant 0 : i32
          %dma_start3A_125 = arith.constant 0 : i32
          %dma_start3A_126 = tpu.memref_slice %arg6[%dma_start3A_124, %dma_start3A_125] : memref<10048x128xf32, #tpu.memory_space<vmem_shared>> -> memref<10048x128xf32, #tpu.memory_space<vmem_shared>>
          tpu.enqueue_indirect_dma source(%arg8 : memref<120x128xf32, #tpu.memory_space<vmem>>) target(%dma_start3A_126 : memref<10048x128xf32, #tpu.memory_space<vmem_shared>>) offsets(%dma_start3A_123 : memref<120xi32, #tpu.memory_space<vmem>>) semaphore(%run_scoped3A : memref<!tpu.dma_semaphore, #tpu.memory_space<semaphore_mem>>) {add = true}
          %dma_wait3A_127 = arith.constant 0 : i32
          %dma_wait3A_128 = tpu.memref_slice %arg7[%add3A_88, %dma_wait3A_127] : memref<24x120xi32, #tpu.memory_space<vmem>> -> memref<1x120xi32, #tpu.memory_space<vmem>>
          %dma_wait3A_129 = tpu.memref_squeeze %dma_wait3A_128 : memref<1x120xi32, #tpu.memory_space<vmem>> -> memref<120xi32, #tpu.memory_space<vmem>>
          %dma_wait3A_130 = arith.constant 0 : i32
          %dma_wait3A_131 = arith.constant 0 : i32
          %dma_wait3A_132 = tpu.memref_slice %arg6[%dma_wait3A_130, %dma_wait3A_131] : memref<10048x128xf32, #tpu.memory_space<vmem_shared>> -> memref<10048x128xf32, #tpu.memory_space<vmem_shared>>
          tpu.wait_indirect_dma semaphore(%run_scoped3A : memref<!tpu.dma_semaphore, #tpu.memory_space<semaphore_mem>>) src(%arg8 : memref<120x128xf32, #tpu.memory_space<vmem>>) dst(%dma_wait3A_132 : memref<10048x128xf32, #tpu.memory_space<vmem_shared>>)
          tpu.yield
        }) : () -> ()
        %mul3A_89 = arith.constant 3 : i32
        %mul3A_90 = arith.muli %scan3A_38, %mul3A_89 : i32
        %add3A_91 = arith.constant 1 : i32
        %add3A_92 = arith.addi %mul3A_90, %add3A_91 : i32
        %mul3A_93 = arith.constant 2 : i32
        %mul3A_94 = arith.muli %mul3A_93, %add3A_92 : i32
        %dma_wait3A_95 = arith.constant 0 : i32
        %dma_wait3A_96 = tpu.memref_slice %arg7[%mul3A_94, %dma_wait3A_95] : memref<24x120xi32, #tpu.memory_space<vmem>> -> memref<1x120xi32, #tpu.memory_space<vmem>>
        %dma_wait3A_97 = tpu.memref_squeeze %dma_wait3A_96 : memref<1x120xi32, #tpu.memory_space<vmem>> -> memref<120xi32, #tpu.memory_space<vmem>>
        %dma_wait3A_98 = arith.constant 0 : i32
        %dma_wait3A_99 = arith.constant 0 : i32
        %dma_wait3A_100 = tpu.memref_slice %arg2[%dma_wait3A_98, %dma_wait3A_99] : memref<10000x128xf32, #tpu.memory_space<hbm>> -> memref<10000x128xf32, #tpu.memory_space<hbm>>
        tpu.wait_indirect_dma semaphore(%arg12 : memref<!tpu.dma_semaphore, #tpu.memory_space<semaphore_mem>>) src(%dma_wait3A_100 : memref<10000x128xf32, #tpu.memory_space<hbm>>) dst(%arg9 : memref<120x128xf32, #tpu.memory_space<vmem>>)
        %mul3A_101 = arith.constant 2 : i32
        %mul3A_102 = arith.muli %mul3A_101, %add3A_92 : i32
        %add3A_103 = arith.constant 1 : i32
        %add3A_104 = arith.addi %mul3A_102, %add3A_103 : i32
        "tpu.region"() ({
          %run_scoped3A = tpu.sem_alloc : memref<!tpu.dma_semaphore, #tpu.memory_space<semaphore_mem>>
          %dma_start3A_121 = arith.constant 0 : i32
          %dma_start3A_122 = tpu.memref_slice %arg7[%add3A_104, %dma_start3A_121] : memref<24x120xi32, #tpu.memory_space<vmem>> -> memref<1x120xi32, #tpu.memory_space<vmem>>
          %dma_start3A_123 = tpu.memref_squeeze %dma_start3A_122 : memref<1x120xi32, #tpu.memory_space<vmem>> -> memref<120xi32, #tpu.memory_space<vmem>>
          %dma_start3A_124 = arith.constant 0 : i32
          %dma_start3A_125 = arith.constant 0 : i32
          %dma_start3A_126 = tpu.memref_slice %arg6[%dma_start3A_124, %dma_start3A_125] : memref<10048x128xf32, #tpu.memory_space<vmem_shared>> -> memref<10048x128xf32, #tpu.memory_space<vmem_shared>>
          tpu.enqueue_indirect_dma source(%arg9 : memref<120x128xf32, #tpu.memory_space<vmem>>) target(%dma_start3A_126 : memref<10048x128xf32, #tpu.memory_space<vmem_shared>>) offsets(%dma_start3A_123 : memref<120xi32, #tpu.memory_space<vmem>>) semaphore(%run_scoped3A : memref<!tpu.dma_semaphore, #tpu.memory_space<semaphore_mem>>) {add = true}
          %dma_wait3A_127 = arith.constant 0 : i32
          %dma_wait3A_128 = tpu.memref_slice %arg7[%add3A_104, %dma_wait3A_127] : memref<24x120xi32, #tpu.memory_space<vmem>> -> memref<1x120xi32, #tpu.memory_space<vmem>>
          %dma_wait3A_129 = tpu.memref_squeeze %dma_wait3A_128 : memref<1x120xi32, #tpu.memory_space<vmem>> -> memref<120xi32, #tpu.memory_space<vmem>>
          %dma_wait3A_130 = arith.constant 0 : i32
          %dma_wait3A_131 = arith.constant 0 : i32
          %dma_wait3A_132 = tpu.memref_slice %arg6[%dma_wait3A_130, %dma_wait3A_131] : memref<10048x128xf32, #tpu.memory_space<vmem_shared>> -> memref<10048x128xf32, #tpu.memory_space<vmem_shared>>
          tpu.wait_indirect_dma semaphore(%run_scoped3A : memref<!tpu.dma_semaphore, #tpu.memory_space<semaphore_mem>>) src(%arg9 : memref<120x128xf32, #tpu.memory_space<vmem>>) dst(%dma_wait3A_132 : memref<10048x128xf32, #tpu.memory_space<vmem_shared>>)
          tpu.yield
        }) : () -> ()
        %mul3A_105 = arith.constant 3 : i32
        %mul3A_106 = arith.muli %scan3A_38, %mul3A_105 : i32
        %add3A_107 = arith.constant 2 : i32
        %add3A_108 = arith.addi %mul3A_106, %add3A_107 : i32
        %mul3A_109 = arith.constant 2 : i32
        %mul3A_110 = arith.muli %mul3A_109, %add3A_108 : i32
        %dma_wait3A_111 = arith.constant 0 : i32
        %dma_wait3A_112 = tpu.memref_slice %arg7[%mul3A_110, %dma_wait3A_111] : memref<24x120xi32, #tpu.memory_space<vmem>> -> memref<1x120xi32, #tpu.memory_space<vmem>>
        %dma_wait3A_113 = tpu.memref_squeeze %dma_wait3A_112 : memref<1x120xi32, #tpu.memory_space<vmem>> -> memref<120xi32, #tpu.memory_space<vmem>>
        %dma_wait3A_114 = arith.constant 0 : i32
        %dma_wait3A_115 = arith.constant 0 : i32
        %dma_wait3A_116 = tpu.memref_slice %arg2[%dma_wait3A_114, %dma_wait3A_115] : memref<10000x128xf32, #tpu.memory_space<hbm>> -> memref<10000x128xf32, #tpu.memory_space<hbm>>
        tpu.wait_indirect_dma semaphore(%arg13 : memref<!tpu.dma_semaphore, #tpu.memory_space<semaphore_mem>>) src(%dma_wait3A_116 : memref<10000x128xf32, #tpu.memory_space<hbm>>) dst(%arg10 : memref<120x128xf32, #tpu.memory_space<vmem>>)
        %mul3A_117 = arith.constant 2 : i32
        %mul3A_118 = arith.muli %mul3A_117, %add3A_108 : i32
        %add3A_119 = arith.constant 1 : i32
        %add3A_120 = arith.addi %mul3A_118, %add3A_119 : i32
        "tpu.region"() ({
          %run_scoped3A = tpu.sem_alloc : memref<!tpu.dma_semaphore, #tpu.memory_space<semaphore_mem>>
          %dma_start3A_121 = arith.constant 0 : i32
          %dma_start3A_122 = tpu.memref_slice %arg7[%add3A_120, %dma_start3A_121] : memref<24x120xi32, #tpu.memory_space<vmem>> -> memref<1x120xi32, #tpu.memory_space<vmem>>
          %dma_start3A_123 = tpu.memref_squeeze %dma_start3A_122 : memref<1x120xi32, #tpu.memory_space<vmem>> -> memref<120xi32, #tpu.memory_space<vmem>>
          %dma_start3A_124 = arith.constant 0 : i32
          %dma_start3A_125 = arith.constant 0 : i32
          %dma_start3A_126 = tpu.memref_slice %arg6[%dma_start3A_124, %dma_start3A_125] : memref<10048x128xf32, #tpu.memory_space<vmem_shared>> -> memref<10048x128xf32, #tpu.memory_space<vmem_shared>>
          tpu.enqueue_indirect_dma source(%arg10 : memref<120x128xf32, #tpu.memory_space<vmem>>) target(%dma_start3A_126 : memref<10048x128xf32, #tpu.memory_space<vmem_shared>>) offsets(%dma_start3A_123 : memref<120xi32, #tpu.memory_space<vmem>>) semaphore(%run_scoped3A : memref<!tpu.dma_semaphore, #tpu.memory_space<semaphore_mem>>) {add = true}
          %dma_wait3A_127 = arith.constant 0 : i32
          %dma_wait3A_128 = tpu.memref_slice %arg7[%add3A_120, %dma_wait3A_127] : memref<24x120xi32, #tpu.memory_space<vmem>> -> memref<1x120xi32, #tpu.memory_space<vmem>>
          %dma_wait3A_129 = tpu.memref_squeeze %dma_wait3A_128 : memref<1x120xi32, #tpu.memory_space<vmem>> -> memref<120xi32, #tpu.memory_space<vmem>>
          %dma_wait3A_130 = arith.constant 0 : i32
          %dma_wait3A_131 = arith.constant 0 : i32
          %dma_wait3A_132 = tpu.memref_slice %arg6[%dma_wait3A_130, %dma_wait3A_131] : memref<10048x128xf32, #tpu.memory_space<vmem_shared>> -> memref<10048x128xf32, #tpu.memory_space<vmem_shared>>
          tpu.wait_indirect_dma semaphore(%run_scoped3A : memref<!tpu.dma_semaphore, #tpu.memory_space<semaphore_mem>>) src(%arg10 : memref<120x128xf32, #tpu.memory_space<vmem>>) dst(%dma_wait3A_132 : memref<10048x128xf32, #tpu.memory_space<vmem_shared>>)
          tpu.yield
        }) : () -> ()
      }
      %scan3A_37 = arith.constant 4 : i32
    }
    %scan3A_11 = arith.constant 7 : i32
    %barrier3A_12 = arith.constant 0 : index
    tpu.barrier barrier_id(%barrier3A_12)
    %mul3A_13 = arith.constant 624 : i32
    %mul3A_14 = arith.muli %arg1, %mul3A_13 : i32
    %mul3A_15 = arith.constant 624 : i32
    %mul3A_16 = arith.muli %arg1, %mul3A_15 : i32
    "tpu.region"() ({
      %run_scoped3A = tpu.sem_alloc : memref<!tpu.dma_semaphore, #tpu.memory_space<semaphore_mem>>
      %dma_start3A = arith.constant 0 : i32
      %dma_start3A_22 = tpu.memref_slice %arg5[%arg0, %mul3A_16, %dma_start3A] : memref<2x10000x128xf32, #tpu.memory_space<hbm>> -> memref<1x624x128xf32, #tpu.memory_space<hbm>>
      %dma_start3A_23 = tpu.memref_squeeze %dma_start3A_22 : memref<1x624x128xf32, #tpu.memory_space<hbm>> -> memref<624x128xf32, #tpu.memory_space<hbm>>
      %dma_start3A_24 = arith.constant 0 : i32
      %dma_start3A_25 = tpu.memref_slice %arg6[%mul3A_14, %dma_start3A_24] : memref<10048x128xf32, #tpu.memory_space<vmem_shared>> -> memref<624x128xf32, #tpu.memory_space<vmem_shared>>
      tpu.enqueue_dma source(%dma_start3A_25 : memref<624x128xf32, #tpu.memory_space<vmem_shared>>) target(%dma_start3A_23 : memref<624x128xf32, #tpu.memory_space<hbm>>) target_semaphore(%run_scoped3A : memref<!tpu.dma_semaphore, #tpu.memory_space<semaphore_mem>>)
      %dma_wait3A = arith.constant 0 : i32
      %dma_wait3A_26 = tpu.memref_slice %arg5[%arg0, %mul3A_16, %dma_wait3A] : memref<2x10000x128xf32, #tpu.memory_space<hbm>> -> memref<1x624x128xf32, #tpu.memory_space<hbm>>
      %dma_wait3A_27 = tpu.memref_squeeze %dma_wait3A_26 : memref<1x624x128xf32, #tpu.memory_space<hbm>> -> memref<624x128xf32, #tpu.memory_space<hbm>>
      %dma_wait3A_28 = arith.constant 0 : i32
      %dma_wait3A_29 = tpu.memref_slice %arg6[%mul3A_14, %dma_wait3A_28] : memref<10048x128xf32, #tpu.memory_space<vmem_shared>> -> memref<624x128xf32, #tpu.memory_space<vmem_shared>>
      tpu.wait_dma2 semaphore(%run_scoped3A : memref<!tpu.dma_semaphore, #tpu.memory_space<semaphore_mem>>) src(%dma_wait3A_29 : memref<624x128xf32, #tpu.memory_space<vmem_shared>>) dst(%dma_wait3A_27 : memref<624x128xf32, #tpu.memory_space<hbm>>)
      tpu.yield
    }) : () -> ()
    %eq3A_17 = arith.constant 15 : i32
    %eq3A_18 = arith.cmpi eq, %arg1, %eq3A_17 : i32
    %convert_element_type3A_19 = arith.extui %eq3A_18 : i1 to i32
    %cond3A_20 = arith.constant 0 : i32
    %cond3A_21 = arith.cmpi ne, %convert_element_type3A_19, %cond3A_20 : i32
    scf.if %cond3A_21 {
      "tpu.region"() ({
        %run_scoped3A = tpu.sem_alloc : memref<!tpu.dma_semaphore, #tpu.memory_space<semaphore_mem>>
        %dma_start3A = arith.constant 9984 : i32
        %dma_start3A_22 = arith.constant 0 : i32
        %dma_start3A_23 = tpu.memref_slice %arg5[%arg0, %dma_start3A, %dma_start3A_22] : memref<2x10000x128xf32, #tpu.memory_space<hbm>> -> memref<1x16x128xf32, #tpu.memory_space<hbm>>
        %dma_start3A_24 = tpu.memref_squeeze %dma_start3A_23 : memref<1x16x128xf32, #tpu.memory_space<hbm>> -> memref<16x128xf32, #tpu.memory_space<hbm>>
        %dma_start3A_25 = arith.constant 9984 : i32
        %dma_start3A_26 = arith.constant 0 : i32
        %dma_start3A_27 = tpu.memref_slice %arg6[%dma_start3A_25, %dma_start3A_26] : memref<10048x128xf32, #tpu.memory_space<vmem_shared>> -> memref<16x128xf32, #tpu.memory_space<vmem_shared>>
        tpu.enqueue_dma source(%dma_start3A_27 : memref<16x128xf32, #tpu.memory_space<vmem_shared>>) target(%dma_start3A_24 : memref<16x128xf32, #tpu.memory_space<hbm>>) target_semaphore(%run_scoped3A : memref<!tpu.dma_semaphore, #tpu.memory_space<semaphore_mem>>)
        %dma_wait3A = arith.constant 9984 : i32
        %dma_wait3A_28 = arith.constant 0 : i32
        %dma_wait3A_29 = tpu.memref_slice %arg5[%arg0, %dma_wait3A, %dma_wait3A_28] : memref<2x10000x128xf32, #tpu.memory_space<hbm>> -> memref<1x16x128xf32, #tpu.memory_space<hbm>>
        %dma_wait3A_30 = tpu.memref_squeeze %dma_wait3A_29 : memref<1x16x128xf32, #tpu.memory_space<hbm>> -> memref<16x128xf32, #tpu.memory_space<hbm>>
        %dma_wait3A_31 = arith.constant 9984 : i32
        %dma_wait3A_32 = arith.constant 0 : i32
        %dma_wait3A_33 = tpu.memref_slice %arg6[%dma_wait3A_31, %dma_wait3A_32] : memref<10048x128xf32, #tpu.memory_space<vmem_shared>> -> memref<16x128xf32, #tpu.memory_space<vmem_shared>>
        tpu.wait_dma2 semaphore(%run_scoped3A : memref<!tpu.dma_semaphore, #tpu.memory_space<semaphore_mem>>) src(%dma_wait3A_33 : memref<16x128xf32, #tpu.memory_space<vmem_shared>>) dst(%dma_wait3A_30 : memref<16x128xf32, #tpu.memory_space<hbm>>)
        tpu.yield
      }) : () -> ()
    } else {
    }
    return
  }
}

#map = affine_map<(d0, d1) -> (0, 0)>
#map1 = affine_map<(d0, d1) -> (0, 0, 0)>
module attributes {stable_mosaic.version = 14 : i64} {
  func.func @agg(%arg0: i32, %arg1: i32, %arg2: memref<10000x128xf32, #tpu.memory_space<hbm>>, %arg3: memref<5376x120xi32, #tpu.memory_space<hbm>>, %arg4: memref<10000x128xf32, #tpu.memory_space<hbm>>, %arg5: memref<2x10000x128xf32, #tpu.memory_space<hbm>>, %arg6: memref<10048x128xf32, #tpu.memory_space<vmem_shared>>, %arg7: memref<24x120xi32, #tpu.memory_space<vmem>>, %arg8: memref<120x128xf32, #tpu.memory_space<vmem>>, %arg9: memref<120x128xf32, #tpu.memory_space<vmem>>, %arg10: memref<120x128xf32, #tpu.memory_space<vmem>>, %arg11: memref<!tpu.dma_semaphore, #tpu.memory_space<semaphore_mem>>, %arg12: memref<!tpu.dma_semaphore, #tpu.memory_space<semaphore_mem>>, %arg13: memref<!tpu.dma_semaphore, #tpu.memory_space<semaphore_mem>>, %arg14: memref<!tpu.dma_semaphore, #tpu.memory_space<semaphore_mem>>, %arg15: memref<!tpu.dma_semaphore, #tpu.memory_space<semaphore_mem>>, %arg16: memref<!tpu.dma_semaphore, #tpu.memory_space<semaphore_mem>>) attributes {dimension_semantics = [#tpu.dimension_semantics<core_parallel>, #tpu.dimension_semantics<subcore_parallel>], iteration_bounds = array<i64: 2, 16>, scalar_prefetch = 0 : i64, scratch_operands = 11 : i64, tpu.core_type = #tpu.core_type<sc_vector_subcore>, window_params = [{transform_indices = #map}, {transform_indices = #map}, {transform_indices = #map}, {transform_indices = #map1}]} {
    %mul3A = arith.constant 16 : i32
    %mul3A_0 = arith.muli %arg0, %mul3A : i32
    %add3A = arith.addi %mul3A_0, %arg1 : i32
    %mul3A_1 = arith.constant 624 : i32
    %mul3A_2 = arith.muli %arg1, %mul3A_1 : i32
    %mul3A_3 = arith.constant 624 : i32
    %mul3A_4 = arith.muli %arg1, %mul3A_3 : i32
    "tpu.region"() ({
      %run_scoped3A = tpu.sem_alloc : memref<!tpu.dma_semaphore, #tpu.memory_space<semaphore_mem>>
      %dma_start3A = arith.constant 0 : i32
      %dma_start3A_22 = tpu.memref_slice %arg6[%mul3A_4, %dma_start3A] : memref<10048x128xf32, #tpu.memory_space<vmem_shared>> -> memref<624x128xf32, #tpu.memory_space<vmem_shared>>
      %dma_start3A_23 = arith.constant 0 : i32
      %dma_start3A_24 = tpu.memref_slice %arg4[%mul3A_2, %dma_start3A_23] : memref<10000x128xf32, #tpu.memory_space<hbm>> -> memref<624x128xf32, #tpu.memory_space<hbm>>
      tpu.enqueue_dma source(%dma_start3A_24 : memref<624x128xf32, #tpu.memory_space<hbm>>) target(%dma_start3A_22 : memref<624x128xf32, #tpu.memory_space<vmem_shared>>) target_semaphore(%run_scoped3A : memref<!tpu.dma_semaphore, #tpu.memory_space<semaphore_mem>>)
      %dma_wait3A = arith.constant 0 : i32
      %dma_wait3A_25 = tpu.memref_slice %arg6[%mul3A_4, %dma_wait3A] : memref<10048x128xf32, #tpu.memory_space<vmem_shared>> -> memref<624x128xf32, #tpu.memory_space<vmem_shared>>
      %dma_wait3A_26 = arith.constant 0 : i32
      %dma_wait3A_27 = tpu.memref_slice %arg4[%mul3A_2, %dma_wait3A_26] : memref<10000x128xf32, #tpu.memory_space<hbm>> -> memref<624x128xf32, #tpu.memory_space<hbm>>
      tpu.wait_dma2 semaphore(%run_scoped3A : memref<!tpu.dma_semaphore, #tpu.memory_space<semaphore_mem>>) src(%dma_wait3A_27 : memref<624x128xf32, #tpu.memory_space<hbm>>) dst(%dma_wait3A_25 : memref<624x128xf32, #tpu.memory_space<vmem_shared>>)
      tpu.yield
    }) : () -> ()
    %eq3A = arith.constant 15 : i32
    %eq3A_5 = arith.cmpi eq, %arg1, %eq3A : i32
    %convert_element_type3A = arith.extui %eq3A_5 : i1 to i32
    %cond3A = arith.constant 0 : i32
    %cond3A_6 = arith.cmpi ne, %convert_element_type3A, %cond3A : i32
    scf.if %cond3A_6 {
      "tpu.region"() ({
        %run_scoped3A = tpu.sem_alloc : memref<!tpu.dma_semaphore, #tpu.memory_space<semaphore_mem>>
        %dma_start3A = arith.constant 9984 : i32
        %dma_start3A_22 = arith.constant 0 : i32
        %dma_start3A_23 = tpu.memref_slice %arg6[%dma_start3A, %dma_start3A_22] : memref<10048x128xf32, #tpu.memory_space<vmem_shared>> -> memref<16x128xf32, #tpu.memory_space<vmem_shared>>
        %dma_start3A_24 = arith.constant 9984 : i32
        %dma_start3A_25 = arith.constant 0 : i32
        %dma_start3A_26 = tpu.memref_slice %arg4[%dma_start3A_24, %dma_start3A_25] : memref<10000x128xf32, #tpu.memory_space<hbm>> -> memref<16x128xf32, #tpu.memory_space<hbm>>
        tpu.enqueue_dma source(%dma_start3A_26 : memref<16x128xf32, #tpu.memory_space<hbm>>) target(%dma_start3A_23 : memref<16x128xf32, #tpu.memory_space<vmem_shared>>) target_semaphore(%run_scoped3A : memref<!tpu.dma_semaphore, #tpu.memory_space<semaphore_mem>>)
        %dma_wait3A = arith.constant 9984 : i32
        %dma_wait3A_27 = arith.constant 0 : i32
        %dma_wait3A_28 = tpu.memref_slice %arg6[%dma_wait3A, %dma_wait3A_27] : memref<10048x128xf32, #tpu.memory_space<vmem_shared>> -> memref<16x128xf32, #tpu.memory_space<vmem_shared>>
        %dma_wait3A_29 = arith.constant 9984 : i32
        %dma_wait3A_30 = arith.constant 0 : i32
        %dma_wait3A_31 = tpu.memref_slice %arg4[%dma_wait3A_29, %dma_wait3A_30] : memref<10000x128xf32, #tpu.memory_space<hbm>> -> memref<16x128xf32, #tpu.memory_space<hbm>>
        tpu.wait_dma2 semaphore(%run_scoped3A : memref<!tpu.dma_semaphore, #tpu.memory_space<semaphore_mem>>) src(%dma_wait3A_31 : memref<16x128xf32, #tpu.memory_space<hbm>>) dst(%dma_wait3A_28 : memref<16x128xf32, #tpu.memory_space<vmem_shared>>)
        tpu.yield
      }) : () -> ()
    } else {
    }
    %barrier3A = arith.constant 0 : index
    tpu.barrier barrier_id(%barrier3A)
    %scan3A = arith.constant 0 : i32
    %scan3A_7 = arith.constant 0 : i32
    %scan3A_8 = arith.constant 7 : i32
    %scan3A_9 = arith.addi %scan3A_7, %scan3A_8 : i32
    %scan3A_10 = arith.constant 1 : i32
    scf.for %scan3A_22 = %scan3A_7 to %scan3A_9 step %scan3A_10  : i32 {
      %mul3A_23 = arith.constant 2 : i32
      %mul3A_24 = arith.muli %add3A, %mul3A_23 : i32
      %mul3A_25 = arith.constant 84 : i32
      %mul3A_26 = arith.muli %mul3A_24, %mul3A_25 : i32
      %mul3A_27 = arith.constant 2 : i32
      %mul3A_28 = arith.muli %scan3A_22, %mul3A_27 : i32
      %mul3A_29 = arith.constant 12 : i32
      %mul3A_30 = arith.muli %mul3A_28, %mul3A_29 : i32
      %add3A_31 = arith.addi %mul3A_26, %mul3A_30 : i32
      "tpu.region"() ({
        %run_scoped3A = tpu.sem_alloc : memref<!tpu.dma_semaphore, #tpu.memory_space<semaphore_mem>>
        %dma_start3A = arith.constant 0 : i32
        %dma_start3A_38 = tpu.memref_slice %arg3[%add3A_31, %dma_start3A] : memref<5376x120xi32, #tpu.memory_space<hbm>> -> memref<24x120xi32, #tpu.memory_space<hbm>>
        %dma_start3A_39 = arith.constant 0 : i32
        %dma_start3A_40 = tpu.memref_slice %arg3[%add3A_31, %dma_start3A_39] : memref<5376x120xi32, #tpu.memory_space<hbm>> -> memref<24x120xi32, #tpu.memory_space<hbm>>
        tpu.enqueue_dma source(%dma_start3A_40 : memref<24x120xi32, #tpu.memory_space<hbm>>) target(%arg7 : memref<24x120xi32, #tpu.memory_space<vmem>>) target_semaphore(%run_scoped3A : memref<!tpu.dma_semaphore, #tpu.memory_space<semaphore_mem>>)
        %dma_wait3A = arith.constant 0 : i32
        %dma_wait3A_41 = tpu.memref_slice %arg3[%add3A_31, %dma_wait3A] : memref<5376x120xi32, #tpu.memory_space<hbm>> -> memref<24x120xi32, #tpu.memory_space<hbm>>
        %dma_wait3A_42 = arith.constant 0 : i32
        %dma_wait3A_43 = tpu.memref_slice %arg3[%add3A_31, %dma_wait3A_42] : memref<5376x120xi32, #tpu.memory_space<hbm>> -> memref<24x120xi32, #tpu.memory_space<hbm>>
        tpu.wait_dma2 semaphore(%run_scoped3A : memref<!tpu.dma_semaphore, #tpu.memory_space<semaphore_mem>>) src(%dma_wait3A_43 : memref<24x120xi32, #tpu.memory_space<hbm>>) dst(%arg7 : memref<24x120xi32, #tpu.memory_space<vmem>>)
        tpu.yield
      }) : () -> ()
      %scan3A_32 = arith.constant 0 : i32
      %scan3A_33 = arith.constant 0 : i32
      %scan3A_34 = arith.constant 4 : i32
      %scan3A_35 = arith.addi %scan3A_33, %scan3A_34 : i32
      %scan3A_36 = arith.constant 1 : i32
      scf.for %scan3A_38 = %scan3A_33 to %scan3A_35 step %scan3A_36  : i32 {
        %mul3A_39 = arith.constant 3 : i32
        %mul3A_40 = arith.muli %scan3A_38, %mul3A_39 : i32
        %add3A_41 = arith.constant 0 : i32
        %add3A_42 = arith.addi %mul3A_40, %add3A_41 : i32
        %mul3A_43 = arith.constant 2 : i32
        %mul3A_44 = arith.muli %mul3A_43, %add3A_42 : i32
        %dma_start3A = arith.constant 0 : i32
        %dma_start3A_45 = tpu.memref_slice %arg7[%mul3A_44, %dma_start3A] : memref<24x120xi32, #tpu.memory_space<vmem>> -> memref<1x120xi32, #tpu.memory_space<vmem>>
        %dma_start3A_46 = tpu.memref_squeeze %dma_start3A_45 : memref<1x120xi32, #tpu.memory_space<vmem>> -> memref<120xi32, #tpu.memory_space<vmem>>
        %dma_start3A_47 = arith.constant 0 : i32
        %dma_start3A_48 = arith.constant 0 : i32
        %dma_start3A_49 = tpu.memref_slice %arg2[%dma_start3A_47, %dma_start3A_48] : memref<10000x128xf32, #tpu.memory_space<hbm>> -> memref<10000x128xf32, #tpu.memory_space<hbm>>
        tpu.enqueue_indirect_dma source(%dma_start3A_49 : memref<10000x128xf32, #tpu.memory_space<hbm>>) target(%arg8 : memref<120x128xf32, #tpu.memory_space<vmem>>) offsets(%dma_start3A_46 : memref<120xi32, #tpu.memory_space<vmem>>) semaphore(%arg11 : memref<!tpu.dma_semaphore, #tpu.memory_space<semaphore_mem>>)
        %mul3A_50 = arith.constant 3 : i32
        %mul3A_51 = arith.muli %scan3A_38, %mul3A_50 : i32
        %add3A_52 = arith.constant 1 : i32
        %add3A_53 = arith.addi %mul3A_51, %add3A_52 : i32
        %mul3A_54 = arith.constant 2 : i32
        %mul3A_55 = arith.muli %mul3A_54, %add3A_53 : i32
        %dma_start3A_56 = arith.constant 0 : i32
        %dma_start3A_57 = tpu.memref_slice %arg7[%mul3A_55, %dma_start3A_56] : memref<24x120xi32, #tpu.memory_space<vmem>> -> memref<1x120xi32, #tpu.memory_space<vmem>>
        %dma_start3A_58 = tpu.memref_squeeze %dma_start3A_57 : memref<1x120xi32, #tpu.memory_space<vmem>> -> memref<120xi32, #tpu.memory_space<vmem>>
        %dma_start3A_59 = arith.constant 0 : i32
        %dma_start3A_60 = arith.constant 0 : i32
        %dma_start3A_61 = tpu.memref_slice %arg2[%dma_start3A_59, %dma_start3A_60] : memref<10000x128xf32, #tpu.memory_space<hbm>> -> memref<10000x128xf32, #tpu.memory_space<hbm>>
        tpu.enqueue_indirect_dma source(%dma_start3A_61 : memref<10000x128xf32, #tpu.memory_space<hbm>>) target(%arg9 : memref<120x128xf32, #tpu.memory_space<vmem>>) offsets(%dma_start3A_58 : memref<120xi32, #tpu.memory_space<vmem>>) semaphore(%arg12 : memref<!tpu.dma_semaphore, #tpu.memory_space<semaphore_mem>>)
        %mul3A_62 = arith.constant 3 : i32
        %mul3A_63 = arith.muli %scan3A_38, %mul3A_62 : i32
        %add3A_64 = arith.constant 2 : i32
        %add3A_65 = arith.addi %mul3A_63, %add3A_64 : i32
        %mul3A_66 = arith.constant 2 : i32
        %mul3A_67 = arith.muli %mul3A_66, %add3A_65 : i32
        %dma_start3A_68 = arith.constant 0 : i32
        %dma_start3A_69 = tpu.memref_slice %arg7[%mul3A_67, %dma_start3A_68] : memref<24x120xi32, #tpu.memory_space<vmem>> -> memref<1x120xi32, #tpu.memory_space<vmem>>
        %dma_start3A_70 = tpu.memref_squeeze %dma_start3A_69 : memref<1x120xi32, #tpu.memory_space<vmem>> -> memref<120xi32, #tpu.memory_space<vmem>>
        %dma_start3A_71 = arith.constant 0 : i32
        %dma_start3A_72 = arith.constant 0 : i32
        %dma_start3A_73 = tpu.memref_slice %arg2[%dma_start3A_71, %dma_start3A_72] : memref<10000x128xf32, #tpu.memory_space<hbm>> -> memref<10000x128xf32, #tpu.memory_space<hbm>>
        tpu.enqueue_indirect_dma source(%dma_start3A_73 : memref<10000x128xf32, #tpu.memory_space<hbm>>) target(%arg10 : memref<120x128xf32, #tpu.memory_space<vmem>>) offsets(%dma_start3A_70 : memref<120xi32, #tpu.memory_space<vmem>>) semaphore(%arg13 : memref<!tpu.dma_semaphore, #tpu.memory_space<semaphore_mem>>)
        %mul3A_74 = arith.constant 3 : i32
        %mul3A_75 = arith.muli %scan3A_38, %mul3A_74 : i32
        %add3A_76 = arith.constant 0 : i32
        %add3A_77 = arith.addi %mul3A_75, %add3A_76 : i32
        %mul3A_78 = arith.constant 2 : i32
        %mul3A_79 = arith.muli %mul3A_78, %add3A_77 : i32
        %dma_wait3A = arith.constant 0 : i32
        %dma_wait3A_80 = tpu.memref_slice %arg7[%mul3A_79, %dma_wait3A] : memref<24x120xi32, #tpu.memory_space<vmem>> -> memref<1x120xi32, #tpu.memory_space<vmem>>
        %dma_wait3A_81 = tpu.memref_squeeze %dma_wait3A_80 : memref<1x120xi32, #tpu.memory_space<vmem>> -> memref<120xi32, #tpu.memory_space<vmem>>
        %dma_wait3A_82 = arith.constant 0 : i32
        %dma_wait3A_83 = arith.constant 0 : i32
        %dma_wait3A_84 = tpu.memref_slice %arg2[%dma_wait3A_82, %dma_wait3A_83] : memref<10000x128xf32, #tpu.memory_space<hbm>> -> memref<10000x128xf32, #tpu.memory_space<hbm>>
        tpu.wait_indirect_dma semaphore(%arg11 : memref<!tpu.dma_semaphore, #tpu.memory_space<semaphore_mem>>) src(%dma_wait3A_84 : memref<10000x128xf32, #tpu.memory_space<hbm>>) dst(%arg8 : memref<120x128xf32, #tpu.memory_space<vmem>>)
        %mul3A_85 = arith.constant 2 : i32
        %mul3A_86 = arith.muli %mul3A_85, %add3A_77 : i32
        %add3A_87 = arith.constant 1 : i32
        %add3A_88 = arith.addi %mul3A_86, %add3A_87 : i32
        "tpu.region"() ({
          %run_scoped3A = tpu.sem_alloc : memref<!tpu.dma_semaphore, #tpu.memory_space<semaphore_mem>>
          %dma_start3A_121 = arith.constant 0 : i32
          %dma_start3A_122 = tpu.memref_slice %arg7[%add3A_88, %dma_start3A_121] : memref<24x120xi32, #tpu.memory_space<vmem>> -> memref<1x120xi32, #tpu.memory_space<vmem>>
          %dma_start3A_123 = tpu.memref_squeeze %dma_start3A_122 : memref<1x120xi32, #tpu.memory_space<vmem>> -> memref<120xi32, #tpu.memory_space<vmem>>
          %dma_start3A_124 = arith.constant 0 : i32
          %dma_start3A_125 = arith.constant 0 : i32
          %dma_start3A_126 = tpu.memref_slice %arg6[%dma_start3A_124, %dma_start3A_125] : memref<10048x128xf32, #tpu.memory_space<vmem_shared>> -> memref<10048x128xf32, #tpu.memory_space<vmem_shared>>
          tpu.enqueue_indirect_dma source(%arg8 : memref<120x128xf32, #tpu.memory_space<vmem>>) target(%dma_start3A_126 : memref<10048x128xf32, #tpu.memory_space<vmem_shared>>) offsets(%dma_start3A_123 : memref<120xi32, #tpu.memory_space<vmem>>) semaphore(%run_scoped3A : memref<!tpu.dma_semaphore, #tpu.memory_space<semaphore_mem>>) {add = true}
          %dma_wait3A_127 = arith.constant 0 : i32
          %dma_wait3A_128 = tpu.memref_slice %arg7[%add3A_88, %dma_wait3A_127] : memref<24x120xi32, #tpu.memory_space<vmem>> -> memref<1x120xi32, #tpu.memory_space<vmem>>
          %dma_wait3A_129 = tpu.memref_squeeze %dma_wait3A_128 : memref<1x120xi32, #tpu.memory_space<vmem>> -> memref<120xi32, #tpu.memory_space<vmem>>
          %dma_wait3A_130 = arith.constant 0 : i32
          %dma_wait3A_131 = arith.constant 0 : i32
          %dma_wait3A_132 = tpu.memref_slice %arg6[%dma_wait3A_130, %dma_wait3A_131] : memref<10048x128xf32, #tpu.memory_space<vmem_shared>> -> memref<10048x128xf32, #tpu.memory_space<vmem_shared>>
          tpu.wait_indirect_dma semaphore(%run_scoped3A : memref<!tpu.dma_semaphore, #tpu.memory_space<semaphore_mem>>) src(%arg8 : memref<120x128xf32, #tpu.memory_space<vmem>>) dst(%dma_wait3A_132 : memref<10048x128xf32, #tpu.memory_space<vmem_shared>>)
          tpu.yield
        }) : () -> ()
        %mul3A_89 = arith.constant 3 : i32
        %mul3A_90 = arith.muli %scan3A_38, %mul3A_89 : i32
        %add3A_91 = arith.constant 1 : i32
        %add3A_92 = arith.addi %mul3A_90, %add3A_91 : i32
        %mul3A_93 = arith.constant 2 : i32
        %mul3A_94 = arith.muli %mul3A_93, %add3A_92 : i32
        %dma_wait3A_95 = arith.constant 0 : i32
        %dma_wait3A_96 = tpu.memref_slice %arg7[%mul3A_94, %dma_wait3A_95] : memref<24x120xi32, #tpu.memory_space<vmem>> -> memref<1x120xi32, #tpu.memory_space<vmem>>
        %dma_wait3A_97 = tpu.memref_squeeze %dma_wait3A_96 : memref<1x120xi32, #tpu.memory_space<vmem>> -> memref<120xi32, #tpu.memory_space<vmem>>
        %dma_wait3A_98 = arith.constant 0 : i32
        %dma_wait3A_99 = arith.constant 0 : i32
        %dma_wait3A_100 = tpu.memref_slice %arg2[%dma_wait3A_98, %dma_wait3A_99] : memref<10000x128xf32, #tpu.memory_space<hbm>> -> memref<10000x128xf32, #tpu.memory_space<hbm>>
        tpu.wait_indirect_dma semaphore(%arg12 : memref<!tpu.dma_semaphore, #tpu.memory_space<semaphore_mem>>) src(%dma_wait3A_100 : memref<10000x128xf32, #tpu.memory_space<hbm>>) dst(%arg9 : memref<120x128xf32, #tpu.memory_space<vmem>>)
        %mul3A_101 = arith.constant 2 : i32
        %mul3A_102 = arith.muli %mul3A_101, %add3A_92 : i32
        %add3A_103 = arith.constant 1 : i32
        %add3A_104 = arith.addi %mul3A_102, %add3A_103 : i32
        "tpu.region"() ({
          %run_scoped3A = tpu.sem_alloc : memref<!tpu.dma_semaphore, #tpu.memory_space<semaphore_mem>>
          %dma_start3A_121 = arith.constant 0 : i32
          %dma_start3A_122 = tpu.memref_slice %arg7[%add3A_104, %dma_start3A_121] : memref<24x120xi32, #tpu.memory_space<vmem>> -> memref<1x120xi32, #tpu.memory_space<vmem>>
          %dma_start3A_123 = tpu.memref_squeeze %dma_start3A_122 : memref<1x120xi32, #tpu.memory_space<vmem>> -> memref<120xi32, #tpu.memory_space<vmem>>
          %dma_start3A_124 = arith.constant 0 : i32
          %dma_start3A_125 = arith.constant 0 : i32
          %dma_start3A_126 = tpu.memref_slice %arg6[%dma_start3A_124, %dma_start3A_125] : memref<10048x128xf32, #tpu.memory_space<vmem_shared>> -> memref<10048x128xf32, #tpu.memory_space<vmem_shared>>
          tpu.enqueue_indirect_dma source(%arg9 : memref<120x128xf32, #tpu.memory_space<vmem>>) target(%dma_start3A_126 : memref<10048x128xf32, #tpu.memory_space<vmem_shared>>) offsets(%dma_start3A_123 : memref<120xi32, #tpu.memory_space<vmem>>) semaphore(%run_scoped3A : memref<!tpu.dma_semaphore, #tpu.memory_space<semaphore_mem>>) {add = true}
          %dma_wait3A_127 = arith.constant 0 : i32
          %dma_wait3A_128 = tpu.memref_slice %arg7[%add3A_104, %dma_wait3A_127] : memref<24x120xi32, #tpu.memory_space<vmem>> -> memref<1x120xi32, #tpu.memory_space<vmem>>
          %dma_wait3A_129 = tpu.memref_squeeze %dma_wait3A_128 : memref<1x120xi32, #tpu.memory_space<vmem>> -> memref<120xi32, #tpu.memory_space<vmem>>
          %dma_wait3A_130 = arith.constant 0 : i32
          %dma_wait3A_131 = arith.constant 0 : i32
          %dma_wait3A_132 = tpu.memref_slice %arg6[%dma_wait3A_130, %dma_wait3A_131] : memref<10048x128xf32, #tpu.memory_space<vmem_shared>> -> memref<10048x128xf32, #tpu.memory_space<vmem_shared>>
          tpu.wait_indirect_dma semaphore(%run_scoped3A : memref<!tpu.dma_semaphore, #tpu.memory_space<semaphore_mem>>) src(%arg9 : memref<120x128xf32, #tpu.memory_space<vmem>>) dst(%dma_wait3A_132 : memref<10048x128xf32, #tpu.memory_space<vmem_shared>>)
          tpu.yield
        }) : () -> ()
        %mul3A_105 = arith.constant 3 : i32
        %mul3A_106 = arith.muli %scan3A_38, %mul3A_105 : i32
        %add3A_107 = arith.constant 2 : i32
        %add3A_108 = arith.addi %mul3A_106, %add3A_107 : i32
        %mul3A_109 = arith.constant 2 : i32
        %mul3A_110 = arith.muli %mul3A_109, %add3A_108 : i32
        %dma_wait3A_111 = arith.constant 0 : i32
        %dma_wait3A_112 = tpu.memref_slice %arg7[%mul3A_110, %dma_wait3A_111] : memref<24x120xi32, #tpu.memory_space<vmem>> -> memref<1x120xi32, #tpu.memory_space<vmem>>
        %dma_wait3A_113 = tpu.memref_squeeze %dma_wait3A_112 : memref<1x120xi32, #tpu.memory_space<vmem>> -> memref<120xi32, #tpu.memory_space<vmem>>
        %dma_wait3A_114 = arith.constant 0 : i32
        %dma_wait3A_115 = arith.constant 0 : i32
        %dma_wait3A_116 = tpu.memref_slice %arg2[%dma_wait3A_114, %dma_wait3A_115] : memref<10000x128xf32, #tpu.memory_space<hbm>> -> memref<10000x128xf32, #tpu.memory_space<hbm>>
        tpu.wait_indirect_dma semaphore(%arg13 : memref<!tpu.dma_semaphore, #tpu.memory_space<semaphore_mem>>) src(%dma_wait3A_116 : memref<10000x128xf32, #tpu.memory_space<hbm>>) dst(%arg10 : memref<120x128xf32, #tpu.memory_space<vmem>>)
        %mul3A_117 = arith.constant 2 : i32
        %mul3A_118 = arith.muli %mul3A_117, %add3A_108 : i32
        %add3A_119 = arith.constant 1 : i32
        %add3A_120 = arith.addi %mul3A_118, %add3A_119 : i32
        "tpu.region"() ({
          %run_scoped3A = tpu.sem_alloc : memref<!tpu.dma_semaphore, #tpu.memory_space<semaphore_mem>>
          %dma_start3A_121 = arith.constant 0 : i32
          %dma_start3A_122 = tpu.memref_slice %arg7[%add3A_120, %dma_start3A_121] : memref<24x120xi32, #tpu.memory_space<vmem>> -> memref<1x120xi32, #tpu.memory_space<vmem>>
          %dma_start3A_123 = tpu.memref_squeeze %dma_start3A_122 : memref<1x120xi32, #tpu.memory_space<vmem>> -> memref<120xi32, #tpu.memory_space<vmem>>
          %dma_start3A_124 = arith.constant 0 : i32
          %dma_start3A_125 = arith.constant 0 : i32
          %dma_start3A_126 = tpu.memref_slice %arg6[%dma_start3A_124, %dma_start3A_125] : memref<10048x128xf32, #tpu.memory_space<vmem_shared>> -> memref<10048x128xf32, #tpu.memory_space<vmem_shared>>
          tpu.enqueue_indirect_dma source(%arg10 : memref<120x128xf32, #tpu.memory_space<vmem>>) target(%dma_start3A_126 : memref<10048x128xf32, #tpu.memory_space<vmem_shared>>) offsets(%dma_start3A_123 : memref<120xi32, #tpu.memory_space<vmem>>) semaphore(%run_scoped3A : memref<!tpu.dma_semaphore, #tpu.memory_space<semaphore_mem>>) {add = true}
          %dma_wait3A_127 = arith.constant 0 : i32
          %dma_wait3A_128 = tpu.memref_slice %arg7[%add3A_120, %dma_wait3A_127] : memref<24x120xi32, #tpu.memory_space<vmem>> -> memref<1x120xi32, #tpu.memory_space<vmem>>
          %dma_wait3A_129 = tpu.memref_squeeze %dma_wait3A_128 : memref<1x120xi32, #tpu.memory_space<vmem>> -> memref<120xi32, #tpu.memory_space<vmem>>
          %dma_wait3A_130 = arith.constant 0 : i32
          %dma_wait3A_131 = arith.constant 0 : i32
          %dma_wait3A_132 = tpu.memref_slice %arg6[%dma_wait3A_130, %dma_wait3A_131] : memref<10048x128xf32, #tpu.memory_space<vmem_shared>> -> memref<10048x128xf32, #tpu.memory_space<vmem_shared>>
          tpu.wait_indirect_dma semaphore(%run_scoped3A : memref<!tpu.dma_semaphore, #tpu.memory_space<semaphore_mem>>) src(%arg10 : memref<120x128xf32, #tpu.memory_space<vmem>>) dst(%dma_wait3A_132 : memref<10048x128xf32, #tpu.memory_space<vmem_shared>>)
          tpu.yield
        }) : () -> ()
      }
      %scan3A_37 = arith.constant 4 : i32
    }
    %scan3A_11 = arith.constant 7 : i32
    %barrier3A_12 = arith.constant 0 : index
    tpu.barrier barrier_id(%barrier3A_12)
    %mul3A_13 = arith.constant 624 : i32
    %mul3A_14 = arith.muli %arg1, %mul3A_13 : i32
    %mul3A_15 = arith.constant 624 : i32
    %mul3A_16 = arith.muli %arg1, %mul3A_15 : i32
    "tpu.region"() ({
      %run_scoped3A = tpu.sem_alloc : memref<!tpu.dma_semaphore, #tpu.memory_space<semaphore_mem>>
      %dma_start3A = arith.constant 0 : i32
      %dma_start3A_22 = tpu.memref_slice %arg5[%arg0, %mul3A_16, %dma_start3A] : memref<2x10000x128xf32, #tpu.memory_space<hbm>> -> memref<1x624x128xf32, #tpu.memory_space<hbm>>
      %dma_start3A_23 = tpu.memref_squeeze %dma_start3A_22 : memref<1x624x128xf32, #tpu.memory_space<hbm>> -> memref<624x128xf32, #tpu.memory_space<hbm>>
      %dma_start3A_24 = arith.constant 0 : i32
      %dma_start3A_25 = tpu.memref_slice %arg6[%mul3A_14, %dma_start3A_24] : memref<10048x128xf32, #tpu.memory_space<vmem_shared>> -> memref<624x128xf32, #tpu.memory_space<vmem_shared>>
      tpu.enqueue_dma source(%dma_start3A_25 : memref<624x128xf32, #tpu.memory_space<vmem_shared>>) target(%dma_start3A_23 : memref<624x128xf32, #tpu.memory_space<hbm>>) target_semaphore(%run_scoped3A : memref<!tpu.dma_semaphore, #tpu.memory_space<semaphore_mem>>)
      %dma_wait3A = arith.constant 0 : i32
      %dma_wait3A_26 = tpu.memref_slice %arg5[%arg0, %mul3A_16, %dma_wait3A] : memref<2x10000x128xf32, #tpu.memory_space<hbm>> -> memref<1x624x128xf32, #tpu.memory_space<hbm>>
      %dma_wait3A_27 = tpu.memref_squeeze %dma_wait3A_26 : memref<1x624x128xf32, #tpu.memory_space<hbm>> -> memref<624x128xf32, #tpu.memory_space<hbm>>
      %dma_wait3A_28 = arith.constant 0 : i32
      %dma_wait3A_29 = tpu.memref_slice %arg6[%mul3A_14, %dma_wait3A_28] : memref<10048x128xf32, #tpu.memory_space<vmem_shared>> -> memref<624x128xf32, #tpu.memory_space<vmem_shared>>
      tpu.wait_dma2 semaphore(%run_scoped3A : memref<!tpu.dma_semaphore, #tpu.memory_space<semaphore_mem>>) src(%dma_wait3A_29 : memref<624x128xf32, #tpu.memory_space<vmem_shared>>) dst(%dma_wait3A_27 : memref<624x128xf32, #tpu.memory_space<hbm>>)
      tpu.yield
    }) : () -> ()
    %eq3A_17 = arith.constant 15 : i32
    %eq3A_18 = arith.cmpi eq, %arg1, %eq3A_17 : i32
    %convert_element_type3A_19 = arith.extui %eq3A_18 : i1 to i32
    %cond3A_20 = arith.constant 0 : i32
    %cond3A_21 = arith.cmpi ne, %convert_element_type3A_19, %cond3A_20 : i32
    scf.if %cond3A_21 {
      "tpu.region"() ({
        %run_scoped3A = tpu.sem_alloc : memref<!tpu.dma_semaphore, #tpu.memory_space<semaphore_mem>>
        %dma_start3A = arith.constant 9984 : i32
        %dma_start3A_22 = arith.constant 0 : i32
        %dma_start3A_23 = tpu.memref_slice %arg5[%arg0, %dma_start3A, %dma_start3A_22] : memref<2x10000x128xf32, #tpu.memory_space<hbm>> -> memref<1x16x128xf32, #tpu.memory_space<hbm>>
        %dma_start3A_24 = tpu.memref_squeeze %dma_start3A_23 : memref<1x16x128xf32, #tpu.memory_space<hbm>> -> memref<16x128xf32, #tpu.memory_space<hbm>>
        %dma_start3A_25 = arith.constant 9984 : i32
        %dma_start3A_26 = arith.constant 0 : i32
        %dma_start3A_27 = tpu.memref_slice %arg6[%dma_start3A_25, %dma_start3A_26] : memref<10048x128xf32, #tpu.memory_space<vmem_shared>> -> memref<16x128xf32, #tpu.memory_space<vmem_shared>>
        tpu.enqueue_dma source(%dma_start3A_27 : memref<16x128xf32, #tpu.memory_space<vmem_shared>>) target(%dma_start3A_24 : memref<16x128xf32, #tpu.memory_space<hbm>>) target_semaphore(%run_scoped3A : memref<!tpu.dma_semaphore, #tpu.memory_space<semaphore_mem>>)
        %dma_wait3A = arith.constant 9984 : i32
        %dma_wait3A_28 = arith.constant 0 : i32
        %dma_wait3A_29 = tpu.memref_slice %arg5[%arg0, %dma_wait3A, %dma_wait3A_28] : memref<2x10000x128xf32, #tpu.memory_space<hbm>> -> memref<1x16x128xf32, #tpu.memory_space<hbm>>
        %dma_wait3A_30 = tpu.memref_squeeze %dma_wait3A_29 : memref<1x16x128xf32, #tpu.memory_space<hbm>> -> memref<16x128xf32, #tpu.memory_space<hbm>>
        %dma_wait3A_31 = arith.constant 9984 : i32
        %dma_wait3A_32 = arith.constant 0 : i32
        %dma_wait3A_33 = tpu.memref_slice %arg6[%dma_wait3A_31, %dma_wait3A_32] : memref<10048x128xf32, #tpu.memory_space<vmem_shared>> -> memref<16x128xf32, #tpu.memory_space<vmem_shared>>
        tpu.wait_dma2 semaphore(%run_scoped3A : memref<!tpu.dma_semaphore, #tpu.memory_space<semaphore_mem>>) src(%dma_wait3A_33 : memref<16x128xf32, #tpu.memory_space<vmem_shared>>) dst(%dma_wait3A_30 : memref<16x128xf32, #tpu.memory_space<hbm>>)
        tpu.yield
      }) : () -> ()
    } else {
    }
    return
  }
}

module attributes {stable_mosaic.version = 14 : i64} {
  func.func @_mlp_body(%arg0: memref<10000x128xf32, #tpu.memory_space<vmem>>, %arg1: memref<2x10000x128xf32, #tpu.memory_space<vmem>>, %arg2: memref<128x128xf32, #tpu.memory_space<vmem>>, %arg3: memref<1x128xf32, #tpu.memory_space<vmem>>, %arg4: memref<1x128xf32, #tpu.memory_space<vmem>>, %arg5: memref<1x128xf32, #tpu.memory_space<vmem>>, %arg6: memref<128x128xf32, #tpu.memory_space<vmem>>, %arg7: memref<1x128xf32, #tpu.memory_space<vmem>>, %arg8: memref<1x128xf32, #tpu.memory_space<vmem>>, %arg9: memref<1x128xf32, #tpu.memory_space<vmem>>, %arg10: memref<10000x128xf32, #tpu.memory_space<vmem>>) attributes {dimension_semantics = [], scalar_prefetch = 0 : i64, scratch_operands = 0 : i64, tpu.core_type = #tpu.core_type<tc>} {
    %get3A = arith.constant 0 : index
    %get3A_0 = arith.constant 0 : index
    %get3A_1 = vector.load %arg0[%get3A, %get3A_0] : memref<10000x128xf32, #tpu.memory_space<vmem>>, vector<10000x128xf32>
    %get3A_2 = arith.constant 0 : index
    %get3A_3 = arith.constant 0 : index
    %get3A_4 = arith.constant 0 : index
    %get3A_5 = vector.load %arg1[%get3A_2, %get3A_3, %get3A_4] : memref<2x10000x128xf32, #tpu.memory_space<vmem>>, vector<1x10000x128xf32>
    %get3A_6 = vector.shape_cast %get3A_5 : vector<1x10000x128xf32> to vector<10000x128xf32>
    %add3A = arith.addf %get3A_1, %get3A_6 : vector<10000x128xf32>
    %get3A_7 = arith.constant 1 : index
    %get3A_8 = arith.constant 0 : index
    %get3A_9 = arith.constant 0 : index
    %get3A_10 = vector.load %arg1[%get3A_7, %get3A_8, %get3A_9] : memref<2x10000x128xf32, #tpu.memory_space<vmem>>, vector<1x10000x128xf32>
    %get3A_11 = vector.shape_cast %get3A_10 : vector<1x10000x128xf32> to vector<10000x128xf32>
    %add3A_12 = arith.addf %add3A, %get3A_11 : vector<10000x128xf32>
    %get3A_13 = arith.constant 0 : index
    %get3A_14 = arith.constant 0 : index
    %get3A_15 = vector.load %arg2[%get3A_13, %get3A_14] : memref<128x128xf32, #tpu.memory_space<vmem>>, vector<128x128xf32>
    %dot_general3A = arith.constant dense<0.000000e+00> : vector<10000x128xf32>
    %dot_general3A_16 = tpu.matmul %add3A_12, %get3A_15, %dot_general3A {dimension_numbers = #tpu.dot_dimension_numbers<[1], [0], [0], [1], [0, 0, 1, 1], [], []>, transpose_lhs_hint = false} : vector<10000x128xf32>, vector<128x128xf32>, vector<10000x128xf32> -> vector<10000x128xf32>
    %get3A_17 = arith.constant 0 : index
    %get3A_18 = arith.constant 0 : index
    %get3A_19 = vector.load %arg3[%get3A_17, %get3A_18] : memref<1x128xf32, #tpu.memory_space<vmem>>, vector<1x128xf32>
    %add3A_20 = vector.broadcast %get3A_19 : vector<1x128xf32> to vector<10000x128xf32>
    %add3A_21 = arith.addf %dot_general3A_16, %add3A_20 : vector<10000x128xf32>
    %reduce_sum3A = arith.constant dense<0.000000e+00> : vector<128xf32>
    %reduce_sum3A_22 = vector.multi_reduction <add>, %add3A_21, %reduce_sum3A [0] : vector<10000x128xf32> to vector<128xf32>
    %broadcast_in_dim3A = vector.shape_cast %reduce_sum3A_22 : vector<128xf32> to vector<1x128xf32>
    %div3A = arith.constant 1.000000e+04 : f32
    %div3A_23 = vector.broadcast %div3A : f32 to vector<1x128xf32>
    %div3A_24 = arith.divf %broadcast_in_dim3A, %div3A_23 : vector<1x128xf32>
    %sub3A = vector.broadcast %div3A_24 : vector<1x128xf32> to vector<10000x128xf32>
    %sub3A_25 = arith.subf %add3A_21, %sub3A : vector<10000x128xf32>
    %integer_pow3A = arith.mulf %sub3A_25, %sub3A_25 : vector<10000x128xf32>
    %reduce_sum3A_26 = arith.constant dense<0.000000e+00> : vector<128xf32>
    %reduce_sum3A_27 = vector.multi_reduction <add>, %integer_pow3A, %reduce_sum3A_26 [0] : vector<10000x128xf32> to vector<128xf32>
    %broadcast_in_dim3A_28 = vector.shape_cast %reduce_sum3A_27 : vector<128xf32> to vector<1x128xf32>
    %div3A_29 = arith.constant 1.000000e+04 : f32
    %div3A_30 = vector.broadcast %div3A_29 : f32 to vector<1x128xf32>
    %div3A_31 = arith.divf %broadcast_in_dim3A_28, %div3A_30 : vector<1x128xf32>
    %sub3A_32 = vector.broadcast %div3A_24 : vector<1x128xf32> to vector<10000x128xf32>
    %sub3A_33 = arith.subf %add3A_21, %sub3A_32 : vector<10000x128xf32>
    %add3A_34 = arith.constant 9.99999974E-6 : f32
    %add3A_35 = vector.broadcast %add3A_34 : f32 to vector<1x128xf32>
    %add3A_36 = arith.addf %div3A_31, %add3A_35 : vector<1x128xf32>
    %rsqrt3A = math.rsqrt %add3A_36 : vector<1x128xf32>
    %mul3A = vector.broadcast %rsqrt3A : vector<1x128xf32> to vector<10000x128xf32>
    %mul3A_37 = arith.mulf %sub3A_33, %mul3A : vector<10000x128xf32>
    %get3A_38 = arith.constant 0 : index
    %get3A_39 = arith.constant 0 : index
    %get3A_40 = vector.load %arg4[%get3A_38, %get3A_39] : memref<1x128xf32, #tpu.memory_space<vmem>>, vector<1x128xf32>
    %mul3A_41 = vector.broadcast %get3A_40 : vector<1x128xf32> to vector<10000x128xf32>
    %mul3A_42 = arith.mulf %mul3A_37, %mul3A_41 : vector<10000x128xf32>
    %get3A_43 = arith.constant 0 : index
    %get3A_44 = arith.constant 0 : index
    %get3A_45 = vector.load %arg5[%get3A_43, %get3A_44] : memref<1x128xf32, #tpu.memory_space<vmem>>, vector<1x128xf32>
    %add3A_46 = vector.broadcast %get3A_45 : vector<1x128xf32> to vector<10000x128xf32>
    %add3A_47 = arith.addf %mul3A_42, %add3A_46 : vector<10000x128xf32>
    %max3A = arith.constant 0.000000e+00 : f32
    %max3A_48 = vector.broadcast %max3A : f32 to vector<10000x128xf32>
    %max3A_49 = arith.maximumf %add3A_47, %max3A_48 : vector<10000x128xf32>
    %get3A_50 = arith.constant 0 : index
    %get3A_51 = arith.constant 0 : index
    %get3A_52 = vector.load %arg6[%get3A_50, %get3A_51] : memref<128x128xf32, #tpu.memory_space<vmem>>, vector<128x128xf32>
    %dot_general3A_53 = arith.constant dense<0.000000e+00> : vector<10000x128xf32>
    %dot_general3A_54 = tpu.matmul %max3A_49, %get3A_52, %dot_general3A_53 {dimension_numbers = #tpu.dot_dimension_numbers<[1], [0], [0], [1], [0, 0, 1, 1], [], []>, transpose_lhs_hint = false} : vector<10000x128xf32>, vector<128x128xf32>, vector<10000x128xf32> -> vector<10000x128xf32>
    %get3A_55 = arith.constant 0 : index
    %get3A_56 = arith.constant 0 : index
    %get3A_57 = vector.load %arg7[%get3A_55, %get3A_56] : memref<1x128xf32, #tpu.memory_space<vmem>>, vector<1x128xf32>
    %add3A_58 = vector.broadcast %get3A_57 : vector<1x128xf32> to vector<10000x128xf32>
    %add3A_59 = arith.addf %dot_general3A_54, %add3A_58 : vector<10000x128xf32>
    %reduce_sum3A_60 = arith.constant dense<0.000000e+00> : vector<128xf32>
    %reduce_sum3A_61 = vector.multi_reduction <add>, %add3A_59, %reduce_sum3A_60 [0] : vector<10000x128xf32> to vector<128xf32>
    %broadcast_in_dim3A_62 = vector.shape_cast %reduce_sum3A_61 : vector<128xf32> to vector<1x128xf32>
    %div3A_63 = arith.constant 1.000000e+04 : f32
    %div3A_64 = vector.broadcast %div3A_63 : f32 to vector<1x128xf32>
    %div3A_65 = arith.divf %broadcast_in_dim3A_62, %div3A_64 : vector<1x128xf32>
    %sub3A_66 = vector.broadcast %div3A_65 : vector<1x128xf32> to vector<10000x128xf32>
    %sub3A_67 = arith.subf %add3A_59, %sub3A_66 : vector<10000x128xf32>
    %integer_pow3A_68 = arith.mulf %sub3A_67, %sub3A_67 : vector<10000x128xf32>
    %reduce_sum3A_69 = arith.constant dense<0.000000e+00> : vector<128xf32>
    %reduce_sum3A_70 = vector.multi_reduction <add>, %integer_pow3A_68, %reduce_sum3A_69 [0] : vector<10000x128xf32> to vector<128xf32>
    %broadcast_in_dim3A_71 = vector.shape_cast %reduce_sum3A_70 : vector<128xf32> to vector<1x128xf32>
    %div3A_72 = arith.constant 1.000000e+04 : f32
    %div3A_73 = vector.broadcast %div3A_72 : f32 to vector<1x128xf32>
    %div3A_74 = arith.divf %broadcast_in_dim3A_71, %div3A_73 : vector<1x128xf32>
    %sub3A_75 = vector.broadcast %div3A_65 : vector<1x128xf32> to vector<10000x128xf32>
    %sub3A_76 = arith.subf %add3A_59, %sub3A_75 : vector<10000x128xf32>
    %add3A_77 = arith.constant 9.99999974E-6 : f32
    %add3A_78 = vector.broadcast %add3A_77 : f32 to vector<1x128xf32>
    %add3A_79 = arith.addf %div3A_74, %add3A_78 : vector<1x128xf32>
    %rsqrt3A_80 = math.rsqrt %add3A_79 : vector<1x128xf32>
    %mul3A_81 = vector.broadcast %rsqrt3A_80 : vector<1x128xf32> to vector<10000x128xf32>
    %mul3A_82 = arith.mulf %sub3A_76, %mul3A_81 : vector<10000x128xf32>
    %get3A_83 = arith.constant 0 : index
    %get3A_84 = arith.constant 0 : index
    %get3A_85 = vector.load %arg8[%get3A_83, %get3A_84] : memref<1x128xf32, #tpu.memory_space<vmem>>, vector<1x128xf32>
    %mul3A_86 = vector.broadcast %get3A_85 : vector<1x128xf32> to vector<10000x128xf32>
    %mul3A_87 = arith.mulf %mul3A_82, %mul3A_86 : vector<10000x128xf32>
    %get3A_88 = arith.constant 0 : index
    %get3A_89 = arith.constant 0 : index
    %get3A_90 = vector.load %arg9[%get3A_88, %get3A_89] : memref<1x128xf32, #tpu.memory_space<vmem>>, vector<1x128xf32>
    %add3A_91 = vector.broadcast %get3A_90 : vector<1x128xf32> to vector<10000x128xf32>
    %add3A_92 = arith.addf %mul3A_87, %add3A_91 : vector<10000x128xf32>
    %max3A_93 = arith.constant 0.000000e+00 : f32
    %max3A_94 = vector.broadcast %max3A_93 : f32 to vector<10000x128xf32>
    %max3A_95 = arith.maximumf %add3A_92, %max3A_94 : vector<10000x128xf32>
    %swap3A = arith.constant 0 : index
    %swap3A_96 = arith.constant 0 : index
    %swap3A_97 = vector.load %arg10[%swap3A, %swap3A_96] : memref<10000x128xf32, #tpu.memory_space<vmem>>, vector<10000x128xf32>
    tpu.vector_store %arg10[%swap3A, %swap3A_96], %max3A_95 {strides = array<i32>} : memref<10000x128xf32, #tpu.memory_space<vmem>>, vector<10000x128xf32>,
    return
  }
}

module attributes {stable_mosaic.version = 14 : i64} {
  func.func @_mlp_body(%arg0: memref<10000x128xf32, #tpu.memory_space<vmem>>, %arg1: memref<2x10000x128xf32, #tpu.memory_space<vmem>>, %arg2: memref<128x128xf32, #tpu.memory_space<vmem>>, %arg3: memref<1x128xf32, #tpu.memory_space<vmem>>, %arg4: memref<1x128xf32, #tpu.memory_space<vmem>>, %arg5: memref<1x128xf32, #tpu.memory_space<vmem>>, %arg6: memref<128x128xf32, #tpu.memory_space<vmem>>, %arg7: memref<1x128xf32, #tpu.memory_space<vmem>>, %arg8: memref<1x128xf32, #tpu.memory_space<vmem>>, %arg9: memref<1x128xf32, #tpu.memory_space<vmem>>, %arg10: memref<10000x128xf32, #tpu.memory_space<vmem>>) attributes {dimension_semantics = [], scalar_prefetch = 0 : i64, scratch_operands = 0 : i64, tpu.core_type = #tpu.core_type<tc>} {
    %get3A = arith.constant 0 : index
    %get3A_0 = arith.constant 0 : index
    %get3A_1 = vector.load %arg0[%get3A, %get3A_0] : memref<10000x128xf32, #tpu.memory_space<vmem>>, vector<10000x128xf32>
    %get3A_2 = arith.constant 0 : index
    %get3A_3 = arith.constant 0 : index
    %get3A_4 = arith.constant 0 : index
    %get3A_5 = vector.load %arg1[%get3A_2, %get3A_3, %get3A_4] : memref<2x10000x128xf32, #tpu.memory_space<vmem>>, vector<1x10000x128xf32>
    %get3A_6 = vector.shape_cast %get3A_5 : vector<1x10000x128xf32> to vector<10000x128xf32>
    %add3A = arith.addf %get3A_1, %get3A_6 : vector<10000x128xf32>
    %get3A_7 = arith.constant 1 : index
    %get3A_8 = arith.constant 0 : index
    %get3A_9 = arith.constant 0 : index
    %get3A_10 = vector.load %arg1[%get3A_7, %get3A_8, %get3A_9] : memref<2x10000x128xf32, #tpu.memory_space<vmem>>, vector<1x10000x128xf32>
    %get3A_11 = vector.shape_cast %get3A_10 : vector<1x10000x128xf32> to vector<10000x128xf32>
    %add3A_12 = arith.addf %add3A, %get3A_11 : vector<10000x128xf32>
    %get3A_13 = arith.constant 0 : index
    %get3A_14 = arith.constant 0 : index
    %get3A_15 = vector.load %arg2[%get3A_13, %get3A_14] : memref<128x128xf32, #tpu.memory_space<vmem>>, vector<128x128xf32>
    %dot_general3A = arith.constant dense<0.000000e+00> : vector<10000x128xf32>
    %dot_general3A_16 = tpu.matmul %add3A_12, %get3A_15, %dot_general3A {dimension_numbers = #tpu.dot_dimension_numbers<[1], [0], [0], [1], [0, 0, 1, 1], [], []>, transpose_lhs_hint = false} : vector<10000x128xf32>, vector<128x128xf32>, vector<10000x128xf32> -> vector<10000x128xf32>
    %get3A_17 = arith.constant 0 : index
    %get3A_18 = arith.constant 0 : index
    %get3A_19 = vector.load %arg3[%get3A_17, %get3A_18] : memref<1x128xf32, #tpu.memory_space<vmem>>, vector<1x128xf32>
    %add3A_20 = vector.broadcast %get3A_19 : vector<1x128xf32> to vector<10000x128xf32>
    %add3A_21 = arith.addf %dot_general3A_16, %add3A_20 : vector<10000x128xf32>
    %reduce_sum3A = arith.constant dense<0.000000e+00> : vector<128xf32>
    %reduce_sum3A_22 = vector.multi_reduction <add>, %add3A_21, %reduce_sum3A [0] : vector<10000x128xf32> to vector<128xf32>
    %broadcast_in_dim3A = vector.shape_cast %reduce_sum3A_22 : vector<128xf32> to vector<1x128xf32>
    %div3A = arith.constant 1.000000e+04 : f32
    %div3A_23 = vector.broadcast %div3A : f32 to vector<1x128xf32>
    %div3A_24 = arith.divf %broadcast_in_dim3A, %div3A_23 : vector<1x128xf32>
    %sub3A = vector.broadcast %div3A_24 : vector<1x128xf32> to vector<10000x128xf32>
    %sub3A_25 = arith.subf %add3A_21, %sub3A : vector<10000x128xf32>
    %integer_pow3A = arith.mulf %sub3A_25, %sub3A_25 : vector<10000x128xf32>
    %reduce_sum3A_26 = arith.constant dense<0.000000e+00> : vector<128xf32>
    %reduce_sum3A_27 = vector.multi_reduction <add>, %integer_pow3A, %reduce_sum3A_26 [0] : vector<10000x128xf32> to vector<128xf32>
    %broadcast_in_dim3A_28 = vector.shape_cast %reduce_sum3A_27 : vector<128xf32> to vector<1x128xf32>
    %div3A_29 = arith.constant 1.000000e+04 : f32
    %div3A_30 = vector.broadcast %div3A_29 : f32 to vector<1x128xf32>
    %div3A_31 = arith.divf %broadcast_in_dim3A_28, %div3A_30 : vector<1x128xf32>
    %sub3A_32 = vector.broadcast %div3A_24 : vector<1x128xf32> to vector<10000x128xf32>
    %sub3A_33 = arith.subf %add3A_21, %sub3A_32 : vector<10000x128xf32>
    %add3A_34 = arith.constant 9.99999974E-6 : f32
    %add3A_35 = vector.broadcast %add3A_34 : f32 to vector<1x128xf32>
    %add3A_36 = arith.addf %div3A_31, %add3A_35 : vector<1x128xf32>
    %rsqrt3A = math.rsqrt %add3A_36 : vector<1x128xf32>
    %mul3A = vector.broadcast %rsqrt3A : vector<1x128xf32> to vector<10000x128xf32>
    %mul3A_37 = arith.mulf %sub3A_33, %mul3A : vector<10000x128xf32>
    %get3A_38 = arith.constant 0 : index
    %get3A_39 = arith.constant 0 : index
    %get3A_40 = vector.load %arg4[%get3A_38, %get3A_39] : memref<1x128xf32, #tpu.memory_space<vmem>>, vector<1x128xf32>
    %mul3A_41 = vector.broadcast %get3A_40 : vector<1x128xf32> to vector<10000x128xf32>
    %mul3A_42 = arith.mulf %mul3A_37, %mul3A_41 : vector<10000x128xf32>
    %get3A_43 = arith.constant 0 : index
    %get3A_44 = arith.constant 0 : index
    %get3A_45 = vector.load %arg5[%get3A_43, %get3A_44] : memref<1x128xf32, #tpu.memory_space<vmem>>, vector<1x128xf32>
    %add3A_46 = vector.broadcast %get3A_45 : vector<1x128xf32> to vector<10000x128xf32>
    %add3A_47 = arith.addf %mul3A_42, %add3A_46 : vector<10000x128xf32>
    %max3A = arith.constant 0.000000e+00 : f32
    %max3A_48 = vector.broadcast %max3A : f32 to vector<10000x128xf32>
    %max3A_49 = arith.maximumf %add3A_47, %max3A_48 : vector<10000x128xf32>
    %get3A_50 = arith.constant 0 : index
    %get3A_51 = arith.constant 0 : index
    %get3A_52 = vector.load %arg6[%get3A_50, %get3A_51] : memref<128x128xf32, #tpu.memory_space<vmem>>, vector<128x128xf32>
    %dot_general3A_53 = arith.constant dense<0.000000e+00> : vector<10000x128xf32>
    %dot_general3A_54 = tpu.matmul %max3A_49, %get3A_52, %dot_general3A_53 {dimension_numbers = #tpu.dot_dimension_numbers<[1], [0], [0], [1], [0, 0, 1, 1], [], []>, transpose_lhs_hint = false} : vector<10000x128xf32>, vector<128x128xf32>, vector<10000x128xf32> -> vector<10000x128xf32>
    %get3A_55 = arith.constant 0 : index
    %get3A_56 = arith.constant 0 : index
    %get3A_57 = vector.load %arg7[%get3A_55, %get3A_56] : memref<1x128xf32, #tpu.memory_space<vmem>>, vector<1x128xf32>
    %add3A_58 = vector.broadcast %get3A_57 : vector<1x128xf32> to vector<10000x128xf32>
    %add3A_59 = arith.addf %dot_general3A_54, %add3A_58 : vector<10000x128xf32>
    %reduce_sum3A_60 = arith.constant dense<0.000000e+00> : vector<128xf32>
    %reduce_sum3A_61 = vector.multi_reduction <add>, %add3A_59, %reduce_sum3A_60 [0] : vector<10000x128xf32> to vector<128xf32>
    %broadcast_in_dim3A_62 = vector.shape_cast %reduce_sum3A_61 : vector<128xf32> to vector<1x128xf32>
    %div3A_63 = arith.constant 1.000000e+04 : f32
    %div3A_64 = vector.broadcast %div3A_63 : f32 to vector<1x128xf32>
    %div3A_65 = arith.divf %broadcast_in_dim3A_62, %div3A_64 : vector<1x128xf32>
    %sub3A_66 = vector.broadcast %div3A_65 : vector<1x128xf32> to vector<10000x128xf32>
    %sub3A_67 = arith.subf %add3A_59, %sub3A_66 : vector<10000x128xf32>
    %integer_pow3A_68 = arith.mulf %sub3A_67, %sub3A_67 : vector<10000x128xf32>
    %reduce_sum3A_69 = arith.constant dense<0.000000e+00> : vector<128xf32>
    %reduce_sum3A_70 = vector.multi_reduction <add>, %integer_pow3A_68, %reduce_sum3A_69 [0] : vector<10000x128xf32> to vector<128xf32>
    %broadcast_in_dim3A_71 = vector.shape_cast %reduce_sum3A_70 : vector<128xf32> to vector<1x128xf32>
    %div3A_72 = arith.constant 1.000000e+04 : f32
    %div3A_73 = vector.broadcast %div3A_72 : f32 to vector<1x128xf32>
    %div3A_74 = arith.divf %broadcast_in_dim3A_71, %div3A_73 : vector<1x128xf32>
    %sub3A_75 = vector.broadcast %div3A_65 : vector<1x128xf32> to vector<10000x128xf32>
    %sub3A_76 = arith.subf %add3A_59, %sub3A_75 : vector<10000x128xf32>
    %add3A_77 = arith.constant 9.99999974E-6 : f32
    %add3A_78 = vector.broadcast %add3A_77 : f32 to vector<1x128xf32>
    %add3A_79 = arith.addf %div3A_74, %add3A_78 : vector<1x128xf32>
    %rsqrt3A_80 = math.rsqrt %add3A_79 : vector<1x128xf32>
    %mul3A_81 = vector.broadcast %rsqrt3A_80 : vector<1x128xf32> to vector<10000x128xf32>
    %mul3A_82 = arith.mulf %sub3A_76, %mul3A_81 : vector<10000x128xf32>
    %get3A_83 = arith.constant 0 : index
    %get3A_84 = arith.constant 0 : index
    %get3A_85 = vector.load %arg8[%get3A_83, %get3A_84] : memref<1x128xf32, #tpu.memory_space<vmem>>, vector<1x128xf32>
    %mul3A_86 = vector.broadcast %get3A_85 : vector<1x128xf32> to vector<10000x128xf32>
    %mul3A_87 = arith.mulf %mul3A_82, %mul3A_86 : vector<10000x128xf32>
    %get3A_88 = arith.constant 0 : index
    %get3A_89 = arith.constant 0 : index
    %get3A_90 = vector.load %arg9[%get3A_88, %get3A_89] : memref<1x128xf32, #tpu.memory_space<vmem>>, vector<1x128xf32>
    %add3A_91 = vector.broadcast %get3A_90 : vector<1x128xf32> to vector<10000x128xf32>
    %add3A_92 = arith.addf %mul3A_87, %add3A_91 : vector<10000x128xf32>
    %swap3A = arith.constant 0 : index
    %swap3A_93 = arith.constant 0 : index
    %swap3A_94 = vector.load %arg10[%swap3A, %swap3A_93] : memref<10000x128xf32, #tpu.memory_space<vmem>>, vector<10000x128xf32>
    tpu.vector_store %arg10[%swap3A, %swap3A_93], %add3A_92 {strides = array<i32>} : memref<10000x128xf32, #tpu.memory_space<vmem>>, vector<10000x128xf32>,
    return
  }
}

</mosaic_0001>

<sc_bundles>
// kernel: kernel.11.cloned.1.call-start
scs
__scs_entry_jumppad:
0x0: {  	(pc) =	sbr.rel $0x88, $3  }
0x1: {  	(tag) =	ssettag $0x0;
	lr =	simm.s32 $0x1  }
0x2: {  	[smem:$0x3F97] =	sst lr;
	_ =	strace $0xD0000000  }
0x3: {  	_ = 	snop  }
0x4: {  	_ = 	snop  }
0x5: {  	_ = 	snop  }
0x6: {  	_ = 	snop  }
0x7: {  	_ = 	snop  }
__scs_overlays_trampoline_lowered:
0x8: {  	[smem:$0x3FA6] =	sst s0  }
0x9: {  	[smem:$0x3FA7] =	sst s1  }
0xa: {  	[smem:$0x3FA8] =	sst s2  }
0xb: {  	[smem:$0x3FA9] =	sst s3  }
0xc: {  	[smem:$0x3FAA] =	sst s4  }
0xd: {  	[smem:$0x3FAB] =	sst s5  }
0xe: {  	[smem:$0x3FAC] =	sst s6  }
0xf: {  	[smem:$0x3FAD] =	sst s7  }
0x10: {  	[smem:$0x3FAE] =	sst s8  }
0x11: {  	[smem:$0x3FAF] =	sst s9;
	s0 =	simm.s32 @!p0 $0x0  }
0x12: {  	s1 =	sld [smem:$0x3F95];
	s0 =	simm.s32 @p0 $0x1  }
0x13: {  	[smem:$0x3FB0] =	sst s0;
	s0 =	simm.s32 @!p1 $0x0  }
0x14: {  	s2 =	sld [smem:$0x3F94];
	s0 =	simm.s32 @p1 $0x1  }
0x15: {  	[smem:$0x3FB1] =	sst s0;
	s0 =	simm.s32 @!p2 $0x0  }
0x16: {  	s3 =	sld [smem:$0x3FDB];
	s0 =	simm.s32 @p2 $0x1  }
0x17: {  	s4 =	simm.s32 $0x1BF5;
	[smem:$0x3FB3] =	sst s0  }
0x18: {  	s0 =	sld [smem:$0x3F96];
	_ =	swait.ge [sflag:s4], $0x0  }
0x19: {  	s7 =	sld [smem:$0x3F97]  }
0x1a: {  	s8 =	sadd.s32 $0xFFFFE003, lr  }
0x1b: {  	s9 =	sadd.s32 $0xFFFFFEF7, lr;
	s5 =	simm.s32 $0xFFFFFFFF;
	p2 =	slt.u32 s8, $0xFFFFF086  }
0x1c: {  	p1 =	slt.u32 s9, $0xF7A;
	s5 =	simm.s32 @!p2 $0x0  }
0x1d: {  	s5 =	simm.s32 @p1 $0x1;
	p0 =	seq.s32 s7, s2  }
0x1e: {  	s7 =	smul.u32 @!p0 $0xF7A, s2;
	p2 =	seq.s32 @!p0 s5, $0x0  }
0x1f: {  	s9 =	smul.u32 $0xF7A, s1;
	s8 =	simm.s32 @!p0 $0x1BF5;
	p2 =	por !p2, p0  }
0x20: {  	[sflag:s8] =	ssyncset.s32 @!p0 $0xFFFFF086;
	s6 =	sadd.s32 @!p0 s3, s7;
	s7 =	simm.s32 @!p0 $0x108  }
0x21: {  	s3 =	sadd.s32 s3, s9;
	s6 =	sadd.s32 @!p0 $0x88, s6;
	s7 =	simm.s32 @p2 $0x1082  }
0x22: {  	[simem:s7], [sflag:s8] =	dma.local @!p0 [hbm:s6], $0xF7A  }
0x23: {  	s9 =	sor.u32 $0xD0000000, s2;
	s6 =	simm.s32 $0x108;
	_ =	swait.ge @!p0 [sflag:s8], $0x0  }
0x24: {  	s3 =	sadd.s32 $0x88, s3;
	s6 =	simm.s32 @!p1 $0x1082;
	[sflag:s4] =	ssyncset.s32 $0xFFFFF086  }
0x25: {  	[simem:s6], [sflag:s4] =	dma.local [hbm:s3], $0xF7A  }
0x26: {  	[smem:$0x3F97] =	sst s1;
	(tag) =	ssettag s2;
	_ =	strace s9  }
0x27: {  	s1 =	sld [smem:$0x3FA7]  }
0x28: {  	s2 =	sld [smem:$0x3FA8]  }
0x29: {  	s4 =	sld [smem:$0x3FAA]  }
0x2a: {  	p0 =	seq.s32 s5, $0x0;
	s5 =	sld [smem:$0x3FAB]  }
0x2b: {  	s6 =	sld [smem:$0x3FAC]  }
0x2c: {  	s7 =	sld [smem:$0x3FAD]  }
0x2d: {  	s3 =	simm.s32 $0x108;
	s8 =	sld [smem:$0x3FAE]  }
0x2e: {  	s3 =	simm.s32 @!p0 $0x1082;
	s9 =	sld [smem:$0x3FAF]  }
0x2f: {  	lr =	sadd.s32 s0, s3;
	s0 =	sld [smem:$0x3FA6]  }
0x30: {  	s3 =	sld [smem:$0x3FA9]  }
0x31: {  	[smem:$0x3FB2] =	sst s10  }
0x32: {  	s10 =	sld [smem:$0x3FB0];
	_ =	sdelay $0x3  }
0x33: {  	p0 =	seq.s32 s10, $0x1;
	s10 =	sld [smem:$0x3FB2];
	_ =	sdelay $0x3  }
0x34: {  	[smem:$0x3FB2] =	sst s10  }
0x35: {  	s10 =	sld [smem:$0x3FB1];
	_ =	sdelay $0x3  }
0x36: {  	p1 =	seq.s32 s10, $0x1;
	s10 =	sld [smem:$0x3FB2];
	_ =	sdelay $0x3  }
0x37: {  	[smem:$0x3FB2] =	sst s10  }
0x38: {  	s10 =	sld [smem:$0x3FB3]  }
0x39: {  	_ = 	snop;
	(pc) =	sbr.ind lr, $3  }
0x3a: {  	_ = 	snop  }
0x3b: {  	_ = 	snop  }
0x3c: {  	p2 =	seq.s32 s10, $0x1;
	s10 =	sld [smem:$0x3FB2]  }
0x3d: {  	_ =	shalt  }
0x3e: {  	_ =	shalt  }
0x3f: {  	_ =	shalt  }
0x40: {  	_ =	shalt  }
0x41: {  	_ =	shalt  }
0x42: {  	_ =	shalt  }
0x43: {  	_ =	shalt  }
0x44: {  	_ =	shalt  }
0x45: {  	_ =	shalt  }
0x46: {  	_ =	shalt  }
0x47: {  	_ =	shalt  }
0x48: {  	_ =	shalt  }
0x49: {  	_ =	shalt  }
0x4a: {  	_ =	shalt  }
0x4b: {  	_ =	shalt  }
0x4c: {  	_ =	shalt  }
0x4d: {  	_ =	shalt  }
0x4e: {  	_ =	shalt  }
0x4f: {  	_ =	shalt  }
0x50: {  	_ =	shalt  }
0x51: {  	_ =	shalt  }
0x52: {  	_ =	shalt  }
0x53: {  	_ =	shalt  }
0x54: {  	_ =	shalt  }
0x55: {  	_ =	shalt  }
0x56: {  	_ =	shalt  }
0x57: {  	_ =	shalt  }
0x58: {  	_ =	shalt  }
0x59: {  	_ =	shalt  }
0x5a: {  	_ =	shalt  }
0x5b: {  	_ =	shalt  }
0x5c: {  	_ =	shalt  }
0x5d: {  	_ =	shalt  }
0x5e: {  	_ =	shalt  }
0x5f: {  	_ =	shalt  }
0x60: {  	_ =	shalt  }
0x61: {  	_ =	shalt  }
0x62: {  	_ =	shalt  }
0x63: {  	_ =	shalt  }
0x64: {  	_ =	shalt  }
0x65: {  	_ =	shalt  }
0x66: {  	_ =	shalt  }
0x67: {  	_ =	shalt  }
0x68: {  	_ =	shalt  }
0x69: {  	_ =	shalt  }
0x6a: {  	_ =	shalt  }
0x6b: {  	_ =	shalt  }
0x6c: {  	_ =	shalt  }
0x6d: {  	_ =	shalt  }
0x6e: {  	_ =	shalt  }
0x6f: {  	_ =	shalt  }
0x70: {  	_ =	shalt  }
0x71: {  	_ =	shalt  }
0x72: {  	_ =	shalt  }
0x73: {  	_ =	shalt  }
0x74: {  	_ =	shalt  }
0x75: {  	_ =	shalt  }
0x76: {  	_ =	shalt  }
0x77: {  	_ =	shalt  }
0x78: {  	_ =	shalt  }
0x79: {  	_ =	shalt  }
0x7a: {  	_ =	shalt  }
0x7b: {  	_ =	shalt  }
0x7c: {  	_ =	shalt  }
0x7d: {  	_ =	shalt  }
0x7e: {  	_ =	shalt  }
0x7f: {  	_ =	shalt  }
0x80: {  	_ =	shalt  }
0x81: {  	_ =	shalt  }
0x82: {  	_ =	shalt  }
0x83: {  	_ =	shalt  }
0x84: {  	_ =	shalt  }
0x85: {  	_ =	shalt  }
0x86: {  	_ =	shalt  }
0x87: {  	_ =	shalt  }
.Lfunc_end0:
.L_simem_size_0:
called_computation.1_lowered:
.L_overlay_start_0:
0x88: {  	s2 =	sld [smem:$0x3FD9]  }
0x89: {  	s3 =	sld [smem:$0x3FFE];
	_ =	sdelay $0x1  }
0x8a: {  	s1 =	srdreg.scid  }
0x8b: {  	s0 =	sand.u32 $0x1, s1  }
0x8c: {  	s17 =	sshll.u32 s0, $0xA;
	s2 =	sadd.s32 s3, s2  }
0x8d: {  	s2 =	sadd.s32 s2, s17  }
0x8e: {  	[smem:$0x3FBE] =	sst s2  }
0x8f: {  	_ = 	snop  }
0x90: {  	s2 =	sld [smem:$0x3FD0];
	(tm) =	ssettm $0x1  }
0x91: {  	s18 =	sld [smem:$0x3FFB];
	_ =	sdelay $0x3  }
0x92: {  	_ =	strace s18  }
0x93: {  	s3 =	sld [smem:$0x3FFC];
	_ =	sdelay $0x3  }
0x94: {  	_ =	strace s3  }
0x95: {  	s3 =	sld [smem:$0x3FFD];
	_ =	sdelay $0x3  }
0x96: {  	_ =	strace s3  }
0x97: {  	_ =	strace $0x8FFFFFFF  }
0x98: {  	s19 =	sld [smem:$0x3FDB];
	_ =	sdelay $0x1  }
0x99: {  	s4 =	simm.s32 $_scs_section_size  }
0x9a: {  	s5 =	simm.s32 $_size__tile_overlayer_lowered;
	s6 =	simm.s32 $_tile_overlayer_lowered  }
0x9b: {  	s22 =	simm.s32 $0x1BFF;
	s21 =	sshll.u32 s6, $0x1;
	s3 =	sadd.s32 s4, s19  }
0x9c: {  	s7 =	simm.s32 $0x0;
	s20 =	sshll.u32 s5, $0x1;
	s5 =	sadd.s32 s21, s3  }
0x9d: {  	[timem:s7], [sflag:s22] =	dma.local [hbm:s5], s20  }
0x9e: {  	_ =	swait.ge [sflag:s22], s20  }
0x9f: {  	s4 =	ssub.s32 $0x0, s20;
	[sflag:s22] =	ssyncset.done $0x0  }
0xa0: {  	[sflag:s22] =	ssyncadd.s32 s4;
	_ =	sdelay $0x1  }
0xa1: {  	s23 =	simm.s32 $0x1B8B  }
0xa2: {  	_ =	swait.ge [sflag:s23], $0x1  }
0xa3: {  	[sflag:s23] =	ssyncset.done $0x0  }
0xa4: {  	s25 =	simm.s32 $0x1B8E;
	s24 =	sld [smem:$0x3FFE];
	[sflag:s23] =	ssyncadd.s32 $0xFFFFFFFF  }
0xa5: {  	s26 =	simm.s32 $execute0_lowered;
	[smem:$0x3FD2] =	sst s25  }
0xa6: {  	s5 =	sshll.u32 s26, $0x1;
	_ =	strace $0x80000049;
	[dreg:$0x1] =	wrdreg $0xFFFFFFFF  }
0xa7: {  	s28 =	simm.s32 $_size_execute0_lowered;
	s3 =	sadd.s32 s3, s5;
	[dreg:$0x0] =	wrdreg $0x0  }
0xa8: {  	s5 =	sshll.u32 s28, $0x1;
	[dreg:$0x2] =	wrdreg s3  }
0xa9: {  	[dreg:$0x3] =	wrdreg s5  }
0xaa: {  	[dreg:$0x4] =	wrdreg $0xC0  }
0xab: {  	_ =	task [dreg:s7], $0x5FFFF  }
0xac: {  	[dreg:$0x1] =	wrdreg $0xFFFFFFFF  }
0xad: {  	[dreg:$0x0] =	wrdreg $0x60  }
0xae: {  	[dreg:$0x2] =	wrdreg s24  }
0xaf: {  	[dreg:$0x3] =	wrdreg s2  }
0xb0: {  	[dreg:$0x4] =	wrdreg $0x0  }
0xb1: {  	[dreg:$0x5] =	wrdreg $0x9  }
0xb2: {  	_ =	task.clear_ibuf [dreg:s7], $0x6FFFF;
	_ =	strace $0x90000049  }
0xb3: {  	s29 =	simm.s32 $0x9;
	_ =	strace $0x8000004B  }
0xb4: {  	_ =	swait.ge [sflag:s29], $0x1  }
0xb5: {  	[sflag:s29] =	ssyncadd.s32 $0xFFFFFFFF  }
0xb6: {  	_ =	strace $0x9000004B  }
0xb7: {  	_ =	sfence  }
0xb8: {  	s30 =	sld [smem:$0x0];
	_ =	sdelay $0x2  }
0xb9: {  	s31 =	sshll.u32 s1, $0xD;
	s1 =	sshrl.u32 s1, $0x2  }
0xba: {  	s3 =	sand.u32 $0x4000, s31;
	s1 =	sadd.s32 s1, s30  }
0xbb: {  	s0 =	sor.u32 s3, s0;
	s1 =	sshll.u32 s1, $0x11  }
0xbc: {  	s0 =	sor.u32 s1, s0  }
0xbd: {  	s0 =	sadd.s32 $0x8F2B, s0  }
0xbe: {  	[sflag:s0] =	ssyncadd.remote.s32 $0x1  }
0xbf: {  	_ =	sfence.sel $0xFFFF  }
0xc0: {  	[dreg:$0x0] =	wrdreg $0xFFFFFFFF;
	(pc) =	sbr.abs _section_cstart, $3  }
0xc1: {  	[dreg:$0x1] =	wrdreg $0xFFFFFFFF  }
0xc2: {  	_ =	task.clear_ibuf [dreg:s7], $0x2FFFF;
	_ =	strace $0x9FFFFFFF  }
0xc3: {  	(tm) =	ssettm $0x7FFFFFFF  }
tec
execute0_lowered:
.L_overlay_start_1:
0x0: {  	(tag) =	ssettag $0x1  }
0x1: {  	s0 =	rddreg [dreg:$0x0]  }
0x2: {  	s3 =	rddreg [dreg:$0x1]  }
0x3: {  	s1 =	rddreg [dreg:$0x2]  }
0x4: {  	s2 =	simm.s32 $0x0;
	s4 =	srdreg.scid;
	s12 =	stileid.u32  }
0x5: {  	s20 =	simm.s32 $0x13B00;
	s21 =	simm.s32 $0x13C00;
	s22 =	simm.s32 $0x13A80  }
0x6: {  	s23 =	simm.s32 $0x13B80;
	s24 =	simm.s32 $0x13C80;
	s25 =	simm.s32 $0x13D00  }
0x7: {  	s26 =	simm.s32 $0x13E00;
	s28 =	simm.s32 $0x14100;
	s29 =	simm.s32 $0x14200  }
0x8: {  	s30 =	simm.s32 $0x14080;
	s31 =	simm.s32 $0x14180;
	[smem:$0x7FF] =	sst s2  }
0x9: {  	s5 =	sand.u32 $0x1, s4;
	s4 =	sadd.s32 $0x18A00, s0;
	s7 =	smul.u32 $0x4E000, s12  }
0xa: {  	s9 =	smul.u32 $0x13800, s12;
	_ =	strace $0x8000004A;
	[dreg:$0x5] =	wrdreg s20  }
0xb: {  	s15 =	sshll.u32 s12, $0x6;
	s11 =	smul.u32 $0xA80, s12;
	[dreg:$0x6] =	wrdreg s21  }
0xc: {  	p0 =	sne.s32 s12, $0xF;
	s12 =	simm.s32 $0x4;
	[dreg:$0x7] =	wrdreg s22  }
0xd: {  	s2 =	simm.s32 $0x0;
	s6 =	smul.u32 $0xA800, s5;
	[dreg:$0x8] =	wrdreg s23  }
0xe: {  	s8 =	ssub.s32 $0x2, s5;
	s5 =	smul.u32 $0x138800, s5;
	[dreg:$0x9] =	wrdreg s24  }
0xf: {  	s13 =	sor.u32 $0x1C04, s15;
	s15 =	simm.s32 $0x78;
	[dreg:$0xa] =	wrdreg s25  }
0x10: {  	s20 =	simm.s32 $0x2;
	s21 =	simm.s32 $0x3;
	[dreg:$0xb] =	wrdreg s26  }
0x11: {  	s22 =	simm.s32 $0x13F00;
	s23 =	simm.s32 $0x13D80;
	s24 =	simm.s32 $0x13E80  }
0x12: {  	s25 =	simm.s32 $0x13F80;
	s26 =	simm.s32 $0x14000;
	[dreg:$0x14] =	wrdreg s2  }
0x13: {  	s10 =	sshrl.u32 s8, $0x1;
	s7 =	sshrl.u32 s7, $0x2;
	s14 =	sshrl.u32 s9, $0x3  }
0x14: {  	[dreg:$0xd] =	wrdreg s13;
	s6 =	sadd.s32 s6, s0;
	s0 =	sadd.s32 $0x3FC00, s0  }
0x15: {  	s8 =	ssub.s32 s8, s10;
	s7 =	sadd.s32 s7, s1;
	s10 =	sadd.s32 s3, s14  }
0x16: {  	s3 =	sadd.s32 $0x27000, s3;
	s16 =	sadd.s32 s9, s5;
	s5 =	sshrl.u32 s5, $0x3  }
0x17: {  	s14 =	simm.s32 $0x13A00;
	s9 =	simm.s32 $0x14480;
	[dreg:$0xc] =	wrdreg s10  }
0x18: {  	s10 =	sadd.s32 $0x138000, s1;
	[dreg:$0xe] =	wrdreg s3;
	s3 =	sshrl.u32 s16, $0x3  }
0x19: {  	s5 =	sadd.s32 s0, s5;
	s6 =	sadd.s32 s11, s6;
	s19 =	smax.u32 s8, $0x1  }
0x1a: {  	s11 =	sshrl.u32 s7, $0x3;
	s16 =	simm.s32 $0x14600;
	s7 =	simm.s32 $0x14500  }
0x1b: {  	s8 =	simm.s32 $0x14380;
	s0 =	sadd.s32 s0, s3;
	[dreg:$0x11] =	wrdreg s19  }
0x1c: {  	s17 =	sadd.s32 $0x27000, s5;
	s18 =	sadd.s32 $0x3A00, s6;
	[dreg:$0x12] =	wrdreg s11  }
0x1d: {  	s6 =	sshrl.u32 @!p0 s10, $0x3;
	s19 =	simm.s32 $0x1;
	[dreg:$0xf] =	wrdreg s0  }
0x1e: {  	s3 =	simm.s32 $0x14300;
	s5 =	simm.s32 $0x14400;
	[dreg:$0x10] =	wrdreg s17  }
0x1f: {  	s10 =	simm.s32 $0x14580;
	[dreg:$0x4] =	wrdreg s18;
	s17 =	simm.s32 $0x18200  }
0x20: {  	s18 =	simm.s32 $0x1BE00;
	s0 =	simm.s32 $0x14280;
	[dreg:$0x13] =	wrdreg s6  }
.LBB2_1:
0x21: {  	s2 =	rddreg [dreg:$0xc]  }
0x22: {  	[spmem:s11], [sflag:s13] =	dma.local [hbm:s2], $0x2700  }
0x23: {  	_ =	swait.ge [sflag:s12], $0x2700  }
0x24: {  	[sflag:s12] =	ssyncset.done $0x0  }
0x25: {  	s2 =	rddreg [dreg:$0xe];
	[sflag:s12] =	ssyncadd.s32 $0xFFFFD900  }
0x26: {  	[spmem:s6], [sflag:s13] =	dma.local @!p0 [hbm:s2], $0x100  }
0x27: {  	s6 =	simm.s32 @!p0 $0x4  }
0x28: {  	_ =	swait.ge @!p0 [sflag:s6], $0x100  }
0x29: {  	[sflag:s6] =	ssyncset.done @!p0 $0x0  }
0x2a: {  	[sflag:s6] =	ssyncadd.s32 @!p0 $0xFFFFFF00  }
0x2b: {  	[bflag:$0x0] =	sbarrier.arrive $0xFFFF  }
0x2c: {  	s2 =	rddreg [dreg:$0x4]  }
0x2d: {  	s11 =	simm.s32 $0x0;
	s6 =	sadd.s32 $0x0, s2  }
0x2e: {  	[tilespmem:s14], [sflag:$0x4] =	stream.linear.gather [hbm4b:s6+s11], $0xC00, $0x38;
	[tilespmem:$0x1FA00] =	vst v63  }
0x2f: {  	_ =	swait.ge [sflag:s12], $0xC00  }
0x30: {  	[sflag:s12] =	ssyncset.done $0x0  }
0x31: {  	[sflag:s12] =	ssyncadd.s32 $0xFFFFF400  }
0x32: {  	[tilespmem:s16], [sflag:$0x1] =	stream.indirect.gather [hbm4b:s4+s15], $0x80, s14, s15, $0xb8;
	[tilespmem:$0x1FA00] =	vst v63  }
0x33: {  	s13 =	rddreg [dreg:$0x5]  }
0x34: {  	[tilespmem:s17], [sflag:$0x2] =	stream.indirect.gather [hbm4b:s4+s15], $0x80, s13, s15, $0xb8;
	[tilespmem:$0x1FA00] =	vst v63  }
0x35: {  	s2 =	rddreg [dreg:$0x6]  }
0x36: {  	[tilespmem:s18], [sflag:$0x3] =	stream.indirect.gather [hbm4b:s4+s15], $0x80, s2, s15, $0xb8;
	[tilespmem:$0x1FA00] =	vst v63  }
0x37: {  	_ =	swait.ge [sflag:s19], $0x3C00  }
0x38: {  	[sflag:s19] =	ssyncset.done $0x0  }
0x39: {  	s11 =	rddreg [dreg:$0x7];
	[sflag:s19] =	ssyncadd.s32 $0xFFFFC400  }
0x3a: {  	[spmem:s1] =	stream.indirect.scatter.add.f32 [tilespmem:s16], [sflag:$0x4], $0x80, s11, s15, $0xb8;
	[tilespmem:$0x1FA00] =	vst v63  }
0x3b: {  	_ =	swait.ge [sflag:s12], $0x3C00  }
0x3c: {  	[sflag:s12] =	ssyncset.done $0x0  }
0x3d: {  	[sflag:s12] =	ssyncadd.s32 $0xFFFFC400  }
0x3e: {  	_ =	swait.ge [sflag:s20], $0x3C00  }
0x3f: {  	[sflag:s20] =	ssyncset.done $0x0  }
0x40: {  	s13 =	rddreg [dreg:$0x8];
	[sflag:s20] =	ssyncadd.s32 $0xFFFFC400  }
0x41: {  	[spmem:s1] =	stream.indirect.scatter.add.f32 [tilespmem:s17], [sflag:$0x4], $0x80, s13, s15, $0xb8;
	[tilespmem:$0x1FA00] =	vst v63  }
0x42: {  	_ =	swait.ge [sflag:s12], $0x3C00  }
0x43: {  	[sflag:s12] =	ssyncset.done $0x0  }
0x44: {  	[sflag:s12] =	ssyncadd.s32 $0xFFFFC400  }
0x45: {  	_ =	swait.ge [sflag:s21], $0x3C00  }
0x46: {  	[sflag:s21] =	ssyncset.done $0x0  }
0x47: {  	s2 =	rddreg [dreg:$0x9];
	[sflag:s21] =	ssyncadd.s32 $0xFFFFC400  }
0x48: {  	[spmem:s1] =	stream.indirect.scatter.add.f32 [tilespmem:s18], [sflag:$0x4], $0x80, s2, s15, $0xb8;
	[tilespmem:$0x1FA00] =	vst v63  }
0x49: {  	_ =	swait.ge [sflag:s12], $0x3C00  }
0x4a: {  	[sflag:s12] =	ssyncset.done $0x0  }
0x4b: {  	s11 =	rddreg [dreg:$0xa];
	[sflag:s12] =	ssyncadd.s32 $0xFFFFC400  }
0x4c: {  	[tilespmem:s16], [sflag:$0x1] =	stream.indirect.gather [hbm4b:s4+s15], $0x80, s11, s15, $0xb8;
	[tilespmem:$0x1FA00] =	vst v63  }
0x4d: {  	s13 =	rddreg [dreg:$0xb]  }
0x4e: {  	[tilespmem:s17], [sflag:$0x2] =	stream.indirect.gather [hbm4b:s4+s15], $0x80, s13, s15, $0xb8;
	[tilespmem:$0x1FA00] =	vst v63  }
0x4f: {  	_ = 	snop  }
0x50: {  	[tilespmem:s18], [sflag:$0x3] =	stream.indirect.gather [hbm4b:s4+s15], $0x80, s22, s15, $0xb8;
	[tilespmem:$0x1FA00] =	vst v63  }
0x51: {  	_ =	swait.ge [sflag:s19], $0x3C00  }
0x52: {  	[sflag:s19] =	ssyncset.done $0x0  }
0x53: {  	[sflag:s19] =	ssyncadd.s32 $0xFFFFC400  }
0x54: {  	[spmem:s1] =	stream.indirect.scatter.add.f32 [tilespmem:s16], [sflag:$0x4], $0x80, s23, s15, $0xb8;
	[tilespmem:$0x1FA00] =	vst v63  }
0x55: {  	_ =	swait.ge [sflag:s12], $0x3C00  }
0x56: {  	[sflag:s12] =	ssyncset.done $0x0  }
0x57: {  	[sflag:s12] =	ssyncadd.s32 $0xFFFFC400  }
0x58: {  	_ =	swait.ge [sflag:s20], $0x3C00  }
0x59: {  	[sflag:s20] =	ssyncset.done $0x0  }
0x5a: {  	[sflag:s20] =	ssyncadd.s32 $0xFFFFC400  }
0x5b: {  	[spmem:s1] =	stream.indirect.scatter.add.f32 [tilespmem:s17], [sflag:$0x4], $0x80, s24, s15, $0xb8;
	[tilespmem:$0x1FA00] =	vst v63  }
0x5c: {  	_ =	swait.ge [sflag:s12], $0x3C00  }
0x5d: {  	[sflag:s12] =	ssyncset.done $0x0  }
0x5e: {  	[sflag:s12] =	ssyncadd.s32 $0xFFFFC400  }
0x5f: {  	_ =	swait.ge [sflag:s21], $0x3C00  }
0x60: {  	[sflag:s21] =	ssyncset.done $0x0  }
0x61: {  	[sflag:s21] =	ssyncadd.s32 $0xFFFFC400  }
0x62: {  	[spmem:s1] =	stream.indirect.scatter.add.f32 [tilespmem:s18], [sflag:$0x4], $0x80, s25, s15, $0xb8;
	[tilespmem:$0x1FA00] =	vst v63  }
0x63: {  	_ =	swait.ge [sflag:s12], $0x3C00  }
0x64: {  	[sflag:s12] =	ssyncset.done $0x0  }
0x65: {  	[sflag:s12] =	ssyncadd.s32 $0xFFFFC400  }
0x66: {  	[tilespmem:s16], [sflag:$0x1] =	stream.indirect.gather [hbm4b:s4+s15], $0x80, s26, s15, $0xb8;
	[tilespmem:$0x1FA00] =	vst v63  }
0x67: {  	_ = 	snop  }
0x68: {  	[tilespmem:s17], [sflag:$0x2] =	stream.indirect.gather [hbm4b:s4+s15], $0x80, s28, s15, $0xb8;
	[tilespmem:$0x1FA00] =	vst v63  }
0x69: {  	_ = 	snop  }
0x6a: {  	[tilespmem:s18], [sflag:$0x3] =	stream.indirect.gather [hbm4b:s4+s15], $0x80, s29, s15, $0xb8;
	[tilespmem:$0x1FA00] =	vst v63  }
0x6b: {  	_ =	swait.ge [sflag:s19], $0x3C00  }
0x6c: {  	[sflag:s19] =	ssyncset.done $0x0  }
0x6d: {  	[sflag:s19] =	ssyncadd.s32 $0xFFFFC400  }
0x6e: {  	[spmem:s1] =	stream.indirect.scatter.add.f32 [tilespmem:s16], [sflag:$0x4], $0x80, s30, s15, $0xb8;
	[tilespmem:$0x1FA00] =	vst v63  }
0x6f: {  	_ =	swait.ge [sflag:s12], $0x3C00  }
0x70: {  	[sflag:s12] =	ssyncset.done $0x0  }
0x71: {  	[sflag:s12] =	ssyncadd.s32 $0xFFFFC400  }
0x72: {  	_ =	swait.ge [sflag:s20], $0x3C00  }
0x73: {  	[sflag:s20] =	ssyncset.done $0x0  }
0x74: {  	[sflag:s20] =	ssyncadd.s32 $0xFFFFC400  }
0x75: {  	[spmem:s1] =	stream.indirect.scatter.add.f32 [tilespmem:s17], [sflag:$0x4], $0x80, s31, s15, $0xb8;
	[tilespmem:$0x1FA00] =	vst v63  }
0x76: {  	_ =	swait.ge [sflag:s12], $0x3C00  }
0x77: {  	[sflag:s12] =	ssyncset.done $0x0  }
0x78: {  	[sflag:s12] =	ssyncadd.s32 $0xFFFFC400  }
0x79: {  	_ =	swait.ge [sflag:s21], $0x3C00  }
0x7a: {  	[sflag:s21] =	ssyncset.done $0x0  }
0x7b: {  	[sflag:s21] =	ssyncadd.s32 $0xFFFFC400  }
0x7c: {  	[spmem:s1] =	stream.indirect.scatter.add.f32 [tilespmem:s18], [sflag:$0x4], $0x80, s0, s15, $0xb8;
	[tilespmem:$0x1FA00] =	vst v63  }
0x7d: {  	_ =	swait.ge [sflag:s12], $0x3C00  }
0x7e: {  	[sflag:s12] =	ssyncset.done $0x0  }
0x7f: {  	[sflag:s12] =	ssyncadd.s32 $0xFFFFC400  }
0x80: {  	[tilespmem:s16], [sflag:$0x1] =	stream.indirect.gather [hbm4b:s4+s15], $0x80, s3, s15, $0xb8;
	[tilespmem:$0x1FA00] =	vst v63  }
0x81: {  	_ = 	snop  }
0x82: {  	[tilespmem:s17], [sflag:$0x2] =	stream.indirect.gather [hbm4b:s4+s15], $0x80, s5, s15, $0xb8;
	[tilespmem:$0x1FA00] =	vst v63  }
0x83: {  	_ = 	snop  }
0x84: {  	[tilespmem:s18], [sflag:$0x3] =	stream.indirect.gather [hbm4b:s4+s15], $0x80, s7, s15, $0xb8;
	[tilespmem:$0x1FA00] =	vst v63  }
0x85: {  	_ =	swait.ge [sflag:s19], $0x3C00  }
0x86: {  	[sflag:s19] =	ssyncset.done $0x0  }
0x87: {  	[sflag:s19] =	ssyncadd.s32 $0xFFFFC400  }
0x88: {  	[spmem:s1] =	stream.indirect.scatter.add.f32 [tilespmem:s16], [sflag:$0x4], $0x80, s8, s15, $0xb8;
	[tilespmem:$0x1FA00] =	vst v63  }
0x89: {  	_ =	swait.ge [sflag:s12], $0x3C00  }
0x8a: {  	[sflag:s12] =	ssyncset.done $0x0  }
0x8b: {  	[sflag:s12] =	ssyncadd.s32 $0xFFFFC400  }
0x8c: {  	_ =	swait.ge [sflag:s20], $0x3C00  }
0x8d: {  	[sflag:s20] =	ssyncset.done $0x0  }
0x8e: {  	[sflag:s20] =	ssyncadd.s32 $0xFFFFC400  }
0x8f: {  	[spmem:s1] =	stream.indirect.scatter.add.f32 [tilespmem:s17], [sflag:$0x4], $0x80, s9, s15, $0xb8;
	[tilespmem:$0x1FA00] =	vst v63  }
0x90: {  	_ =	swait.ge [sflag:s12], $0x3C00  }
0x91: {  	[sflag:s12] =	ssyncset.done $0x0  }
0x92: {  	[sflag:s12] =	ssyncadd.s32 $0xFFFFC400  }
0x93: {  	_ =	swait.ge [sflag:s21], $0x3C00  }
0x94: {  	[sflag:s21] =	ssyncset.done $0x0  }
0x95: {  	[sflag:s21] =	ssyncadd.s32 $0xFFFFC400  }
0x96: {  	[spmem:s1] =	stream.indirect.scatter.add.f32 [tilespmem:s18], [sflag:$0x4], $0x80, s10, s15, $0xb8;
	[tilespmem:$0x1FA00] =	vst v63  }
0x97: {  	s6 =	simm.s32 $0x300;
	_ =	swait.ge [sflag:s12], $0x3C00  }
0x98: {  	s13 =	simm.s32 $0x180;
	s11 =	rddreg [dreg:$0x4];
	[sflag:s12] =	ssyncset.done $0x0  }
.LBB2_2:
0x99: {  	[sflag:s12] =	ssyncadd.s32 $0xFFFFC400;
	s2 =	smov.u32 s6  }
0x9a: {  	s11 =	sadd.s32 s13, s11;
	s13 =	smov.u32 s2;
	s2 =	simm.s32 $0x0  }
0x9b: {  	[tilespmem:s14], [sflag:$0x4] =	stream.linear.gather [hbm4b:s11+s2], $0xC00, $0x38;
	[tilespmem:$0x1FA00] =	vst v63  }
0x9c: {  	_ =	swait.ge [sflag:s12], $0xC00  }
0x9d: {  	[sflag:s12] =	ssyncset.done $0x0  }
0x9e: {  	[sflag:s12] =	ssyncadd.s32 $0xFFFFF400  }
0x9f: {  	[tilespmem:s16], [sflag:$0x1] =	stream.indirect.gather [hbm4b:s4+s15], $0x80, s14, s15, $0xb8;
	[tilespmem:$0x1FA00] =	vst v63  }
0xa0: {  	s2 =	rddreg [dreg:$0x5]  }
0xa1: {  	[tilespmem:s17], [sflag:$0x2] =	stream.indirect.gather [hbm4b:s4+s15], $0x80, s2, s15, $0xb8;
	[tilespmem:$0x1FA00] =	vst v63  }
0xa2: {  	s11 =	rddreg [dreg:$0x6]  }
0xa3: {  	[tilespmem:s18], [sflag:$0x3] =	stream.indirect.gather [hbm4b:s4+s15], $0x80, s11, s15, $0xb8;
	[tilespmem:$0x1FA00] =	vst v63  }
0xa4: {  	_ =	swait.ge [sflag:s19], $0x3C00  }
0xa5: {  	[sflag:s19] =	ssyncset.done $0x0  }
0xa6: {  	s11 =	rddreg [dreg:$0x7];
	[sflag:s19] =	ssyncadd.s32 $0xFFFFC400  }
0xa7: {  	[spmem:s1] =	stream.indirect.scatter.add.f32 [tilespmem:s16], [sflag:$0x4], $0x80, s11, s15, $0xb8;
	[tilespmem:$0x1FA00] =	vst v63  }
0xa8: {  	_ =	swait.ge [sflag:s12], $0x3C00  }
0xa9: {  	[sflag:s12] =	ssyncset.done $0x0  }
0xaa: {  	[sflag:s12] =	ssyncadd.s32 $0xFFFFC400  }
0xab: {  	_ =	swait.ge [sflag:s20], $0x3C00  }
0xac: {  	[sflag:s20] =	ssyncset.done $0x0  }
0xad: {  	s11 =	rddreg [dreg:$0x8];
	[sflag:s20] =	ssyncadd.s32 $0xFFFFC400  }
0xae: {  	[spmem:s1] =	stream.indirect.scatter.add.f32 [tilespmem:s17], [sflag:$0x4], $0x80, s11, s15, $0xb8;
	[tilespmem:$0x1FA00] =	vst v63  }
0xaf: {  	_ =	swait.ge [sflag:s12], $0x3C00  }
0xb0: {  	[sflag:s12] =	ssyncset.done $0x0  }
0xb1: {  	[sflag:s12] =	ssyncadd.s32 $0xFFFFC400  }
0xb2: {  	_ =	swait.ge [sflag:s21], $0x3C00  }
0xb3: {  	[sflag:s21] =	ssyncset.done $0x0  }
0xb4: {  	s11 =	rddreg [dreg:$0x9];
	[sflag:s21] =	ssyncadd.s32 $0xFFFFC400  }
0xb5: {  	[spmem:s1] =	stream.indirect.scatter.add.f32 [tilespmem:s18], [sflag:$0x4], $0x80, s11, s15, $0xb8;
	[tilespmem:$0x1FA00] =	vst v63  }
0xb6: {  	_ =	swait.ge [sflag:s12], $0x3C00  }
0xb7: {  	[sflag:s12] =	ssyncset.done $0x0  }
0xb8: {  	s2 =	rddreg [dreg:$0xa];
	[sflag:s12] =	ssyncadd.s32 $0xFFFFC400  }
0xb9: {  	[tilespmem:s16], [sflag:$0x1] =	stream.indirect.gather [hbm4b:s4+s15], $0x80, s2, s15, $0xb8;
	[tilespmem:$0x1FA00] =	vst v63  }
0xba: {  	s11 =	rddreg [dreg:$0xb]  }
0xbb: {  	[tilespmem:s17], [sflag:$0x2] =	stream.indirect.gather [hbm4b:s4+s15], $0x80, s11, s15, $0xb8;
	[tilespmem:$0x1FA00] =	vst v63  }
0xbc: {  	_ = 	snop  }
0xbd: {  	[tilespmem:s18], [sflag:$0x3] =	stream.indirect.gather [hbm4b:s4+s15], $0x80, s22, s15, $0xb8;
	[tilespmem:$0x1FA00] =	vst v63  }
0xbe: {  	_ =	swait.ge [sflag:s19], $0x3C00  }
0xbf: {  	[sflag:s19] =	ssyncset.done $0x0  }
0xc0: {  	[sflag:s19] =	ssyncadd.s32 $0xFFFFC400  }
0xc1: {  	[spmem:s1] =	stream.indirect.scatter.add.f32 [tilespmem:s16], [sflag:$0x4], $0x80, s23, s15, $0xb8;
	[tilespmem:$0x1FA00] =	vst v63  }
0xc2: {  	_ =	swait.ge [sflag:s12], $0x3C00  }
0xc3: {  	[sflag:s12] =	ssyncset.done $0x0  }
0xc4: {  	[sflag:s12] =	ssyncadd.s32 $0xFFFFC400  }
0xc5: {  	_ =	swait.ge [sflag:s20], $0x3C00  }
0xc6: {  	[sflag:s20] =	ssyncset.done $0x0  }
0xc7: {  	[sflag:s20] =	ssyncadd.s32 $0xFFFFC400  }
0xc8: {  	[spmem:s1] =	stream.indirect.scatter.add.f32 [tilespmem:s17], [sflag:$0x4], $0x80, s24, s15, $0xb8;
	[tilespmem:$0x1FA00] =	vst v63  }
0xc9: {  	_ =	swait.ge [sflag:s12], $0x3C00  }
0xca: {  	[sflag:s12] =	ssyncset.done $0x0  }
0xcb: {  	[sflag:s12] =	ssyncadd.s32 $0xFFFFC400  }
0xcc: {  	_ =	swait.ge [sflag:s21], $0x3C00  }
0xcd: {  	[sflag:s21] =	ssyncset.done $0x0  }
0xce: {  	[sflag:s21] =	ssyncadd.s32 $0xFFFFC400  }
0xcf: {  	[spmem:s1] =	stream.indirect.scatter.add.f32 [tilespmem:s18], [sflag:$0x4], $0x80, s25, s15, $0xb8;
	[tilespmem:$0x1FA00] =	vst v63  }
0xd0: {  	_ =	swait.ge [sflag:s12], $0x3C00  }
0xd1: {  	[sflag:s12] =	ssyncset.done $0x0  }
0xd2: {  	[sflag:s12] =	ssyncadd.s32 $0xFFFFC400  }
0xd3: {  	[tilespmem:s16], [sflag:$0x1] =	stream.indirect.gather [hbm4b:s4+s15], $0x80, s26, s15, $0xb8;
	[tilespmem:$0x1FA00] =	vst v63  }
0xd4: {  	_ = 	snop  }
0xd5: {  	[tilespmem:s17], [sflag:$0x2] =	stream.indirect.gather [hbm4b:s4+s15], $0x80, s28, s15, $0xb8;
	[tilespmem:$0x1FA00] =	vst v63  }
0xd6: {  	_ = 	snop  }
0xd7: {  	[tilespmem:s18], [sflag:$0x3] =	stream.indirect.gather [hbm4b:s4+s15], $0x80, s29, s15, $0xb8;
	[tilespmem:$0x1FA00] =	vst v63  }
0xd8: {  	_ =	swait.ge [sflag:s19], $0x3C00  }
0xd9: {  	[sflag:s19] =	ssyncset.done $0x0  }
0xda: {  	[sflag:s19] =	ssyncadd.s32 $0xFFFFC400  }
0xdb: {  	[spmem:s1] =	stream.indirect.scatter.add.f32 [tilespmem:s16], [sflag:$0x4], $0x80, s30, s15, $0xb8;
	[tilespmem:$0x1FA00] =	vst v63  }
0xdc: {  	_ =	swait.ge [sflag:s12], $0x3C00  }
0xdd: {  	[sflag:s12] =	ssyncset.done $0x0  }
0xde: {  	[sflag:s12] =	ssyncadd.s32 $0xFFFFC400  }
0xdf: {  	_ =	swait.ge [sflag:s20], $0x3C00  }
0xe0: {  	[sflag:s20] =	ssyncset.done $0x0  }
0xe1: {  	[sflag:s20] =	ssyncadd.s32 $0xFFFFC400  }
0xe2: {  	[spmem:s1] =	stream.indirect.scatter.add.f32 [tilespmem:s17], [sflag:$0x4], $0x80, s31, s15, $0xb8;
	[tilespmem:$0x1FA00] =	vst v63  }
0xe3: {  	_ =	swait.ge [sflag:s12], $0x3C00  }
0xe4: {  	[sflag:s12] =	ssyncset.done $0x0  }
0xe5: {  	[sflag:s12] =	ssyncadd.s32 $0xFFFFC400  }
0xe6: {  	_ =	swait.ge [sflag:s21], $0x3C00  }
0xe7: {  	[sflag:s21] =	ssyncset.done $0x0  }
0xe8: {  	[sflag:s21] =	ssyncadd.s32 $0xFFFFC400  }
0xe9: {  	[spmem:s1] =	stream.indirect.scatter.add.f32 [tilespmem:s18], [sflag:$0x4], $0x80, s0, s15, $0xb8;
	[tilespmem:$0x1FA00] =	vst v63  }
0xea: {  	_ =	swait.ge [sflag:s12], $0x3C00  }
0xeb: {  	[sflag:s12] =	ssyncset.done $0x0  }
0xec: {  	[sflag:s12] =	ssyncadd.s32 $0xFFFFC400  }
0xed: {  	[tilespmem:s16], [sflag:$0x1] =	stream.indirect.gather [hbm4b:s4+s15], $0x80, s3, s15, $0xb8;
	[tilespmem:$0x1FA00] =	vst v63  }
0xee: {  	_ = 	snop  }
0xef: {  	[tilespmem:s17], [sflag:$0x2] =	stream.indirect.gather [hbm4b:s4+s15], $0x80, s5, s15, $0xb8;
	[tilespmem:$0x1FA00] =	vst v63  }
0xf0: {  	_ = 	snop  }
0xf1: {  	[tilespmem:s18], [sflag:$0x3] =	stream.indirect.gather [hbm4b:s4+s15], $0x80, s7, s15, $0xb8;
	[tilespmem:$0x1FA00] =	vst v63  }
0xf2: {  	_ =	swait.ge [sflag:s19], $0x3C00  }
0xf3: {  	[sflag:s19] =	ssyncset.done $0x0  }
0xf4: {  	[sflag:s19] =	ssyncadd.s32 $0xFFFFC400  }
0xf5: {  	[spmem:s1] =	stream.indirect.scatter.add.f32 [tilespmem:s16], [sflag:$0x4], $0x80, s8, s15, $0xb8;
	[tilespmem:$0x1FA00] =	vst v63  }
0xf6: {  	_ =	swait.ge [sflag:s12], $0x3C00  }
0xf7: {  	[sflag:s12] =	ssyncset.done $0x0  }
0xf8: {  	[sflag:s12] =	ssyncadd.s32 $0xFFFFC400  }
0xf9: {  	_ =	swait.ge [sflag:s20], $0x3C00  }
0xfa: {  	[sflag:s20] =	ssyncset.done $0x0  }
0xfb: {  	[sflag:s20] =	ssyncadd.s32 $0xFFFFC400  }
0xfc: {  	[spmem:s1] =	stream.indirect.scatter.add.f32 [tilespmem:s17], [sflag:$0x4], $0x80, s9, s15, $0xb8;
	[tilespmem:$0x1FA00] =	vst v63  }
0xfd: {  	_ =	swait.ge [sflag:s12], $0x3C00  }
0xfe: {  	[sflag:s12] =	ssyncset.done $0x0  }
0xff: {  	[sflag:s12] =	ssyncadd.s32 $0xFFFFC400  }
0x100: {  	p1 =	sne.s32 s6, $0x900;
	_ =	swait.ge [sflag:s21], $0x3C00  }
.Ltmp0:
0x101: {  	[sflag:s21] =	ssyncset.done $0x0;
	(pc) =	sbr.rel @p1 .LBB2_2-.Ltmp0, $4  }
0x102: {  	[sflag:s21] =	ssyncadd.s32 $0xFFFFC400  }
0x103: {  	[spmem:s1] =	stream.indirect.scatter.add.f32 [tilespmem:s18], [sflag:$0x4], $0x80, s10, s15, $0xb8;
	[tilespmem:$0x1FA00] =	vst v63  }
0x104: {  	_ =	swait.ge [sflag:s12], $0x3C00  }
0x105: {  	s6 =	sadd.s32 $0x180, s6;
	s11 =	rddreg [dreg:$0x4];
	[sflag:s12] =	ssyncset.done $0x0  }
0x106: {  	[sflag:s12] =	ssyncadd.s32 $0xFFFFC400;
	s2 =	sadd.s32 s13, s11;
	s6 =	simm.s32 $0x0  }
0x107: {  	[tilespmem:s14], [sflag:$0x4] =	stream.linear.gather [hbm4b:s2+s6], $0xC00, $0x38;
	[tilespmem:$0x1FA00] =	vst v63  }
0x108: {  	_ =	swait.ge [sflag:s12], $0xC00  }
0x109: {  	[sflag:s12] =	ssyncset.done $0x0  }
0x10a: {  	[sflag:s12] =	ssyncadd.s32 $0xFFFFF400  }
0x10b: {  	[tilespmem:s16], [sflag:$0x1] =	stream.indirect.gather [hbm4b:s4+s15], $0x80, s14, s15, $0xb8;
	[tilespmem:$0x1FA00] =	vst v63  }
0x10c: {  	s11 =	rddreg [dreg:$0x5]  }
0x10d: {  	[tilespmem:s17], [sflag:$0x2] =	stream.indirect.gather [hbm4b:s4+s15], $0x80, s11, s15, $0xb8;
	[tilespmem:$0x1FA00] =	vst v63  }
0x10e: {  	s13 =	rddreg [dreg:$0x6]  }
0x10f: {  	[tilespmem:s18], [sflag:$0x3] =	stream.indirect.gather [hbm4b:s4+s15], $0x80, s13, s15, $0xb8;
	[tilespmem:$0x1FA00] =	vst v63  }
0x110: {  	_ =	swait.ge [sflag:s19], $0x3C00  }
0x111: {  	[sflag:s19] =	ssyncset.done $0x0  }
0x112: {  	s11 =	rddreg [dreg:$0x7];
	[sflag:s19] =	ssyncadd.s32 $0xFFFFC400  }
0x113: {  	[spmem:s1] =	stream.indirect.scatter.add.f32 [tilespmem:s16], [sflag:$0x4], $0x80, s11, s15, $0xb8;
	[tilespmem:$0x1FA00] =	vst v63  }
0x114: {  	_ =	swait.ge [sflag:s12], $0x3C00  }
0x115: {  	[sflag:s12] =	ssyncset.done $0x0  }
0x116: {  	[sflag:s12] =	ssyncadd.s32 $0xFFFFC400  }
0x117: {  	_ =	swait.ge [sflag:s20], $0x3C00  }
0x118: {  	[sflag:s20] =	ssyncset.done $0x0  }
0x119: {  	s13 =	rddreg [dreg:$0x8];
	[sflag:s20] =	ssyncadd.s32 $0xFFFFC400  }
0x11a: {  	[spmem:s1] =	stream.indirect.scatter.add.f32 [tilespmem:s17], [sflag:$0x4], $0x80, s13, s15, $0xb8;
	[tilespmem:$0x1FA00] =	vst v63  }
0x11b: {  	_ =	swait.ge [sflag:s12], $0x3C00  }
0x11c: {  	[sflag:s12] =	ssyncset.done $0x0  }
0x11d: {  	[sflag:s12] =	ssyncadd.s32 $0xFFFFC400  }
0x11e: {  	_ =	swait.ge [sflag:s21], $0x3C00  }
0x11f: {  	[sflag:s21] =	ssyncset.done $0x0  }
0x120: {  	s6 =	rddreg [dreg:$0x9];
	[sflag:s21] =	ssyncadd.s32 $0xFFFFC400  }
0x121: {  	[spmem:s1] =	stream.indirect.scatter.add.f32 [tilespmem:s18], [sflag:$0x4], $0x80, s6, s15, $0xb8;
	[tilespmem:$0x1FA00] =	vst v63  }
0x122: {  	_ =	swait.ge [sflag:s12], $0x3C00  }
0x123: {  	[sflag:s12] =	ssyncset.done $0x0  }
0x124: {  	s11 =	rddreg [dreg:$0xa];
	[sflag:s12] =	ssyncadd.s32 $0xFFFFC400  }
0x125: {  	[tilespmem:s16], [sflag:$0x1] =	stream.indirect.gather [hbm4b:s4+s15], $0x80, s11, s15, $0xb8;
	[tilespmem:$0x1FA00] =	vst v63  }
0x126: {  	s13 =	rddreg [dreg:$0xb]  }
0x127: {  	[tilespmem:s17], [sflag:$0x2] =	stream.indirect.gather [hbm4b:s4+s15], $0x80, s13, s15, $0xb8;
	[tilespmem:$0x1FA00] =	vst v63  }
0x128: {  	_ = 	snop  }
0x129: {  	[tilespmem:s18], [sflag:$0x3] =	stream.indirect.gather [hbm4b:s4+s15], $0x80, s22, s15, $0xb8;
	[tilespmem:$0x1FA00] =	vst v63  }
0x12a: {  	_ =	swait.ge [sflag:s19], $0x3C00  }
0x12b: {  	[sflag:s19] =	ssyncset.done $0x0  }
0x12c: {  	[sflag:s19] =	ssyncadd.s32 $0xFFFFC400  }
0x12d: {  	[spmem:s1] =	stream.indirect.scatter.add.f32 [tilespmem:s16], [sflag:$0x4], $0x80, s23, s15, $0xb8;
	[tilespmem:$0x1FA00] =	vst v63  }
0x12e: {  	_ =	swait.ge [sflag:s12], $0x3C00  }
0x12f: {  	[sflag:s12] =	ssyncset.done $0x0  }
0x130: {  	[sflag:s12] =	ssyncadd.s32 $0xFFFFC400  }
0x131: {  	_ =	swait.ge [sflag:s20], $0x3C00  }
0x132: {  	[sflag:s20] =	ssyncset.done $0x0  }
0x133: {  	[sflag:s20] =	ssyncadd.s32 $0xFFFFC400  }
0x134: {  	[spmem:s1] =	stream.indirect.scatter.add.f32 [tilespmem:s17], [sflag:$0x4], $0x80, s24, s15, $0xb8;
	[tilespmem:$0x1FA00] =	vst v63  }
0x135: {  	_ =	swait.ge [sflag:s12], $0x3C00  }
0x136: {  	[sflag:s12] =	ssyncset.done $0x0  }
0x137: {  	[sflag:s12] =	ssyncadd.s32 $0xFFFFC400  }
0x138: {  	_ =	swait.ge [sflag:s21], $0x3C00  }
0x139: {  	[sflag:s21] =	ssyncset.done $0x0  }
0x13a: {  	[sflag:s21] =	ssyncadd.s32 $0xFFFFC400  }
0x13b: {  	[spmem:s1] =	stream.indirect.scatter.add.f32 [tilespmem:s18], [sflag:$0x4], $0x80, s25, s15, $0xb8;
	[tilespmem:$0x1FA00] =	vst v63  }
0x13c: {  	_ =	swait.ge [sflag:s12], $0x3C00  }
0x13d: {  	[sflag:s12] =	ssyncset.done $0x0  }
0x13e: {  	[sflag:s12] =	ssyncadd.s32 $0xFFFFC400  }
0x13f: {  	[tilespmem:s16], [sflag:$0x1] =	stream.indirect.gather [hbm4b:s4+s15], $0x80, s26, s15, $0xb8;
	[tilespmem:$0x1FA00] =	vst v63  }
0x140: {  	_ = 	snop  }
0x141: {  	[tilespmem:s17], [sflag:$0x2] =	stream.indirect.gather [hbm4b:s4+s15], $0x80, s28, s15, $0xb8;
	[tilespmem:$0x1FA00] =	vst v63  }
0x142: {  	_ = 	snop  }
0x143: {  	[tilespmem:s18], [sflag:$0x3] =	stream.indirect.gather [hbm4b:s4+s15], $0x80, s29, s15, $0xb8;
	[tilespmem:$0x1FA00] =	vst v63  }
0x144: {  	_ =	swait.ge [sflag:s19], $0x3C00  }
0x145: {  	[sflag:s19] =	ssyncset.done $0x0  }
0x146: {  	[sflag:s19] =	ssyncadd.s32 $0xFFFFC400  }
0x147: {  	[spmem:s1] =	stream.indirect.scatter.add.f32 [tilespmem:s16], [sflag:$0x4], $0x80, s30, s15, $0xb8;
	[tilespmem:$0x1FA00] =	vst v63  }
0x148: {  	_ =	swait.ge [sflag:s12], $0x3C00  }
0x149: {  	[sflag:s12] =	ssyncset.done $0x0  }
0x14a: {  	[sflag:s12] =	ssyncadd.s32 $0xFFFFC400  }
0x14b: {  	_ =	swait.ge [sflag:s20], $0x3C00  }
0x14c: {  	[sflag:s20] =	ssyncset.done $0x0  }
0x14d: {  	[sflag:s20] =	ssyncadd.s32 $0xFFFFC400  }
0x14e: {  	[spmem:s1] =	stream.indirect.scatter.add.f32 [tilespmem:s17], [sflag:$0x4], $0x80, s31, s15, $0xb8;
	[tilespmem:$0x1FA00] =	vst v63  }
0x14f: {  	_ =	swait.ge [sflag:s12], $0x3C00  }
0x150: {  	[sflag:s12] =	ssyncset.done $0x0  }
0x151: {  	[sflag:s12] =	ssyncadd.s32 $0xFFFFC400  }
0x152: {  	_ =	swait.ge [sflag:s21], $0x3C00  }
0x153: {  	[sflag:s21] =	ssyncset.done $0x0  }
0x154: {  	[sflag:s21] =	ssyncadd.s32 $0xFFFFC400  }
0x155: {  	[spmem:s1] =	stream.indirect.scatter.add.f32 [tilespmem:s18], [sflag:$0x4], $0x80, s0, s15, $0xb8;
	[tilespmem:$0x1FA00] =	vst v63  }
0x156: {  	_ =	swait.ge [sflag:s12], $0x3C00  }
0x157: {  	[sflag:s12] =	ssyncset.done $0x0  }
0x158: {  	[sflag:s12] =	ssyncadd.s32 $0xFFFFC400  }
0x159: {  	[tilespmem:s16], [sflag:$0x1] =	stream.indirect.gather [hbm4b:s4+s15], $0x80, s3, s15, $0xb8;
	[tilespmem:$0x1FA00] =	vst v63  }
0x15a: {  	_ = 	snop  }
0x15b: {  	[tilespmem:s17], [sflag:$0x2] =	stream.indirect.gather [hbm4b:s4+s15], $0x80, s5, s15, $0xb8;
	[tilespmem:$0x1FA00] =	vst v63  }
0x15c: {  	_ = 	snop  }
0x15d: {  	[tilespmem:s18], [sflag:$0x3] =	stream.indirect.gather [hbm4b:s4+s15], $0x80, s7, s15, $0xb8;
	[tilespmem:$0x1FA00] =	vst v63  }
0x15e: {  	_ =	swait.ge [sflag:s19], $0x3C00  }
0x15f: {  	[sflag:s19] =	ssyncset.done $0x0  }
0x160: {  	[sflag:s19] =	ssyncadd.s32 $0xFFFFC400  }
0x161: {  	[spmem:s1] =	stream.indirect.scatter.add.f32 [tilespmem:s16], [sflag:$0x4], $0x80, s8, s15, $0xb8;
	[tilespmem:$0x1FA00] =	vst v63  }
0x162: {  	_ =	swait.ge [sflag:s12], $0x3C00  }
0x163: {  	[sflag:s12] =	ssyncset.done $0x0  }
0x164: {  	[sflag:s12] =	ssyncadd.s32 $0xFFFFC400  }
0x165: {  	_ =	swait.ge [sflag:s20], $0x3C00  }
0x166: {  	[sflag:s20] =	ssyncset.done $0x0  }
0x167: {  	[sflag:s20] =	ssyncadd.s32 $0xFFFFC400  }
0x168: {  	[spmem:s1] =	stream.indirect.scatter.add.f32 [tilespmem:s17], [sflag:$0x4], $0x80, s9, s15, $0xb8;
	[tilespmem:$0x1FA00] =	vst v63  }
0x169: {  	_ =	swait.ge [sflag:s12], $0x3C00  }
0x16a: {  	[sflag:s12] =	ssyncset.done $0x0  }
0x16b: {  	[sflag:s12] =	ssyncadd.s32 $0xFFFFC400  }
0x16c: {  	_ =	swait.ge [sflag:s21], $0x3C00  }
0x16d: {  	[sflag:s21] =	ssyncset.done $0x0  }
0x16e: {  	[sflag:s21] =	ssyncadd.s32 $0xFFFFC400  }
0x16f: {  	[spmem:s1] =	stream.indirect.scatter.add.f32 [tilespmem:s18], [sflag:$0x4], $0x80, s10, s15, $0xb8;
	[tilespmem:$0x1FA00] =	vst v63  }
0x170: {  	_ =	swait.ge [sflag:s12], $0x3C00  }
0x171: {  	[sflag:s12] =	ssyncset.done $0x0  }
0x172: {  	[sflag:s12] =	ssyncadd.s32 $0xFFFFC400  }
0x173: {  	[bflag:$0x0] =	sbarrier.arrive $0xFFFF  }
0x174: {  	s13 =	rddreg [dreg:$0xd]  }
0x175: {  	s6 =	rddreg [dreg:$0xf]  }
0x176: {  	s11 =	rddreg [dreg:$0x12]  }
0x177: {  	[hbm:s6], [sflag:s13] =	dma.local [spmem:s11], $0x2700  }
0x178: {  	_ =	swait.ge [sflag:s12], $0x2700  }
0x179: {  	[sflag:s12] =	ssyncset.done $0x0;
	s2 =	rddreg [dreg:$0x10]  }
0x17a: {  	s6 =	simm.s32 @!p0 $0x4;
	s11 =	rddreg [dreg:$0x13];
	[sflag:s12] =	ssyncadd.s32 $0xFFFFD900  }
0x17b: {  	[hbm:s2], [sflag:s13] =	dma.local @!p0 [spmem:s11], $0x100  }
0x17c: {  	_ =	swait.ge @!p0 [sflag:s6], $0x100  }
0x17d: {  	s2 =	rddreg [dreg:$0x14]  }
0x17e: {  	[sflag:s6] =	ssyncset.done @!p0 $0x0;
	s6 =	rddreg [dreg:$0x11];
	s2 =	sadd.s32 $0x1, s2  }
0x17f: {  	p1 =	sne.s32 s2, s6  }
.Ltmp1:
0x180: {  	_ = 	snop;
	(pc) =	sbr.rel @p1 .LBB2_1-.Ltmp1, $3  }
0x181: {  	_ =	sdelay $0x1  }
0x182: {  	[dreg:$0x14] =	wrdreg s2;
	s2 =	simm.s32 @!p0 $0x4  }
0x183: {  	s6 =	smov.u32 s11;
	s11 =	rddreg [dreg:$0x12];
	[sflag:s2] =	ssyncadd.s32 @!p0 $0xFFFFFF00  }
0x184: {  	_ =	sfence.sel $0x180000  }
0x185: {  	[bflag:$0x0] =	sbarrier.arrive $0xFFFF  }
0x186: {  	_ =	strace $0x9000004A  }
0x187: {  	s0 =	stileid.u32;
	[bflag:$0x2] =	sbarrier.arrive $0xFFFF  }
0x188: {  	p0 =	sne.s32 s0, $0x0;
	s0 =	rddreg [dreg:$0x3]  }
0x189: {  	s0 =	sadd.s32 @!p0 $0x100000, s0  }
0x18a: {  	[sflag:s0] =	ssyncadd.tile.s32 @!p0 $0x1;
	_ =	shalt  }
.Lfunc_end2:
_tile_overlayer_lowered:
.L_overlay_start_2:
0x18b: {  	(tag) =	ssettag $0x2  }
0x18c: {  	s0 =	rddreg [dreg:$0x0];
	s2 =	stileid.u32  }
0x18d: {  	s1 =	rddreg [dreg:$0x1];
	p0 =	sne.s32 s2, $0x0  }
0x18e: {  	s3 =	rddreg [dreg:$0x2];
	[bflag:$0x3] =	sbarrier.arrive $0xFFFF;
	s2 =	simm.s32 @!p0 $0x1C04  }
0x18f: {  	[timem:s3], [sflag:s2] =	dma.local @!p0 [hbm:s0], s1  }
0x190: {  	s0 =	simm.s32 @!p0 $0x4  }
0x191: {  	_ =	swait.ge @!p0 [sflag:s0], s1  }
0x192: {  	s1 =	ssub.s32 @!p0 $0x0, s1;
	[sflag:s0] =	ssyncset.done @!p0 $0x0  }
0x193: {  	[sflag:s0] =	ssyncadd.s32 @!p0 s1  }
0x194: {  	[bflag:$0x3] =	sbarrier.arrive $0xFFFF  }
0x195: {  	_ =	shalt  }

// kernel: kernel.14.cloned.1.call-start
scs
__scs_entry_jumppad:
0x0: {  	(pc) =	sbr.rel $0x88, $3  }
0x1: {  	(tag) =	ssettag $0x0;
	lr =	simm.s32 $0x1  }
0x2: {  	[smem:$0x3F97] =	sst lr;
	_ =	strace $0xD0000000  }
0x3: {  	_ = 	snop  }
0x4: {  	_ = 	snop  }
0x5: {  	_ = 	snop  }
0x6: {  	_ = 	snop  }
0x7: {  	_ = 	snop  }
__scs_overlays_trampoline_lowered:
0x8: {  	[smem:$0x3FA6] =	sst s0  }
0x9: {  	[smem:$0x3FA7] =	sst s1  }
0xa: {  	[smem:$0x3FA8] =	sst s2  }
0xb: {  	[smem:$0x3FA9] =	sst s3  }
0xc: {  	[smem:$0x3FAA] =	sst s4  }
0xd: {  	[smem:$0x3FAB] =	sst s5  }
0xe: {  	[smem:$0x3FAC] =	sst s6  }
0xf: {  	[smem:$0x3FAD] =	sst s7  }
0x10: {  	[smem:$0x3FAE] =	sst s8  }
0x11: {  	[smem:$0x3FAF] =	sst s9;
	s0 =	simm.s32 @!p0 $0x0  }
0x12: {  	s1 =	sld [smem:$0x3F95];
	s0 =	simm.s32 @p0 $0x1  }
0x13: {  	[smem:$0x3FB0] =	sst s0;
	s0 =	simm.s32 @!p1 $0x0  }
0x14: {  	s2 =	sld [smem:$0x3F94];
	s0 =	simm.s32 @p1 $0x1  }
0x15: {  	[smem:$0x3FB1] =	sst s0;
	s0 =	simm.s32 @!p2 $0x0  }
0x16: {  	s3 =	sld [smem:$0x3FDB];
	s0 =	simm.s32 @p2 $0x1  }
0x17: {  	s4 =	simm.s32 $0x1BF5;
	[smem:$0x3FB3] =	sst s0  }
0x18: {  	s0 =	sld [smem:$0x3F96];
	_ =	swait.ge [sflag:s4], $0x0  }
0x19: {  	s7 =	sld [smem:$0x3F97]  }
0x1a: {  	s8 =	sadd.s32 $0xFFFFE003, lr  }
0x1b: {  	s9 =	sadd.s32 $0xFFFFFEF7, lr;
	s5 =	simm.s32 $0xFFFFFFFF;
	p2 =	slt.u32 s8, $0xFFFFF086  }
0x1c: {  	p1 =	slt.u32 s9, $0xF7A;
	s5 =	simm.s32 @!p2 $0x0  }
0x1d: {  	s5 =	simm.s32 @p1 $0x1;
	p0 =	seq.s32 s7, s2  }
0x1e: {  	s7 =	smul.u32 @!p0 $0xF7A, s2;
	p2 =	seq.s32 @!p0 s5, $0x0  }
0x1f: {  	s9 =	smul.u32 $0xF7A, s1;
	s8 =	simm.s32 @!p0 $0x1BF5;
	p2 =	por !p2, p0  }
0x20: {  	[sflag:s8] =	ssyncset.s32 @!p0 $0xFFFFF086;
	s6 =	sadd.s32 @!p0 s3, s7;
	s7 =	simm.s32 @!p0 $0x108  }
0x21: {  	s3 =	sadd.s32 s3, s9;
	s6 =	sadd.s32 @!p0 $0x88, s6;
	s7 =	simm.s32 @p2 $0x1082  }
0x22: {  	[simem:s7], [sflag:s8] =	dma.local @!p0 [hbm:s6], $0xF7A  }
0x23: {  	s9 =	sor.u32 $0xD0000000, s2;
	s6 =	simm.s32 $0x108;
	_ =	swait.ge @!p0 [sflag:s8], $0x0  }
0x24: {  	s3 =	sadd.s32 $0x88, s3;
	s6 =	simm.s32 @!p1 $0x1082;
	[sflag:s4] =	ssyncset.s32 $0xFFFFF086  }
0x25: {  	[simem:s6], [sflag:s4] =	dma.local [hbm:s3], $0xF7A  }
0x26: {  	[smem:$0x3F97] =	sst s1;
	(tag) =	ssettag s2;
	_ =	strace s9  }
0x27: {  	s1 =	sld [smem:$0x3FA7]  }
0x28: {  	s2 =	sld [smem:$0x3FA8]  }
0x29: {  	s4 =	sld [smem:$0x3FAA]  }
0x2a: {  	p0 =	seq.s32 s5, $0x0;
	s5 =	sld [smem:$0x3FAB]  }
0x2b: {  	s6 =	sld [smem:$0x3FAC]  }
0x2c: {  	s7 =	sld [smem:$0x3FAD]  }
0x2d: {  	s3 =	simm.s32 $0x108;
	s8 =	sld [smem:$0x3FAE]  }
0x2e: {  	s3 =	simm.s32 @!p0 $0x1082;
	s9 =	sld [smem:$0x3FAF]  }
0x2f: {  	lr =	sadd.s32 s0, s3;
	s0 =	sld [smem:$0x3FA6]  }
0x30: {  	s3 =	sld [smem:$0x3FA9]  }
0x31: {  	[smem:$0x3FB2] =	sst s10  }
0x32: {  	s10 =	sld [smem:$0x3FB0];
	_ =	sdelay $0x3  }
0x33: {  	p0 =	seq.s32 s10, $0x1;
	s10 =	sld [smem:$0x3FB2];
	_ =	sdelay $0x3  }
0x34: {  	[smem:$0x3FB2] =	sst s10  }
0x35: {  	s10 =	sld [smem:$0x3FB1];
	_ =	sdelay $0x3  }
0x36: {  	p1 =	seq.s32 s10, $0x1;
	s10 =	sld [smem:$0x3FB2];
	_ =	sdelay $0x3  }
0x37: {  	[smem:$0x3FB2] =	sst s10  }
0x38: {  	s10 =	sld [smem:$0x3FB3]  }
0x39: {  	_ = 	snop;
	(pc) =	sbr.ind lr, $3  }
0x3a: {  	_ = 	snop  }
0x3b: {  	_ = 	snop  }
0x3c: {  	p2 =	seq.s32 s10, $0x1;
	s10 =	sld [smem:$0x3FB2]  }
0x3d: {  	_ =	shalt  }
0x3e: {  	_ =	shalt  }
0x3f: {  	_ =	shalt  }
0x40: {  	_ =	shalt  }
0x41: {  	_ =	shalt  }
0x42: {  	_ =	shalt  }
0x43: {  	_ =	shalt  }
0x44: {  	_ =	shalt  }
0x45: {  	_ =	shalt  }
0x46: {  	_ =	shalt  }
0x47: {  	_ =	shalt  }
0x48: {  	_ =	shalt  }
0x49: {  	_ =	shalt  }
0x4a: {  	_ =	shalt  }
0x4b: {  	_ =	shalt  }
0x4c: {  	_ =	shalt  }
0x4d: {  	_ =	shalt  }
0x4e: {  	_ =	shalt  }
0x4f: {  	_ =	shalt  }
0x50: {  	_ =	shalt  }
0x51: {  	_ =	shalt  }
0x52: {  	_ =	shalt  }
0x53: {  	_ =	shalt  }
0x54: {  	_ =	shalt  }
0x55: {  	_ =	shalt  }
0x56: {  	_ =	shalt  }
0x57: {  	_ =	shalt  }
0x58: {  	_ =	shalt  }
0x59: {  	_ =	shalt  }
0x5a: {  	_ =	shalt  }
0x5b: {  	_ =	shalt  }
0x5c: {  	_ =	shalt  }
0x5d: {  	_ =	shalt  }
0x5e: {  	_ =	shalt  }
0x5f: {  	_ =	shalt  }
0x60: {  	_ =	shalt  }
0x61: {  	_ =	shalt  }
0x62: {  	_ =	shalt  }
0x63: {  	_ =	shalt  }
0x64: {  	_ =	shalt  }
0x65: {  	_ =	shalt  }
0x66: {  	_ =	shalt  }
0x67: {  	_ =	shalt  }
0x68: {  	_ =	shalt  }
0x69: {  	_ =	shalt  }
0x6a: {  	_ =	shalt  }
0x6b: {  	_ =	shalt  }
0x6c: {  	_ =	shalt  }
0x6d: {  	_ =	shalt  }
0x6e: {  	_ =	shalt  }
0x6f: {  	_ =	shalt  }
0x70: {  	_ =	shalt  }
0x71: {  	_ =	shalt  }
0x72: {  	_ =	shalt  }
0x73: {  	_ =	shalt  }
0x74: {  	_ =	shalt  }
0x75: {  	_ =	shalt  }
0x76: {  	_ =	shalt  }
0x77: {  	_ =	shalt  }
0x78: {  	_ =	shalt  }
0x79: {  	_ =	shalt  }
0x7a: {  	_ =	shalt  }
0x7b: {  	_ =	shalt  }
0x7c: {  	_ =	shalt  }
0x7d: {  	_ =	shalt  }
0x7e: {  	_ =	shalt  }
0x7f: {  	_ =	shalt  }
0x80: {  	_ =	shalt  }
0x81: {  	_ =	shalt  }
0x82: {  	_ =	shalt  }
0x83: {  	_ =	shalt  }
0x84: {  	_ =	shalt  }
0x85: {  	_ =	shalt  }
0x86: {  	_ =	shalt  }
0x87: {  	_ =	shalt  }
.Lfunc_end0:
.L_simem_size_0:
called_computation.2_lowered:
.L_overlay_start_0:
0x88: {  	s2 =	sld [smem:$0x3FD9]  }
0x89: {  	s3 =	sld [smem:$0x3FFE];
	_ =	sdelay $0x1  }
0x8a: {  	s1 =	srdreg.scid  }
0x8b: {  	s0 =	sand.u32 $0x1, s1  }
0x8c: {  	s17 =	sshll.u32 s0, $0xA;
	s2 =	sadd.s32 s3, s2  }
0x8d: {  	s2 =	sadd.s32 s2, s17  }
0x8e: {  	[smem:$0x3FBE] =	sst s2  }
0x8f: {  	_ = 	snop  }
0x90: {  	s2 =	sld [smem:$0x3FD0];
	(tm) =	ssettm $0x1  }
0x91: {  	s18 =	sld [smem:$0x3FFB];
	_ =	sdelay $0x3  }
0x92: {  	_ =	strace s18  }
0x93: {  	s3 =	sld [smem:$0x3FFC];
	_ =	sdelay $0x3  }
0x94: {  	_ =	strace s3  }
0x95: {  	s3 =	sld [smem:$0x3FFD];
	_ =	sdelay $0x3  }
0x96: {  	_ =	strace s3  }
0x97: {  	_ =	strace $0x8FFFFFFF  }
0x98: {  	s19 =	sld [smem:$0x3FDB];
	_ =	sdelay $0x1  }
0x99: {  	s4 =	simm.s32 $_scs_section_size  }
0x9a: {  	s5 =	simm.s32 $_size__tile_overlayer_lowered;
	s6 =	simm.s32 $_tile_overlayer_lowered  }
0x9b: {  	s22 =	simm.s32 $0x1BFF;
	s21 =	sshll.u32 s6, $0x1;
	s3 =	sadd.s32 s4, s19  }
0x9c: {  	s7 =	simm.s32 $0x0;
	s20 =	sshll.u32 s5, $0x1;
	s5 =	sadd.s32 s21, s3  }
0x9d: {  	[timem:s7], [sflag:s22] =	dma.local [hbm:s5], s20  }
0x9e: {  	_ =	swait.ge [sflag:s22], s20  }
0x9f: {  	s4 =	ssub.s32 $0x0, s20;
	[sflag:s22] =	ssyncset.done $0x0  }
0xa0: {  	[sflag:s22] =	ssyncadd.s32 s4;
	_ =	sdelay $0x1  }
0xa1: {  	s23 =	simm.s32 $0x1B8B  }
0xa2: {  	_ =	swait.ge [sflag:s23], $0x1  }
0xa3: {  	[sflag:s23] =	ssyncset.done $0x0  }
0xa4: {  	s25 =	simm.s32 $0x1B8E;
	s24 =	sld [smem:$0x3FFE];
	[sflag:s23] =	ssyncadd.s32 $0xFFFFFFFF  }
0xa5: {  	s26 =	simm.s32 $execute0_lowered;
	[smem:$0x3FD2] =	sst s25  }
0xa6: {  	s5 =	sshll.u32 s26, $0x1;
	_ =	strace $0x8000004C;
	[dreg:$0x1] =	wrdreg $0xFFFFFFFF  }
0xa7: {  	s28 =	simm.s32 $_size_execute0_lowered;
	s3 =	sadd.s32 s3, s5;
	[dreg:$0x0] =	wrdreg $0x0  }
0xa8: {  	s5 =	sshll.u32 s28, $0x1;
	[dreg:$0x2] =	wrdreg s3  }
0xa9: {  	[dreg:$0x3] =	wrdreg s5  }
0xaa: {  	[dreg:$0x4] =	wrdreg $0xC0  }
0xab: {  	_ =	task [dreg:s7], $0x5FFFF  }
0xac: {  	[dreg:$0x1] =	wrdreg $0xFFFFFFFF  }
0xad: {  	[dreg:$0x0] =	wrdreg $0x60  }
0xae: {  	[dreg:$0x2] =	wrdreg s24  }
0xaf: {  	[dreg:$0x3] =	wrdreg s2  }
0xb0: {  	[dreg:$0x4] =	wrdreg $0x0  }
0xb1: {  	[dreg:$0x5] =	wrdreg $0x9  }
0xb2: {  	_ =	task.clear_ibuf [dreg:s7], $0x6FFFF;
	_ =	strace $0x9000004C  }
0xb3: {  	s29 =	simm.s32 $0x9;
	_ =	strace $0x8000004E  }
0xb4: {  	_ =	swait.ge [sflag:s29], $0x1  }
0xb5: {  	[sflag:s29] =	ssyncadd.s32 $0xFFFFFFFF  }
0xb6: {  	_ =	strace $0x9000004E  }
0xb7: {  	_ =	sfence  }
0xb8: {  	s30 =	sld [smem:$0x0];
	_ =	sdelay $0x2  }
0xb9: {  	s31 =	sshll.u32 s1, $0xD;
	s1 =	sshrl.u32 s1, $0x2  }
0xba: {  	s3 =	sand.u32 $0x4000, s31;
	s1 =	sadd.s32 s1, s30  }
0xbb: {  	s0 =	sor.u32 s3, s0;
	s1 =	sshll.u32 s1, $0x11  }
0xbc: {  	s0 =	sor.u32 s1, s0  }
0xbd: {  	s0 =	sadd.s32 $0x8F2B, s0  }
0xbe: {  	[sflag:s0] =	ssyncadd.remote.s32 $0x1  }
0xbf: {  	_ =	sfence.sel $0xFFFF  }
0xc0: {  	[dreg:$0x0] =	wrdreg $0xFFFFFFFF;
	(pc) =	sbr.abs _section_cstart, $3  }
0xc1: {  	[dreg:$0x1] =	wrdreg $0xFFFFFFFF  }
0xc2: {  	_ =	task.clear_ibuf [dreg:s7], $0x2FFFF;
	_ =	strace $0x9FFFFFFF  }
0xc3: {  	(tm) =	ssettm $0x7FFFFFFF  }
tec
execute0_lowered:
.L_overlay_start_1:
0x0: {  	(tag) =	ssettag $0x1  }
0x1: {  	s0 =	rddreg [dreg:$0x0]  }
0x2: {  	s3 =	rddreg [dreg:$0x1]  }
0x3: {  	s1 =	rddreg [dreg:$0x2]  }
0x4: {  	s2 =	simm.s32 $0x0;
	s4 =	srdreg.scid;
	s12 =	stileid.u32  }
0x5: {  	s20 =	simm.s32 $0x13B00;
	s21 =	simm.s32 $0x13C00;
	s22 =	simm.s32 $0x13A80  }
0x6: {  	s23 =	simm.s32 $0x13B80;
	s24 =	simm.s32 $0x13C80;
	s25 =	simm.s32 $0x13D00  }
0x7: {  	s26 =	simm.s32 $0x13E00;
	s28 =	simm.s32 $0x14100;
	s29 =	simm.s32 $0x14200  }
0x8: {  	s30 =	simm.s32 $0x14080;
	s31 =	simm.s32 $0x14180;
	[smem:$0x7FF] =	sst s2  }
0x9: {  	s5 =	sand.u32 $0x1, s4;
	s4 =	sadd.s32 $0x18A00, s0;
	s7 =	smul.u32 $0x4E000, s12  }
0xa: {  	s9 =	smul.u32 $0x13800, s12;
	_ =	strace $0x8000004D;
	[dreg:$0x5] =	wrdreg s20  }
0xb: {  	s15 =	sshll.u32 s12, $0x6;
	s11 =	smul.u32 $0xA80, s12;
	[dreg:$0x6] =	wrdreg s21  }
0xc: {  	p0 =	sne.s32 s12, $0xF;
	s12 =	simm.s32 $0x4;
	[dreg:$0x7] =	wrdreg s22  }
0xd: {  	s2 =	simm.s32 $0x0;
	s6 =	smul.u32 $0xA800, s5;
	[dreg:$0x8] =	wrdreg s23  }
0xe: {  	s8 =	ssub.s32 $0x2, s5;
	s5 =	smul.u32 $0x138800, s5;
	[dreg:$0x9] =	wrdreg s24  }
0xf: {  	s13 =	sor.u32 $0x1C04, s15;
	s15 =	simm.s32 $0x78;
	[dreg:$0xa] =	wrdreg s25  }
0x10: {  	s20 =	simm.s32 $0x2;
	s21 =	simm.s32 $0x3;
	[dreg:$0xb] =	wrdreg s26  }
0x11: {  	s22 =	simm.s32 $0x13F00;
	s23 =	simm.s32 $0x13D80;
	s24 =	simm.s32 $0x13E80  }
0x12: {  	s25 =	simm.s32 $0x13F80;
	s26 =	simm.s32 $0x14000;
	[dreg:$0x14] =	wrdreg s2  }
0x13: {  	s10 =	sshrl.u32 s8, $0x1;
	s7 =	sshrl.u32 s7, $0x2;
	s14 =	sshrl.u32 s9, $0x3  }
0x14: {  	[dreg:$0xd] =	wrdreg s13;
	s6 =	sadd.s32 s6, s0;
	s0 =	sadd.s32 $0x3FC00, s0  }
0x15: {  	s8 =	ssub.s32 s8, s10;
	s7 =	sadd.s32 s7, s1;
	s10 =	sadd.s32 s3, s14  }
0x16: {  	s3 =	sadd.s32 $0x27000, s3;
	s16 =	sadd.s32 s9, s5;
	s5 =	sshrl.u32 s5, $0x3  }
0x17: {  	s14 =	simm.s32 $0x13A00;
	s9 =	simm.s32 $0x14480;
	[dreg:$0xc] =	wrdreg s10  }
0x18: {  	s10 =	sadd.s32 $0x138000, s1;
	[dreg:$0xe] =	wrdreg s3;
	s3 =	sshrl.u32 s16, $0x3  }
0x19: {  	s5 =	sadd.s32 s0, s5;
	s6 =	sadd.s32 s11, s6;
	s19 =	smax.u32 s8, $0x1  }
0x1a: {  	s11 =	sshrl.u32 s7, $0x3;
	s16 =	simm.s32 $0x14600;
	s7 =	simm.s32 $0x14500  }
0x1b: {  	s8 =	simm.s32 $0x14380;
	s0 =	sadd.s32 s0, s3;
	[dreg:$0x11] =	wrdreg s19  }
0x1c: {  	s17 =	sadd.s32 $0x27000, s5;
	s18 =	sadd.s32 $0x3A00, s6;
	[dreg:$0x12] =	wrdreg s11  }
0x1d: {  	s6 =	sshrl.u32 @!p0 s10, $0x3;
	s19 =	simm.s32 $0x1;
	[dreg:$0xf] =	wrdreg s0  }
0x1e: {  	s3 =	simm.s32 $0x14300;
	s5 =	simm.s32 $0x14400;
	[dreg:$0x10] =	wrdreg s17  }
0x1f: {  	s10 =	simm.s32 $0x14580;
	[dreg:$0x4] =	wrdreg s18;
	s17 =	simm.s32 $0x18200  }
0x20: {  	s18 =	simm.s32 $0x1BE00;
	s0 =	simm.s32 $0x14280;
	[dreg:$0x13] =	wrdreg s6  }
.LBB2_1:
0x21: {  	s2 =	rddreg [dreg:$0xc]  }
0x22: {  	[spmem:s11], [sflag:s13] =	dma.local [hbm:s2], $0x2700  }
0x23: {  	_ =	swait.ge [sflag:s12], $0x2700  }
0x24: {  	[sflag:s12] =	ssyncset.done $0x0  }
0x25: {  	s2 =	rddreg [dreg:$0xe];
	[sflag:s12] =	ssyncadd.s32 $0xFFFFD900  }
0x26: {  	[spmem:s6], [sflag:s13] =	dma.local @!p0 [hbm:s2], $0x100  }
0x27: {  	s6 =	simm.s32 @!p0 $0x4  }
0x28: {  	_ =	swait.ge @!p0 [sflag:s6], $0x100  }
0x29: {  	[sflag:s6] =	ssyncset.done @!p0 $0x0  }
0x2a: {  	[sflag:s6] =	ssyncadd.s32 @!p0 $0xFFFFFF00  }
0x2b: {  	[bflag:$0x0] =	sbarrier.arrive $0xFFFF  }
0x2c: {  	s2 =	rddreg [dreg:$0x4]  }
0x2d: {  	s11 =	simm.s32 $0x0;
	s6 =	sadd.s32 $0x0, s2  }
0x2e: {  	[tilespmem:s14], [sflag:$0x4] =	stream.linear.gather [hbm4b:s6+s11], $0xC00, $0x38;
	[tilespmem:$0x1FA00] =	vst v63  }
0x2f: {  	_ =	swait.ge [sflag:s12], $0xC00  }
0x30: {  	[sflag:s12] =	ssyncset.done $0x0  }
0x31: {  	[sflag:s12] =	ssyncadd.s32 $0xFFFFF400  }
0x32: {  	[tilespmem:s16], [sflag:$0x1] =	stream.indirect.gather [hbm4b:s4+s15], $0x80, s14, s15, $0xb8;
	[tilespmem:$0x1FA00] =	vst v63  }
0x33: {  	s13 =	rddreg [dreg:$0x5]  }
0x34: {  	[tilespmem:s17], [sflag:$0x2] =	stream.indirect.gather [hbm4b:s4+s15], $0x80, s13, s15, $0xb8;
	[tilespmem:$0x1FA00] =	vst v63  }
0x35: {  	s2 =	rddreg [dreg:$0x6]  }
0x36: {  	[tilespmem:s18], [sflag:$0x3] =	stream.indirect.gather [hbm4b:s4+s15], $0x80, s2, s15, $0xb8;
	[tilespmem:$0x1FA00] =	vst v63  }
0x37: {  	_ =	swait.ge [sflag:s19], $0x3C00  }
0x38: {  	[sflag:s19] =	ssyncset.done $0x0  }
0x39: {  	s11 =	rddreg [dreg:$0x7];
	[sflag:s19] =	ssyncadd.s32 $0xFFFFC400  }
0x3a: {  	[spmem:s1] =	stream.indirect.scatter.add.f32 [tilespmem:s16], [sflag:$0x4], $0x80, s11, s15, $0xb8;
	[tilespmem:$0x1FA00] =	vst v63  }
0x3b: {  	_ =	swait.ge [sflag:s12], $0x3C00  }
0x3c: {  	[sflag:s12] =	ssyncset.done $0x0  }
0x3d: {  	[sflag:s12] =	ssyncadd.s32 $0xFFFFC400  }
0x3e: {  	_ =	swait.ge [sflag:s20], $0x3C00  }
0x3f: {  	[sflag:s20] =	ssyncset.done $0x0  }
0x40: {  	s13 =	rddreg [dreg:$0x8];
	[sflag:s20] =	ssyncadd.s32 $0xFFFFC400  }
0x41: {  	[spmem:s1] =	stream.indirect.scatter.add.f32 [tilespmem:s17], [sflag:$0x4], $0x80, s13, s15, $0xb8;
	[tilespmem:$0x1FA00] =	vst v63  }
0x42: {  	_ =	swait.ge [sflag:s12], $0x3C00  }
0x43: {  	[sflag:s12] =	ssyncset.done $0x0  }
0x44: {  	[sflag:s12] =	ssyncadd.s32 $0xFFFFC400  }
0x45: {  	_ =	swait.ge [sflag:s21], $0x3C00  }
0x46: {  	[sflag:s21] =	ssyncset.done $0x0  }
0x47: {  	s2 =	rddreg [dreg:$0x9];
	[sflag:s21] =	ssyncadd.s32 $0xFFFFC400  }
0x48: {  	[spmem:s1] =	stream.indirect.scatter.add.f32 [tilespmem:s18], [sflag:$0x4], $0x80, s2, s15, $0xb8;
	[tilespmem:$0x1FA00] =	vst v63  }
0x49: {  	_ =	swait.ge [sflag:s12], $0x3C00  }
0x4a: {  	[sflag:s12] =	ssyncset.done $0x0  }
0x4b: {  	s11 =	rddreg [dreg:$0xa];
	[sflag:s12] =	ssyncadd.s32 $0xFFFFC400  }
0x4c: {  	[tilespmem:s16], [sflag:$0x1] =	stream.indirect.gather [hbm4b:s4+s15], $0x80, s11, s15, $0xb8;
	[tilespmem:$0x1FA00] =	vst v63  }
0x4d: {  	s13 =	rddreg [dreg:$0xb]  }
0x4e: {  	[tilespmem:s17], [sflag:$0x2] =	stream.indirect.gather [hbm4b:s4+s15], $0x80, s13, s15, $0xb8;
	[tilespmem:$0x1FA00] =	vst v63  }
0x4f: {  	_ = 	snop  }
0x50: {  	[tilespmem:s18], [sflag:$0x3] =	stream.indirect.gather [hbm4b:s4+s15], $0x80, s22, s15, $0xb8;
	[tilespmem:$0x1FA00] =	vst v63  }
0x51: {  	_ =	swait.ge [sflag:s19], $0x3C00  }
0x52: {  	[sflag:s19] =	ssyncset.done $0x0  }
0x53: {  	[sflag:s19] =	ssyncadd.s32 $0xFFFFC400  }
0x54: {  	[spmem:s1] =	stream.indirect.scatter.add.f32 [tilespmem:s16], [sflag:$0x4], $0x80, s23, s15, $0xb8;
	[tilespmem:$0x1FA00] =	vst v63  }
0x55: {  	_ =	swait.ge [sflag:s12], $0x3C00  }
0x56: {  	[sflag:s12] =	ssyncset.done $0x0  }
0x57: {  	[sflag:s12] =	ssyncadd.s32 $0xFFFFC400  }
0x58: {  	_ =	swait.ge [sflag:s20], $0x3C00  }
0x59: {  	[sflag:s20] =	ssyncset.done $0x0  }
0x5a: {  	[sflag:s20] =	ssyncadd.s32 $0xFFFFC400  }
0x5b: {  	[spmem:s1] =	stream.indirect.scatter.add.f32 [tilespmem:s17], [sflag:$0x4], $0x80, s24, s15, $0xb8;
	[tilespmem:$0x1FA00] =	vst v63  }
0x5c: {  	_ =	swait.ge [sflag:s12], $0x3C00  }
0x5d: {  	[sflag:s12] =	ssyncset.done $0x0  }
0x5e: {  	[sflag:s12] =	ssyncadd.s32 $0xFFFFC400  }
0x5f: {  	_ =	swait.ge [sflag:s21], $0x3C00  }
0x60: {  	[sflag:s21] =	ssyncset.done $0x0  }
0x61: {  	[sflag:s21] =	ssyncadd.s32 $0xFFFFC400  }
0x62: {  	[spmem:s1] =	stream.indirect.scatter.add.f32 [tilespmem:s18], [sflag:$0x4], $0x80, s25, s15, $0xb8;
	[tilespmem:$0x1FA00] =	vst v63  }
0x63: {  	_ =	swait.ge [sflag:s12], $0x3C00  }
0x64: {  	[sflag:s12] =	ssyncset.done $0x0  }
0x65: {  	[sflag:s12] =	ssyncadd.s32 $0xFFFFC400  }
0x66: {  	[tilespmem:s16], [sflag:$0x1] =	stream.indirect.gather [hbm4b:s4+s15], $0x80, s26, s15, $0xb8;
	[tilespmem:$0x1FA00] =	vst v63  }
0x67: {  	_ = 	snop  }
0x68: {  	[tilespmem:s17], [sflag:$0x2] =	stream.indirect.gather [hbm4b:s4+s15], $0x80, s28, s15, $0xb8;
	[tilespmem:$0x1FA00] =	vst v63  }
0x69: {  	_ = 	snop  }
0x6a: {  	[tilespmem:s18], [sflag:$0x3] =	stream.indirect.gather [hbm4b:s4+s15], $0x80, s29, s15, $0xb8;
	[tilespmem:$0x1FA00] =	vst v63  }
0x6b: {  	_ =	swait.ge [sflag:s19], $0x3C00  }
0x6c: {  	[sflag:s19] =	ssyncset.done $0x0  }
0x6d: {  	[sflag:s19] =	ssyncadd.s32 $0xFFFFC400  }
0x6e: {  	[spmem:s1] =	stream.indirect.scatter.add.f32 [tilespmem:s16], [sflag:$0x4], $0x80, s30, s15, $0xb8;
	[tilespmem:$0x1FA00] =	vst v63  }
0x6f: {  	_ =	swait.ge [sflag:s12], $0x3C00  }
0x70: {  	[sflag:s12] =	ssyncset.done $0x0  }
0x71: {  	[sflag:s12] =	ssyncadd.s32 $0xFFFFC400  }
0x72: {  	_ =	swait.ge [sflag:s20], $0x3C00  }
0x73: {  	[sflag:s20] =	ssyncset.done $0x0  }
0x74: {  	[sflag:s20] =	ssyncadd.s32 $0xFFFFC400  }
0x75: {  	[spmem:s1] =	stream.indirect.scatter.add.f32 [tilespmem:s17], [sflag:$0x4], $0x80, s31, s15, $0xb8;
	[tilespmem:$0x1FA00] =	vst v63  }
0x76: {  	_ =	swait.ge [sflag:s12], $0x3C00  }
0x77: {  	[sflag:s12] =	ssyncset.done $0x0  }
0x78: {  	[sflag:s12] =	ssyncadd.s32 $0xFFFFC400  }
0x79: {  	_ =	swait.ge [sflag:s21], $0x3C00  }
0x7a: {  	[sflag:s21] =	ssyncset.done $0x0  }
0x7b: {  	[sflag:s21] =	ssyncadd.s32 $0xFFFFC400  }
0x7c: {  	[spmem:s1] =	stream.indirect.scatter.add.f32 [tilespmem:s18], [sflag:$0x4], $0x80, s0, s15, $0xb8;
	[tilespmem:$0x1FA00] =	vst v63  }
0x7d: {  	_ =	swait.ge [sflag:s12], $0x3C00  }
0x7e: {  	[sflag:s12] =	ssyncset.done $0x0  }
0x7f: {  	[sflag:s12] =	ssyncadd.s32 $0xFFFFC400  }
0x80: {  	[tilespmem:s16], [sflag:$0x1] =	stream.indirect.gather [hbm4b:s4+s15], $0x80, s3, s15, $0xb8;
	[tilespmem:$0x1FA00] =	vst v63  }
0x81: {  	_ = 	snop  }
0x82: {  	[tilespmem:s17], [sflag:$0x2] =	stream.indirect.gather [hbm4b:s4+s15], $0x80, s5, s15, $0xb8;
	[tilespmem:$0x1FA00] =	vst v63  }
0x83: {  	_ = 	snop  }
0x84: {  	[tilespmem:s18], [sflag:$0x3] =	stream.indirect.gather [hbm4b:s4+s15], $0x80, s7, s15, $0xb8;
	[tilespmem:$0x1FA00] =	vst v63  }
0x85: {  	_ =	swait.ge [sflag:s19], $0x3C00  }
0x86: {  	[sflag:s19] =	ssyncset.done $0x0  }
0x87: {  	[sflag:s19] =	ssyncadd.s32 $0xFFFFC400  }
0x88: {  	[spmem:s1] =	stream.indirect.scatter.add.f32 [tilespmem:s16], [sflag:$0x4], $0x80, s8, s15, $0xb8;
	[tilespmem:$0x1FA00] =	vst v63  }
0x89: {  	_ =	swait.ge [sflag:s12], $0x3C00  }
0x8a: {  	[sflag:s12] =	ssyncset.done $0x0  }
0x8b: {  	[sflag:s12] =	ssyncadd.s32 $0xFFFFC400  }
0x8c: {  	_ =	swait.ge [sflag:s20], $0x3C00  }
0x8d: {  	[sflag:s20] =	ssyncset.done $0x0  }
0x8e: {  	[sflag:s20] =	ssyncadd.s32 $0xFFFFC400  }
0x8f: {  	[spmem:s1] =	stream.indirect.scatter.add.f32 [tilespmem:s17], [sflag:$0x4], $0x80, s9, s15, $0xb8;
	[tilespmem:$0x1FA00] =	vst v63  }
0x90: {  	_ =	swait.ge [sflag:s12], $0x3C00  }
0x91: {  	[sflag:s12] =	ssyncset.done $0x0  }
0x92: {  	[sflag:s12] =	ssyncadd.s32 $0xFFFFC400  }
0x93: {  	_ =	swait.ge [sflag:s21], $0x3C00  }
0x94: {  	[sflag:s21] =	ssyncset.done $0x0  }
0x95: {  	[sflag:s21] =	ssyncadd.s32 $0xFFFFC400  }
0x96: {  	[spmem:s1] =	stream.indirect.scatter.add.f32 [tilespmem:s18], [sflag:$0x4], $0x80, s10, s15, $0xb8;
	[tilespmem:$0x1FA00] =	vst v63  }
0x97: {  	s6 =	simm.s32 $0x300;
	_ =	swait.ge [sflag:s12], $0x3C00  }
0x98: {  	s13 =	simm.s32 $0x180;
	s11 =	rddreg [dreg:$0x4];
	[sflag:s12] =	ssyncset.done $0x0  }
.LBB2_2:
0x99: {  	[sflag:s12] =	ssyncadd.s32 $0xFFFFC400;
	s2 =	smov.u32 s6  }
0x9a: {  	s11 =	sadd.s32 s13, s11;
	s13 =	smov.u32 s2;
	s2 =	simm.s32 $0x0  }
0x9b: {  	[tilespmem:s14], [sflag:$0x4] =	stream.linear.gather [hbm4b:s11+s2], $0xC00, $0x38;
	[tilespmem:$0x1FA00] =	vst v63  }
0x9c: {  	_ =	swait.ge [sflag:s12], $0xC00  }
0x9d: {  	[sflag:s12] =	ssyncset.done $0x0  }
0x9e: {  	[sflag:s12] =	ssyncadd.s32 $0xFFFFF400  }
0x9f: {  	[tilespmem:s16], [sflag:$0x1] =	stream.indirect.gather [hbm4b:s4+s15], $0x80, s14, s15, $0xb8;
	[tilespmem:$0x1FA00] =	vst v63  }
0xa0: {  	s2 =	rddreg [dreg:$0x5]  }
0xa1: {  	[tilespmem:s17], [sflag:$0x2] =	stream.indirect.gather [hbm4b:s4+s15], $0x80, s2, s15, $0xb8;
	[tilespmem:$0x1FA00] =	vst v63  }
0xa2: {  	s11 =	rddreg [dreg:$0x6]  }
0xa3: {  	[tilespmem:s18], [sflag:$0x3] =	stream.indirect.gather [hbm4b:s4+s15], $0x80, s11, s15, $0xb8;
	[tilespmem:$0x1FA00] =	vst v63  }
0xa4: {  	_ =	swait.ge [sflag:s19], $0x3C00  }
0xa5: {  	[sflag:s19] =	ssyncset.done $0x0  }
0xa6: {  	s11 =	rddreg [dreg:$0x7];
	[sflag:s19] =	ssyncadd.s32 $0xFFFFC400  }
0xa7: {  	[spmem:s1] =	stream.indirect.scatter.add.f32 [tilespmem:s16], [sflag:$0x4], $0x80, s11, s15, $0xb8;
	[tilespmem:$0x1FA00] =	vst v63  }
0xa8: {  	_ =	swait.ge [sflag:s12], $0x3C00  }
0xa9: {  	[sflag:s12] =	ssyncset.done $0x0  }
0xaa: {  	[sflag:s12] =	ssyncadd.s32 $0xFFFFC400  }
0xab: {  	_ =	swait.ge [sflag:s20], $0x3C00  }
0xac: {  	[sflag:s20] =	ssyncset.done $0x0  }
0xad: {  	s11 =	rddreg [dreg:$0x8];
	[sflag:s20] =	ssyncadd.s32 $0xFFFFC400  }
0xae: {  	[spmem:s1] =	stream.indirect.scatter.add.f32 [tilespmem:s17], [sflag:$0x4], $0x80, s11, s15, $0xb8;
	[tilespmem:$0x1FA00] =	vst v63  }
0xaf: {  	_ =	swait.ge [sflag:s12], $0x3C00  }
0xb0: {  	[sflag:s12] =	ssyncset.done $0x0  }
0xb1: {  	[sflag:s12] =	ssyncadd.s32 $0xFFFFC400  }
0xb2: {  	_ =	swait.ge [sflag:s21], $0x3C00  }
0xb3: {  	[sflag:s21] =	ssyncset.done $0x0  }
0xb4: {  	s11 =	rddreg [dreg:$0x9];
	[sflag:s21] =	ssyncadd.s32 $0xFFFFC400  }
0xb5: {  	[spmem:s1] =	stream.indirect.scatter.add.f32 [tilespmem:s18], [sflag:$0x4], $0x80, s11, s15, $0xb8;
	[tilespmem:$0x1FA00] =	vst v63  }
0xb6: {  	_ =	swait.ge [sflag:s12], $0x3C00  }
0xb7: {  	[sflag:s12] =	ssyncset.done $0x0  }
0xb8: {  	s2 =	rddreg [dreg:$0xa];
	[sflag:s12] =	ssyncadd.s32 $0xFFFFC400  }
0xb9: {  	[tilespmem:s16], [sflag:$0x1] =	stream.indirect.gather [hbm4b:s4+s15], $0x80, s2, s15, $0xb8;
	[tilespmem:$0x1FA00] =	vst v63  }
0xba: {  	s11 =	rddreg [dreg:$0xb]  }
0xbb: {  	[tilespmem:s17], [sflag:$0x2] =	stream.indirect.gather [hbm4b:s4+s15], $0x80, s11, s15, $0xb8;
	[tilespmem:$0x1FA00] =	vst v63  }
0xbc: {  	_ = 	snop  }
0xbd: {  	[tilespmem:s18], [sflag:$0x3] =	stream.indirect.gather [hbm4b:s4+s15], $0x80, s22, s15, $0xb8;
	[tilespmem:$0x1FA00] =	vst v63  }
0xbe: {  	_ =	swait.ge [sflag:s19], $0x3C00  }
0xbf: {  	[sflag:s19] =	ssyncset.done $0x0  }
0xc0: {  	[sflag:s19] =	ssyncadd.s32 $0xFFFFC400  }
0xc1: {  	[spmem:s1] =	stream.indirect.scatter.add.f32 [tilespmem:s16], [sflag:$0x4], $0x80, s23, s15, $0xb8;
	[tilespmem:$0x1FA00] =	vst v63  }
0xc2: {  	_ =	swait.ge [sflag:s12], $0x3C00  }
0xc3: {  	[sflag:s12] =	ssyncset.done $0x0  }
0xc4: {  	[sflag:s12] =	ssyncadd.s32 $0xFFFFC400  }
0xc5: {  	_ =	swait.ge [sflag:s20], $0x3C00  }
0xc6: {  	[sflag:s20] =	ssyncset.done $0x0  }
0xc7: {  	[sflag:s20] =	ssyncadd.s32 $0xFFFFC400  }
0xc8: {  	[spmem:s1] =	stream.indirect.scatter.add.f32 [tilespmem:s17], [sflag:$0x4], $0x80, s24, s15, $0xb8;
	[tilespmem:$0x1FA00] =	vst v63  }
0xc9: {  	_ =	swait.ge [sflag:s12], $0x3C00  }
0xca: {  	[sflag:s12] =	ssyncset.done $0x0  }
0xcb: {  	[sflag:s12] =	ssyncadd.s32 $0xFFFFC400  }
0xcc: {  	_ =	swait.ge [sflag:s21], $0x3C00  }
0xcd: {  	[sflag:s21] =	ssyncset.done $0x0  }
0xce: {  	[sflag:s21] =	ssyncadd.s32 $0xFFFFC400  }
0xcf: {  	[spmem:s1] =	stream.indirect.scatter.add.f32 [tilespmem:s18], [sflag:$0x4], $0x80, s25, s15, $0xb8;
	[tilespmem:$0x1FA00] =	vst v63  }
0xd0: {  	_ =	swait.ge [sflag:s12], $0x3C00  }
0xd1: {  	[sflag:s12] =	ssyncset.done $0x0  }
0xd2: {  	[sflag:s12] =	ssyncadd.s32 $0xFFFFC400  }
0xd3: {  	[tilespmem:s16], [sflag:$0x1] =	stream.indirect.gather [hbm4b:s4+s15], $0x80, s26, s15, $0xb8;
	[tilespmem:$0x1FA00] =	vst v63  }
0xd4: {  	_ = 	snop  }
0xd5: {  	[tilespmem:s17], [sflag:$0x2] =	stream.indirect.gather [hbm4b:s4+s15], $0x80, s28, s15, $0xb8;
	[tilespmem:$0x1FA00] =	vst v63  }
0xd6: {  	_ = 	snop  }
0xd7: {  	[tilespmem:s18], [sflag:$0x3] =	stream.indirect.gather [hbm4b:s4+s15], $0x80, s29, s15, $0xb8;
	[tilespmem:$0x1FA00] =	vst v63  }
0xd8: {  	_ =	swait.ge [sflag:s19], $0x3C00  }
0xd9: {  	[sflag:s19] =	ssyncset.done $0x0  }
0xda: {  	[sflag:s19] =	ssyncadd.s32 $0xFFFFC400  }
0xdb: {  	[spmem:s1] =	stream.indirect.scatter.add.f32 [tilespmem:s16], [sflag:$0x4], $0x80, s30, s15, $0xb8;
	[tilespmem:$0x1FA00] =	vst v63  }
0xdc: {  	_ =	swait.ge [sflag:s12], $0x3C00  }
0xdd: {  	[sflag:s12] =	ssyncset.done $0x0  }
0xde: {  	[sflag:s12] =	ssyncadd.s32 $0xFFFFC400  }
0xdf: {  	_ =	swait.ge [sflag:s20], $0x3C00  }
0xe0: {  	[sflag:s20] =	ssyncset.done $0x0  }
0xe1: {  	[sflag:s20] =	ssyncadd.s32 $0xFFFFC400  }
0xe2: {  	[spmem:s1] =	stream.indirect.scatter.add.f32 [tilespmem:s17], [sflag:$0x4], $0x80, s31, s15, $0xb8;
	[tilespmem:$0x1FA00] =	vst v63  }
0xe3: {  	_ =	swait.ge [sflag:s12], $0x3C00  }
0xe4: {  	[sflag:s12] =	ssyncset.done $0x0  }
0xe5: {  	[sflag:s12] =	ssyncadd.s32 $0xFFFFC400  }
0xe6: {  	_ =	swait.ge [sflag:s21], $0x3C00  }
0xe7: {  	[sflag:s21] =	ssyncset.done $0x0  }
0xe8: {  	[sflag:s21] =	ssyncadd.s32 $0xFFFFC400  }
0xe9: {  	[spmem:s1] =	stream.indirect.scatter.add.f32 [tilespmem:s18], [sflag:$0x4], $0x80, s0, s15, $0xb8;
	[tilespmem:$0x1FA00] =	vst v63  }
0xea: {  	_ =	swait.ge [sflag:s12], $0x3C00  }
0xeb: {  	[sflag:s12] =	ssyncset.done $0x0  }
0xec: {  	[sflag:s12] =	ssyncadd.s32 $0xFFFFC400  }
0xed: {  	[tilespmem:s16], [sflag:$0x1] =	stream.indirect.gather [hbm4b:s4+s15], $0x80, s3, s15, $0xb8;
	[tilespmem:$0x1FA00] =	vst v63  }
0xee: {  	_ = 	snop  }
0xef: {  	[tilespmem:s17], [sflag:$0x2] =	stream.indirect.gather [hbm4b:s4+s15], $0x80, s5, s15, $0xb8;
	[tilespmem:$0x1FA00] =	vst v63  }
0xf0: {  	_ = 	snop  }
0xf1: {  	[tilespmem:s18], [sflag:$0x3] =	stream.indirect.gather [hbm4b:s4+s15], $0x80, s7, s15, $0xb8;
	[tilespmem:$0x1FA00] =	vst v63  }
0xf2: {  	_ =	swait.ge [sflag:s19], $0x3C00  }
0xf3: {  	[sflag:s19] =	ssyncset.done $0x0  }
0xf4: {  	[sflag:s19] =	ssyncadd.s32 $0xFFFFC400  }
0xf5: {  	[spmem:s1] =	stream.indirect.scatter.add.f32 [tilespmem:s16], [sflag:$0x4], $0x80, s8, s15, $0xb8;
	[tilespmem:$0x1FA00] =	vst v63  }
0xf6: {  	_ =	swait.ge [sflag:s12], $0x3C00  }
0xf7: {  	[sflag:s12] =	ssyncset.done $0x0  }
0xf8: {  	[sflag:s12] =	ssyncadd.s32 $0xFFFFC400  }
0xf9: {  	_ =	swait.ge [sflag:s20], $0x3C00  }
0xfa: {  	[sflag:s20] =	ssyncset.done $0x0  }
0xfb: {  	[sflag:s20] =	ssyncadd.s32 $0xFFFFC400  }
0xfc: {  	[spmem:s1] =	stream.indirect.scatter.add.f32 [tilespmem:s17], [sflag:$0x4], $0x80, s9, s15, $0xb8;
	[tilespmem:$0x1FA00] =	vst v63  }
0xfd: {  	_ =	swait.ge [sflag:s12], $0x3C00  }
0xfe: {  	[sflag:s12] =	ssyncset.done $0x0  }
0xff: {  	[sflag:s12] =	ssyncadd.s32 $0xFFFFC400  }
0x100: {  	p1 =	sne.s32 s6, $0x900;
	_ =	swait.ge [sflag:s21], $0x3C00  }
.Ltmp0:
0x101: {  	[sflag:s21] =	ssyncset.done $0x0;
	(pc) =	sbr.rel @p1 .LBB2_2-.Ltmp0, $4  }
0x102: {  	[sflag:s21] =	ssyncadd.s32 $0xFFFFC400  }
0x103: {  	[spmem:s1] =	stream.indirect.scatter.add.f32 [tilespmem:s18], [sflag:$0x4], $0x80, s10, s15, $0xb8;
	[tilespmem:$0x1FA00] =	vst v63  }
0x104: {  	_ =	swait.ge [sflag:s12], $0x3C00  }
0x105: {  	s6 =	sadd.s32 $0x180, s6;
	s11 =	rddreg [dreg:$0x4];
	[sflag:s12] =	ssyncset.done $0x0  }
0x106: {  	[sflag:s12] =	ssyncadd.s32 $0xFFFFC400;
	s2 =	sadd.s32 s13, s11;
	s6 =	simm.s32 $0x0  }
0x107: {  	[tilespmem:s14], [sflag:$0x4] =	stream.linear.gather [hbm4b:s2+s6], $0xC00, $0x38;
	[tilespmem:$0x1FA00] =	vst v63  }
0x108: {  	_ =	swait.ge [sflag:s12], $0xC00  }
0x109: {  	[sflag:s12] =	ssyncset.done $0x0  }
0x10a: {  	[sflag:s12] =	ssyncadd.s32 $0xFFFFF400  }
0x10b: {  	[tilespmem:s16], [sflag:$0x1] =	stream.indirect.gather [hbm4b:s4+s15], $0x80, s14, s15, $0xb8;
	[tilespmem:$0x1FA00] =	vst v63  }
0x10c: {  	s11 =	rddreg [dreg:$0x5]  }
0x10d: {  	[tilespmem:s17], [sflag:$0x2] =	stream.indirect.gather [hbm4b:s4+s15], $0x80, s11, s15, $0xb8;
	[tilespmem:$0x1FA00] =	vst v63  }
0x10e: {  	s13 =	rddreg [dreg:$0x6]  }
0x10f: {  	[tilespmem:s18], [sflag:$0x3] =	stream.indirect.gather [hbm4b:s4+s15], $0x80, s13, s15, $0xb8;
	[tilespmem:$0x1FA00] =	vst v63  }
0x110: {  	_ =	swait.ge [sflag:s19], $0x3C00  }
0x111: {  	[sflag:s19] =	ssyncset.done $0x0  }
0x112: {  	s11 =	rddreg [dreg:$0x7];
	[sflag:s19] =	ssyncadd.s32 $0xFFFFC400  }
0x113: {  	[spmem:s1] =	stream.indirect.scatter.add.f32 [tilespmem:s16], [sflag:$0x4], $0x80, s11, s15, $0xb8;
	[tilespmem:$0x1FA00] =	vst v63  }
0x114: {  	_ =	swait.ge [sflag:s12], $0x3C00  }
0x115: {  	[sflag:s12] =	ssyncset.done $0x0  }
0x116: {  	[sflag:s12] =	ssyncadd.s32 $0xFFFFC400  }
0x117: {  	_ =	swait.ge [sflag:s20], $0x3C00  }
0x118: {  	[sflag:s20] =	ssyncset.done $0x0  }
0x119: {  	s13 =	rddreg [dreg:$0x8];
	[sflag:s20] =	ssyncadd.s32 $0xFFFFC400  }
0x11a: {  	[spmem:s1] =	stream.indirect.scatter.add.f32 [tilespmem:s17], [sflag:$0x4], $0x80, s13, s15, $0xb8;
	[tilespmem:$0x1FA00] =	vst v63  }
0x11b: {  	_ =	swait.ge [sflag:s12], $0x3C00  }
0x11c: {  	[sflag:s12] =	ssyncset.done $0x0  }
0x11d: {  	[sflag:s12] =	ssyncadd.s32 $0xFFFFC400  }
0x11e: {  	_ =	swait.ge [sflag:s21], $0x3C00  }
0x11f: {  	[sflag:s21] =	ssyncset.done $0x0  }
0x120: {  	s6 =	rddreg [dreg:$0x9];
	[sflag:s21] =	ssyncadd.s32 $0xFFFFC400  }
0x121: {  	[spmem:s1] =	stream.indirect.scatter.add.f32 [tilespmem:s18], [sflag:$0x4], $0x80, s6, s15, $0xb8;
	[tilespmem:$0x1FA00] =	vst v63  }
0x122: {  	_ =	swait.ge [sflag:s12], $0x3C00  }
0x123: {  	[sflag:s12] =	ssyncset.done $0x0  }
0x124: {  	s11 =	rddreg [dreg:$0xa];
	[sflag:s12] =	ssyncadd.s32 $0xFFFFC400  }
0x125: {  	[tilespmem:s16], [sflag:$0x1] =	stream.indirect.gather [hbm4b:s4+s15], $0x80, s11, s15, $0xb8;
	[tilespmem:$0x1FA00] =	vst v63  }
0x126: {  	s13 =	rddreg [dreg:$0xb]  }
0x127: {  	[tilespmem:s17], [sflag:$0x2] =	stream.indirect.gather [hbm4b:s4+s15], $0x80, s13, s15, $0xb8;
	[tilespmem:$0x1FA00] =	vst v63  }
0x128: {  	_ = 	snop  }
0x129: {  	[tilespmem:s18], [sflag:$0x3] =	stream.indirect.gather [hbm4b:s4+s15], $0x80, s22, s15, $0xb8;
	[tilespmem:$0x1FA00] =	vst v63  }
0x12a: {  	_ =	swait.ge [sflag:s19], $0x3C00  }
0x12b: {  	[sflag:s19] =	ssyncset.done $0x0  }
0x12c: {  	[sflag:s19] =	ssyncadd.s32 $0xFFFFC400  }
0x12d: {  	[spmem:s1] =	stream.indirect.scatter.add.f32 [tilespmem:s16], [sflag:$0x4], $0x80, s23, s15, $0xb8;
	[tilespmem:$0x1FA00] =	vst v63  }
0x12e: {  	_ =	swait.ge [sflag:s12], $0x3C00  }
0x12f: {  	[sflag:s12] =	ssyncset.done $0x0  }
0x130: {  	[sflag:s12] =	ssyncadd.s32 $0xFFFFC400  }
0x131: {  	_ =	swait.ge [sflag:s20], $0x3C00  }
0x132: {  	[sflag:s20] =	ssyncset.done $0x0  }
0x133: {  	[sflag:s20] =	ssyncadd.s32 $0xFFFFC400  }
0x134: {  	[spmem:s1] =	stream.indirect.scatter.add.f32 [tilespmem:s17], [sflag:$0x4], $0x80, s24, s15, $0xb8;
	[tilespmem:$0x1FA00] =	vst v63  }
0x135: {  	_ =	swait.ge [sflag:s12], $0x3C00  }
0x136: {  	[sflag:s12] =	ssyncset.done $0x0  }
0x137: {  	[sflag:s12] =	ssyncadd.s32 $0xFFFFC400  }
0x138: {  	_ =	swait.ge [sflag:s21], $0x3C00  }
0x139: {  	[sflag:s21] =	ssyncset.done $0x0  }
0x13a: {  	[sflag:s21] =	ssyncadd.s32 $0xFFFFC400  }
0x13b: {  	[spmem:s1] =	stream.indirect.scatter.add.f32 [tilespmem:s18], [sflag:$0x4], $0x80, s25, s15, $0xb8;
	[tilespmem:$0x1FA00] =	vst v63  }
0x13c: {  	_ =	swait.ge [sflag:s12], $0x3C00  }
0x13d: {  	[sflag:s12] =	ssyncset.done $0x0  }
0x13e: {  	[sflag:s12] =	ssyncadd.s32 $0xFFFFC400  }
0x13f: {  	[tilespmem:s16], [sflag:$0x1] =	stream.indirect.gather [hbm4b:s4+s15], $0x80, s26, s15, $0xb8;
	[tilespmem:$0x1FA00] =	vst v63  }
0x140: {  	_ = 	snop  }
0x141: {  	[tilespmem:s17], [sflag:$0x2] =	stream.indirect.gather [hbm4b:s4+s15], $0x80, s28, s15, $0xb8;
	[tilespmem:$0x1FA00] =	vst v63  }
0x142: {  	_ = 	snop  }
0x143: {  	[tilespmem:s18], [sflag:$0x3] =	stream.indirect.gather [hbm4b:s4+s15], $0x80, s29, s15, $0xb8;
	[tilespmem:$0x1FA00] =	vst v63  }
0x144: {  	_ =	swait.ge [sflag:s19], $0x3C00  }
0x145: {  	[sflag:s19] =	ssyncset.done $0x0  }
0x146: {  	[sflag:s19] =	ssyncadd.s32 $0xFFFFC400  }
0x147: {  	[spmem:s1] =	stream.indirect.scatter.add.f32 [tilespmem:s16], [sflag:$0x4], $0x80, s30, s15, $0xb8;
	[tilespmem:$0x1FA00] =	vst v63  }
0x148: {  	_ =	swait.ge [sflag:s12], $0x3C00  }
0x149: {  	[sflag:s12] =	ssyncset.done $0x0  }
0x14a: {  	[sflag:s12] =	ssyncadd.s32 $0xFFFFC400  }
0x14b: {  	_ =	swait.ge [sflag:s20], $0x3C00  }
0x14c: {  	[sflag:s20] =	ssyncset.done $0x0  }
0x14d: {  	[sflag:s20] =	ssyncadd.s32 $0xFFFFC400  }
0x14e: {  	[spmem:s1] =	stream.indirect.scatter.add.f32 [tilespmem:s17], [sflag:$0x4], $0x80, s31, s15, $0xb8;
	[tilespmem:$0x1FA00] =	vst v63  }
0x14f: {  	_ =	swait.ge [sflag:s12], $0x3C00  }
0x150: {  	[sflag:s12] =	ssyncset.done $0x0  }
0x151: {  	[sflag:s12] =	ssyncadd.s32 $0xFFFFC400  }
0x152: {  	_ =	swait.ge [sflag:s21], $0x3C00  }
0x153: {  	[sflag:s21] =	ssyncset.done $0x0  }
0x154: {  	[sflag:s21] =	ssyncadd.s32 $0xFFFFC400  }
0x155: {  	[spmem:s1] =	stream.indirect.scatter.add.f32 [tilespmem:s18], [sflag:$0x4], $0x80, s0, s15, $0xb8;
	[tilespmem:$0x1FA00] =	vst v63  }
0x156: {  	_ =	swait.ge [sflag:s12], $0x3C00  }
0x157: {  	[sflag:s12] =	ssyncset.done $0x0  }
0x158: {  	[sflag:s12] =	ssyncadd.s32 $0xFFFFC400  }
0x159: {  	[tilespmem:s16], [sflag:$0x1] =	stream.indirect.gather [hbm4b:s4+s15], $0x80, s3, s15, $0xb8;
	[tilespmem:$0x1FA00] =	vst v63  }
0x15a: {  	_ = 	snop  }
0x15b: {  	[tilespmem:s17], [sflag:$0x2] =	stream.indirect.gather [hbm4b:s4+s15], $0x80, s5, s15, $0xb8;
	[tilespmem:$0x1FA00] =	vst v63  }
0x15c: {  	_ = 	snop  }
0x15d: {  	[tilespmem:s18], [sflag:$0x3] =	stream.indirect.gather [hbm4b:s4+s15], $0x80, s7, s15, $0xb8;
	[tilespmem:$0x1FA00] =	vst v63  }
0x15e: {  	_ =	swait.ge [sflag:s19], $0x3C00  }
0x15f: {  	[sflag:s19] =	ssyncset.done $0x0  }
0x160: {  	[sflag:s19] =	ssyncadd.s32 $0xFFFFC400  }
0x161: {  	[spmem:s1] =	stream.indirect.scatter.add.f32 [tilespmem:s16], [sflag:$0x4], $0x80, s8, s15, $0xb8;
	[tilespmem:$0x1FA00] =	vst v63  }
0x162: {  	_ =	swait.ge [sflag:s12], $0x3C00  }
0x163: {  	[sflag:s12] =	ssyncset.done $0x0  }
0x164: {  	[sflag:s12] =	ssyncadd.s32 $0xFFFFC400  }
0x165: {  	_ =	swait.ge [sflag:s20], $0x3C00  }
0x166: {  	[sflag:s20] =	ssyncset.done $0x0  }
0x167: {  	[sflag:s20] =	ssyncadd.s32 $0xFFFFC400  }
0x168: {  	[spmem:s1] =	stream.indirect.scatter.add.f32 [tilespmem:s17], [sflag:$0x4], $0x80, s9, s15, $0xb8;
	[tilespmem:$0x1FA00] =	vst v63  }
0x169: {  	_ =	swait.ge [sflag:s12], $0x3C00  }
0x16a: {  	[sflag:s12] =	ssyncset.done $0x0  }
0x16b: {  	[sflag:s12] =	ssyncadd.s32 $0xFFFFC400  }
0x16c: {  	_ =	swait.ge [sflag:s21], $0x3C00  }
0x16d: {  	[sflag:s21] =	ssyncset.done $0x0  }
0x16e: {  	[sflag:s21] =	ssyncadd.s32 $0xFFFFC400  }
0x16f: {  	[spmem:s1] =	stream.indirect.scatter.add.f32 [tilespmem:s18], [sflag:$0x4], $0x80, s10, s15, $0xb8;
	[tilespmem:$0x1FA00] =	vst v63  }
0x170: {  	_ =	swait.ge [sflag:s12], $0x3C00  }
0x171: {  	[sflag:s12] =	ssyncset.done $0x0  }
0x172: {  	[sflag:s12] =	ssyncadd.s32 $0xFFFFC400  }
0x173: {  	[bflag:$0x0] =	sbarrier.arrive $0xFFFF  }
0x174: {  	s13 =	rddreg [dreg:$0xd]  }
0x175: {  	s6 =	rddreg [dreg:$0xf]  }
0x176: {  	s11 =	rddreg [dreg:$0x12]  }
0x177: {  	[hbm:s6], [sflag:s13] =	dma.local [spmem:s11], $0x2700  }
0x178: {  	_ =	swait.ge [sflag:s12], $0x2700  }
0x179: {  	[sflag:s12] =	ssyncset.done $0x0;
	s2 =	rddreg [dreg:$0x10]  }
0x17a: {  	s6 =	simm.s32 @!p0 $0x4;
	s11 =	rddreg [dreg:$0x13];
	[sflag:s12] =	ssyncadd.s32 $0xFFFFD900  }
0x17b: {  	[hbm:s2], [sflag:s13] =	dma.local @!p0 [spmem:s11], $0x100  }
0x17c: {  	_ =	swait.ge @!p0 [sflag:s6], $0x100  }
0x17d: {  	s2 =	rddreg [dreg:$0x14]  }
0x17e: {  	[sflag:s6] =	ssyncset.done @!p0 $0x0;
	s6 =	rddreg [dreg:$0x11];
	s2 =	sadd.s32 $0x1, s2  }
0x17f: {  	p1 =	sne.s32 s2, s6  }
.Ltmp1:
0x180: {  	_ = 	snop;
	(pc) =	sbr.rel @p1 .LBB2_1-.Ltmp1, $3  }
0x181: {  	_ =	sdelay $0x1  }
0x182: {  	[dreg:$0x14] =	wrdreg s2;
	s2 =	simm.s32 @!p0 $0x4  }
0x183: {  	s6 =	smov.u32 s11;
	s11 =	rddreg [dreg:$0x12];
	[sflag:s2] =	ssyncadd.s32 @!p0 $0xFFFFFF00  }
0x184: {  	_ =	sfence.sel $0x180000  }
0x185: {  	[bflag:$0x0] =	sbarrier.arrive $0xFFFF  }
0x186: {  	_ =	strace $0x9000004D  }
0x187: {  	s0 =	stileid.u32;
	[bflag:$0x2] =	sbarrier.arrive $0xFFFF  }
0x188: {  	p0 =	sne.s32 s0, $0x0;
	s0 =	rddreg [dreg:$0x3]  }
0x189: {  	s0 =	sadd.s32 @!p0 $0x100000, s0  }
0x18a: {  	[sflag:s0] =	ssyncadd.tile.s32 @!p0 $0x1;
	_ =	shalt  }
.Lfunc_end2:
_tile_overlayer_lowered:
.L_overlay_start_2:
0x18b: {  	(tag) =	ssettag $0x2  }
0x18c: {  	s0 =	rddreg [dreg:$0x0];
	s2 =	stileid.u32  }
0x18d: {  	s1 =	rddreg [dreg:$0x1];
	p0 =	sne.s32 s2, $0x0  }
0x18e: {  	s3 =	rddreg [dreg:$0x2];
	[bflag:$0x3] =	sbarrier.arrive $0xFFFF;
	s2 =	simm.s32 @!p0 $0x1C04  }
0x18f: {  	[timem:s3], [sflag:s2] =	dma.local @!p0 [hbm:s0], s1  }
0x190: {  	s0 =	simm.s32 @!p0 $0x4  }
0x191: {  	_ =	swait.ge @!p0 [sflag:s0], s1  }
0x192: {  	s1 =	ssub.s32 @!p0 $0x0, s1;
	[sflag:s0] =	ssyncset.done @!p0 $0x0  }
0x193: {  	[sflag:s0] =	ssyncadd.s32 @!p0 s1  }
0x194: {  	[bflag:$0x3] =	sbarrier.arrive $0xFFFF  }
0x195: {  	_ =	shalt  }

// kernel: kernel.8.cloned.1.call-start
scs
__scs_entry_jumppad:
0x0: {  	(pc) =	sbr.rel $0x88, $3  }
0x1: {  	(tag) =	ssettag $0x0;
	lr =	simm.s32 $0x1  }
0x2: {  	[smem:$0x3F97] =	sst lr;
	_ =	strace $0xD0000000  }
0x3: {  	_ = 	snop  }
0x4: {  	_ = 	snop  }
0x5: {  	_ = 	snop  }
0x6: {  	_ = 	snop  }
0x7: {  	_ = 	snop  }
__scs_overlays_trampoline_lowered:
0x8: {  	[smem:$0x3FA6] =	sst s0  }
0x9: {  	[smem:$0x3FA7] =	sst s1  }
0xa: {  	[smem:$0x3FA8] =	sst s2  }
0xb: {  	[smem:$0x3FA9] =	sst s3  }
0xc: {  	[smem:$0x3FAA] =	sst s4  }
0xd: {  	[smem:$0x3FAB] =	sst s5  }
0xe: {  	[smem:$0x3FAC] =	sst s6  }
0xf: {  	[smem:$0x3FAD] =	sst s7  }
0x10: {  	[smem:$0x3FAE] =	sst s8  }
0x11: {  	[smem:$0x3FAF] =	sst s9;
	s0 =	simm.s32 @!p0 $0x0  }
0x12: {  	s1 =	sld [smem:$0x3F95];
	s0 =	simm.s32 @p0 $0x1  }
0x13: {  	[smem:$0x3FB0] =	sst s0;
	s0 =	simm.s32 @!p1 $0x0  }
0x14: {  	s2 =	sld [smem:$0x3F94];
	s0 =	simm.s32 @p1 $0x1  }
0x15: {  	[smem:$0x3FB1] =	sst s0;
	s0 =	simm.s32 @!p2 $0x0  }
0x16: {  	s3 =	sld [smem:$0x3FDB];
	s0 =	simm.s32 @p2 $0x1  }
0x17: {  	s4 =	simm.s32 $0x1BF5;
	[smem:$0x3FB3] =	sst s0  }
0x18: {  	s0 =	sld [smem:$0x3F96];
	_ =	swait.ge [sflag:s4], $0x0  }
0x19: {  	s7 =	sld [smem:$0x3F97]  }
0x1a: {  	s8 =	sadd.s32 $0xFFFFE003, lr  }
0x1b: {  	s9 =	sadd.s32 $0xFFFFFEF7, lr;
	s5 =	simm.s32 $0xFFFFFFFF;
	p2 =	slt.u32 s8, $0xFFFFF086  }
0x1c: {  	p1 =	slt.u32 s9, $0xF7A;
	s5 =	simm.s32 @!p2 $0x0  }
0x1d: {  	s5 =	simm.s32 @p1 $0x1;
	p0 =	seq.s32 s7, s2  }
0x1e: {  	s7 =	smul.u32 @!p0 $0xF7A, s2;
	p2 =	seq.s32 @!p0 s5, $0x0  }
0x1f: {  	s9 =	smul.u32 $0xF7A, s1;
	s8 =	simm.s32 @!p0 $0x1BF5;
	p2 =	por !p2, p0  }
0x20: {  	[sflag:s8] =	ssyncset.s32 @!p0 $0xFFFFF086;
	s6 =	sadd.s32 @!p0 s3, s7;
	s7 =	simm.s32 @!p0 $0x108  }
0x21: {  	s3 =	sadd.s32 s3, s9;
	s6 =	sadd.s32 @!p0 $0x88, s6;
	s7 =	simm.s32 @p2 $0x1082  }
0x22: {  	[simem:s7], [sflag:s8] =	dma.local @!p0 [hbm:s6], $0xF7A  }
0x23: {  	s9 =	sor.u32 $0xD0000000, s2;
	s6 =	simm.s32 $0x108;
	_ =	swait.ge @!p0 [sflag:s8], $0x0  }
0x24: {  	s3 =	sadd.s32 $0x88, s3;
	s6 =	simm.s32 @!p1 $0x1082;
	[sflag:s4] =	ssyncset.s32 $0xFFFFF086  }
0x25: {  	[simem:s6], [sflag:s4] =	dma.local [hbm:s3], $0xF7A  }
0x26: {  	[smem:$0x3F97] =	sst s1;
	(tag) =	ssettag s2;
	_ =	strace s9  }
0x27: {  	s1 =	sld [smem:$0x3FA7]  }
0x28: {  	s2 =	sld [smem:$0x3FA8]  }
0x29: {  	s4 =	sld [smem:$0x3FAA]  }
0x2a: {  	p0 =	seq.s32 s5, $0x0;
	s5 =	sld [smem:$0x3FAB]  }
0x2b: {  	s6 =	sld [smem:$0x3FAC]  }
0x2c: {  	s7 =	sld [smem:$0x3FAD]  }
0x2d: {  	s3 =	simm.s32 $0x108;
	s8 =	sld [smem:$0x3FAE]  }
0x2e: {  	s3 =	simm.s32 @!p0 $0x1082;
	s9 =	sld [smem:$0x3FAF]  }
0x2f: {  	lr =	sadd.s32 s0, s3;
	s0 =	sld [smem:$0x3FA6]  }
0x30: {  	s3 =	sld [smem:$0x3FA9]  }
0x31: {  	[smem:$0x3FB2] =	sst s10  }
0x32: {  	s10 =	sld [smem:$0x3FB0];
	_ =	sdelay $0x3  }
0x33: {  	p0 =	seq.s32 s10, $0x1;
	s10 =	sld [smem:$0x3FB2];
	_ =	sdelay $0x3  }
0x34: {  	[smem:$0x3FB2] =	sst s10  }
0x35: {  	s10 =	sld [smem:$0x3FB1];
	_ =	sdelay $0x3  }
0x36: {  	p1 =	seq.s32 s10, $0x1;
	s10 =	sld [smem:$0x3FB2];
	_ =	sdelay $0x3  }
0x37: {  	[smem:$0x3FB2] =	sst s10  }
0x38: {  	s10 =	sld [smem:$0x3FB3]  }
0x39: {  	_ = 	snop;
	(pc) =	sbr.ind lr, $3  }
0x3a: {  	_ = 	snop  }
0x3b: {  	_ = 	snop  }
0x3c: {  	p2 =	seq.s32 s10, $0x1;
	s10 =	sld [smem:$0x3FB2]  }
0x3d: {  	_ =	shalt  }
0x3e: {  	_ =	shalt  }
0x3f: {  	_ =	shalt  }
0x40: {  	_ =	shalt  }
0x41: {  	_ =	shalt  }
0x42: {  	_ =	shalt  }
0x43: {  	_ =	shalt  }
0x44: {  	_ =	shalt  }
0x45: {  	_ =	shalt  }
0x46: {  	_ =	shalt  }
0x47: {  	_ =	shalt  }
0x48: {  	_ =	shalt  }
0x49: {  	_ =	shalt  }
0x4a: {  	_ =	shalt  }
0x4b: {  	_ =	shalt  }
0x4c: {  	_ =	shalt  }
0x4d: {  	_ =	shalt  }
0x4e: {  	_ =	shalt  }
0x4f: {  	_ =	shalt  }
0x50: {  	_ =	shalt  }
0x51: {  	_ =	shalt  }
0x52: {  	_ =	shalt  }
0x53: {  	_ =	shalt  }
0x54: {  	_ =	shalt  }
0x55: {  	_ =	shalt  }
0x56: {  	_ =	shalt  }
0x57: {  	_ =	shalt  }
0x58: {  	_ =	shalt  }
0x59: {  	_ =	shalt  }
0x5a: {  	_ =	shalt  }
0x5b: {  	_ =	shalt  }
0x5c: {  	_ =	shalt  }
0x5d: {  	_ =	shalt  }
0x5e: {  	_ =	shalt  }
0x5f: {  	_ =	shalt  }
0x60: {  	_ =	shalt  }
0x61: {  	_ =	shalt  }
0x62: {  	_ =	shalt  }
0x63: {  	_ =	shalt  }
0x64: {  	_ =	shalt  }
0x65: {  	_ =	shalt  }
0x66: {  	_ =	shalt  }
0x67: {  	_ =	shalt  }
0x68: {  	_ =	shalt  }
0x69: {  	_ =	shalt  }
0x6a: {  	_ =	shalt  }
0x6b: {  	_ =	shalt  }
0x6c: {  	_ =	shalt  }
0x6d: {  	_ =	shalt  }
0x6e: {  	_ =	shalt  }
0x6f: {  	_ =	shalt  }
0x70: {  	_ =	shalt  }
0x71: {  	_ =	shalt  }
0x72: {  	_ =	shalt  }
0x73: {  	_ =	shalt  }
0x74: {  	_ =	shalt  }
0x75: {  	_ =	shalt  }
0x76: {  	_ =	shalt  }
0x77: {  	_ =	shalt  }
0x78: {  	_ =	shalt  }
0x79: {  	_ =	shalt  }
0x7a: {  	_ =	shalt  }
0x7b: {  	_ =	shalt  }
0x7c: {  	_ =	shalt  }
0x7d: {  	_ =	shalt  }
0x7e: {  	_ =	shalt  }
0x7f: {  	_ =	shalt  }
0x80: {  	_ =	shalt  }
0x81: {  	_ =	shalt  }
0x82: {  	_ =	shalt  }
0x83: {  	_ =	shalt  }
0x84: {  	_ =	shalt  }
0x85: {  	_ =	shalt  }
0x86: {  	_ =	shalt  }
0x87: {  	_ =	shalt  }
.Lfunc_end0:
.L_simem_size_0:
called_computation_lowered:
.L_overlay_start_0:
0x88: {  	s2 =	sld [smem:$0x3FD9]  }
0x89: {  	s3 =	sld [smem:$0x3FFE];
	_ =	sdelay $0x1  }
0x8a: {  	s1 =	srdreg.scid  }
0x8b: {  	s0 =	sand.u32 $0x1, s1  }
0x8c: {  	s17 =	sshll.u32 s0, $0xA;
	s2 =	sadd.s32 s3, s2  }
0x8d: {  	s2 =	sadd.s32 s2, s17  }
0x8e: {  	[smem:$0x3FBE] =	sst s2  }
0x8f: {  	_ = 	snop  }
0x90: {  	s2 =	sld [smem:$0x3FC9]  }
0x91: {  	s18 =	sld [smem:$0x3FD0];
	(tm) =	ssettm $0x1  }
0x92: {  	s4 =	sld [smem:$0x3FFB];
	_ =	sdelay $0x3  }
0x93: {  	_ =	strace s4  }
0x94: {  	s4 =	sld [smem:$0x3FFC];
	_ =	sdelay $0x3  }
0x95: {  	_ =	strace s4  }
0x96: {  	s4 =	sld [smem:$0x3FFD];
	_ =	sdelay $0x3  }
0x97: {  	_ =	strace s4  }
0x98: {  	_ =	strace $0x8FFFFFFF  }
0x99: {  	s19 =	sld [smem:$0x3FDB];
	_ =	sdelay $0x1  }
0x9a: {  	s5 =	simm.s32 $_scs_section_size  }
0x9b: {  	s6 =	simm.s32 $_size__tile_overlayer_lowered;
	s7 =	simm.s32 $_tile_overlayer_lowered  }
0x9c: {  	s22 =	simm.s32 $0x1BFF;
	s21 =	sshll.u32 s7, $0x1;
	s4 =	sadd.s32 s5, s19  }
0x9d: {  	s8 =	simm.s32 $0x0;
	s20 =	sshll.u32 s6, $0x1;
	s6 =	sadd.s32 s21, s4  }
0x9e: {  	[timem:s8], [sflag:s22] =	dma.local [hbm:s6], s20  }
0x9f: {  	_ =	swait.ge [sflag:s22], s20  }
0xa0: {  	s5 =	ssub.s32 $0x0, s20;
	[sflag:s22] =	ssyncset.done $0x0  }
0xa1: {  	[sflag:s22] =	ssyncadd.s32 s5;
	_ =	sdelay $0x1  }
0xa2: {  	s23 =	simm.s32 $0x1B8B  }
0xa3: {  	_ =	swait.ge [sflag:s23], $0x1  }
0xa4: {  	[sflag:s23] =	ssyncset.done $0x0  }
0xa5: {  	s25 =	simm.s32 $0x1B8E;
	s24 =	sld [smem:$0x3FFE];
	[sflag:s23] =	ssyncadd.s32 $0xFFFFFFFF  }
0xa6: {  	s26 =	simm.s32 $execute0_lowered;
	[smem:$0x3FD2] =	sst s25  }
0xa7: {  	s6 =	sshll.u32 s26, $0x1;
	_ =	strace $0x80000046;
	[dreg:$0x1] =	wrdreg $0xFFFFFFFF  }
0xa8: {  	s28 =	simm.s32 $_size_execute0_lowered;
	s4 =	sadd.s32 s4, s6;
	[dreg:$0x0] =	wrdreg $0x0  }
0xa9: {  	s6 =	sshll.u32 s28, $0x1;
	[dreg:$0x2] =	wrdreg s4  }
0xaa: {  	[dreg:$0x3] =	wrdreg s6  }
0xab: {  	[dreg:$0x4] =	wrdreg $0xC0  }
0xac: {  	_ =	task [dreg:s8], $0x5FFFF  }
0xad: {  	[dreg:$0x1] =	wrdreg $0xFFFFFFFF  }
0xae: {  	[dreg:$0x0] =	wrdreg $0x60  }
0xaf: {  	[dreg:$0x2] =	wrdreg s2  }
0xb0: {  	[dreg:$0x3] =	wrdreg s24  }
0xb1: {  	[dreg:$0x4] =	wrdreg s18  }
0xb2: {  	[dreg:$0x5] =	wrdreg $0x0  }
0xb3: {  	[dreg:$0x6] =	wrdreg $0x9  }
0xb4: {  	_ =	task.clear_ibuf [dreg:s8], $0x7FFFF;
	_ =	strace $0x90000046  }
0xb5: {  	s29 =	simm.s32 $0x9;
	_ =	strace $0x80000048  }
0xb6: {  	_ =	swait.ge [sflag:s29], $0x1  }
0xb7: {  	[sflag:s29] =	ssyncadd.s32 $0xFFFFFFFF  }
0xb8: {  	_ =	strace $0x90000048  }
0xb9: {  	_ =	sfence  }
0xba: {  	s30 =	sld [smem:$0x0];
	_ =	sdelay $0x2  }
0xbb: {  	s31 =	sshll.u32 s1, $0xD;
	s1 =	sshrl.u32 s1, $0x2  }
0xbc: {  	s3 =	sand.u32 $0x4000, s31;
	s1 =	sadd.s32 s1, s30  }
0xbd: {  	s0 =	sor.u32 s3, s0;
	s1 =	sshll.u32 s1, $0x11  }
0xbe: {  	s0 =	sor.u32 s1, s0  }
0xbf: {  	s0 =	sadd.s32 $0x8F2B, s0  }
0xc0: {  	[sflag:s0] =	ssyncadd.remote.s32 $0x1  }
0xc1: {  	_ =	sfence.sel $0xFFFF  }
0xc2: {  	[dreg:$0x0] =	wrdreg $0xFFFFFFFF;
	(pc) =	sbr.abs _section_cstart, $3  }
0xc3: {  	[dreg:$0x1] =	wrdreg $0xFFFFFFFF  }
0xc4: {  	_ =	task.clear_ibuf [dreg:s8], $0x2FFFF;
	_ =	strace $0x9FFFFFFF  }
0xc5: {  	(tm) =	ssettm $0x7FFFFFFF  }
tec
execute0_lowered:
.L_overlay_start_1:
0x0: {  	(tag) =	ssettag $0x1  }
0x1: {  	s1 =	rddreg [dreg:$0x0]  }
0x2: {  	s0 =	rddreg [dreg:$0x1]  }
0x3: {  	s4 =	rddreg [dreg:$0x2]  }
0x4: {  	s2 =	rddreg [dreg:$0x3];
	s3 =	simm.s32 $0x0;
	s5 =	srdreg.scid  }
0x5: {  	s12 =	stileid.u32;
	s20 =	simm.s32 $0x13B00;
	s21 =	simm.s32 $0x13C00  }
0x6: {  	s22 =	simm.s32 $0x13A80;
	s23 =	simm.s32 $0x13B80;
	s24 =	simm.s32 $0x13C80  }
0x7: {  	s25 =	simm.s32 $0x13D00;
	s26 =	simm.s32 $0x13E00;
	s28 =	simm.s32 $0x14100  }
0x8: {  	s29 =	simm.s32 $0x14200;
	s30 =	simm.s32 $0x14080;
	s31 =	simm.s32 $0x14180  }
0x9: {  	[smem:$0x7FF] =	sst s3;
	s5 =	sand.u32 $0x1, s5;
	s7 =	smul.u32 $0x4E000, s12  }
0xa: {  	s9 =	smul.u32 $0x13800, s12;
	_ =	strace $0x80000047;
	[dreg:$0x6] =	wrdreg s20  }
0xb: {  	s15 =	sshll.u32 s12, $0x6;
	s11 =	smul.u32 $0xA80, s12;
	[dreg:$0x7] =	wrdreg s21  }
0xc: {  	p0 =	sne.s32 s12, $0xF;
	s12 =	simm.s32 $0x4;
	[dreg:$0x8] =	wrdreg s22  }
0xd: {  	s3 =	simm.s32 $0x0;
	s6 =	smul.u32 $0xA800, s5;
	[dreg:$0x9] =	wrdreg s23  }
0xe: {  	s8 =	ssub.s32 $0x2, s5;
	s5 =	smul.u32 $0x138800, s5;
	[dreg:$0xa] =	wrdreg s24  }
0xf: {  	s13 =	sor.u32 $0x1C04, s15;
	s15 =	simm.s32 $0x78;
	[dreg:$0xb] =	wrdreg s25  }
0x10: {  	s20 =	simm.s32 $0x2;
	s21 =	simm.s32 $0x3;
	[dreg:$0xc] =	wrdreg s26  }
0x11: {  	s22 =	simm.s32 $0x13F00;
	s23 =	simm.s32 $0x13D80;
	s24 =	simm.s32 $0x13E80  }
0x12: {  	s25 =	simm.s32 $0x13F80;
	s26 =	simm.s32 $0x14000;
	[dreg:$0x15] =	wrdreg s3  }
0x13: {  	s10 =	sshrl.u32 s8, $0x1;
	s7 =	sshrl.u32 s7, $0x2;
	s14 =	sshrl.u32 s9, $0x3  }
0x14: {  	[dreg:$0xe] =	wrdreg s13;
	s6 =	sadd.s32 s6, s0;
	s0 =	sadd.s32 $0x18A00, s0  }
0x15: {  	s8 =	ssub.s32 s8, s10;
	s7 =	sadd.s32 s7, s2;
	s10 =	sadd.s32 s4, s14  }
0x16: {  	s4 =	sadd.s32 $0x27000, s4;
	s16 =	sadd.s32 s9, s5;
	s5 =	sshrl.u32 s5, $0x3  }
0x17: {  	s14 =	simm.s32 $0x13A00;
	s9 =	simm.s32 $0x14480;
	[dreg:$0xd] =	wrdreg s10  }
0x18: {  	s10 =	sadd.s32 $0x138000, s2;
	[dreg:$0xf] =	wrdreg s4;
	s4 =	sshrl.u32 s16, $0x3  }
0x19: {  	s5 =	sadd.s32 s0, s5;
	s6 =	sadd.s32 s11, s6;
	s19 =	smax.u32 s8, $0x1  }
0x1a: {  	s11 =	sshrl.u32 s7, $0x3;
	s16 =	simm.s32 $0x14600;
	s7 =	simm.s32 $0x14500  }
0x1b: {  	s8 =	simm.s32 $0x14380;
	s0 =	sadd.s32 s0, s4;
	[dreg:$0x12] =	wrdreg s19  }
0x1c: {  	s17 =	sadd.s32 $0x27000, s5;
	s18 =	sadd.s32 $0x3A00, s6;
	[dreg:$0x13] =	wrdreg s11  }
0x1d: {  	s6 =	sshrl.u32 @!p0 s10, $0x3;
	s19 =	simm.s32 $0x1;
	[dreg:$0x10] =	wrdreg s0  }
0x1e: {  	s4 =	simm.s32 $0x14300;
	s5 =	simm.s32 $0x14400;
	[dreg:$0x11] =	wrdreg s17  }
0x1f: {  	s10 =	simm.s32 $0x14580;
	[dreg:$0x5] =	wrdreg s18;
	s17 =	simm.s32 $0x18200  }
0x20: {  	s18 =	simm.s32 $0x1BE00;
	s0 =	simm.s32 $0x14280;
	[dreg:$0x14] =	wrdreg s6  }
.LBB2_1:
0x21: {  	s3 =	rddreg [dreg:$0xd]  }
0x22: {  	[spmem:s11], [sflag:s13] =	dma.local [hbm:s3], $0x2700  }
0x23: {  	_ =	swait.ge [sflag:s12], $0x2700  }
0x24: {  	[sflag:s12] =	ssyncset.done $0x0  }
0x25: {  	s3 =	rddreg [dreg:$0xf];
	[sflag:s12] =	ssyncadd.s32 $0xFFFFD900  }
0x26: {  	[spmem:s6], [sflag:s13] =	dma.local @!p0 [hbm:s3], $0x100  }
0x27: {  	s6 =	simm.s32 @!p0 $0x4  }
0x28: {  	_ =	swait.ge @!p0 [sflag:s6], $0x100  }
0x29: {  	[sflag:s6] =	ssyncset.done @!p0 $0x0  }
0x2a: {  	[sflag:s6] =	ssyncadd.s32 @!p0 $0xFFFFFF00  }
0x2b: {  	[bflag:$0x0] =	sbarrier.arrive $0xFFFF  }
0x2c: {  	s3 =	rddreg [dreg:$0x5]  }
0x2d: {  	s11 =	simm.s32 $0x0;
	s6 =	sadd.s32 $0x0, s3  }
0x2e: {  	[tilespmem:s14], [sflag:$0x4] =	stream.linear.gather [hbm4b:s6+s11], $0xC00, $0x38;
	[tilespmem:$0x1FA00] =	vst v63  }
0x2f: {  	_ =	swait.ge [sflag:s12], $0xC00  }
0x30: {  	[sflag:s12] =	ssyncset.done $0x0  }
0x31: {  	[sflag:s12] =	ssyncadd.s32 $0xFFFFF400  }
0x32: {  	[tilespmem:s16], [sflag:$0x1] =	stream.indirect.gather [hbm4b:s1+s15], $0x80, s14, s15, $0xb8;
	[tilespmem:$0x1FA00] =	vst v63  }
0x33: {  	s13 =	rddreg [dreg:$0x6]  }
0x34: {  	[tilespmem:s17], [sflag:$0x2] =	stream.indirect.gather [hbm4b:s1+s15], $0x80, s13, s15, $0xb8;
	[tilespmem:$0x1FA00] =	vst v63  }
0x35: {  	s3 =	rddreg [dreg:$0x7]  }
0x36: {  	[tilespmem:s18], [sflag:$0x3] =	stream.indirect.gather [hbm4b:s1+s15], $0x80, s3, s15, $0xb8;
	[tilespmem:$0x1FA00] =	vst v63  }
0x37: {  	_ =	swait.ge [sflag:s19], $0x3C00  }
0x38: {  	[sflag:s19] =	ssyncset.done $0x0  }
0x39: {  	s11 =	rddreg [dreg:$0x8];
	[sflag:s19] =	ssyncadd.s32 $0xFFFFC400  }
0x3a: {  	[spmem:s2] =	stream.indirect.scatter.add.f32 [tilespmem:s16], [sflag:$0x4], $0x80, s11, s15, $0xb8;
	[tilespmem:$0x1FA00] =	vst v63  }
0x3b: {  	_ =	swait.ge [sflag:s12], $0x3C00  }
0x3c: {  	[sflag:s12] =	ssyncset.done $0x0  }
0x3d: {  	[sflag:s12] =	ssyncadd.s32 $0xFFFFC400  }
0x3e: {  	_ =	swait.ge [sflag:s20], $0x3C00  }
0x3f: {  	[sflag:s20] =	ssyncset.done $0x0  }
0x40: {  	s13 =	rddreg [dreg:$0x9];
	[sflag:s20] =	ssyncadd.s32 $0xFFFFC400  }
0x41: {  	[spmem:s2] =	stream.indirect.scatter.add.f32 [tilespmem:s17], [sflag:$0x4], $0x80, s13, s15, $0xb8;
	[tilespmem:$0x1FA00] =	vst v63  }
0x42: {  	_ =	swait.ge [sflag:s12], $0x3C00  }
0x43: {  	[sflag:s12] =	ssyncset.done $0x0  }
0x44: {  	[sflag:s12] =	ssyncadd.s32 $0xFFFFC400  }
0x45: {  	_ =	swait.ge [sflag:s21], $0x3C00  }
0x46: {  	[sflag:s21] =	ssyncset.done $0x0  }
0x47: {  	s3 =	rddreg [dreg:$0xa];
	[sflag:s21] =	ssyncadd.s32 $0xFFFFC400  }
0x48: {  	[spmem:s2] =	stream.indirect.scatter.add.f32 [tilespmem:s18], [sflag:$0x4], $0x80, s3, s15, $0xb8;
	[tilespmem:$0x1FA00] =	vst v63  }
0x49: {  	_ =	swait.ge [sflag:s12], $0x3C00  }
0x4a: {  	[sflag:s12] =	ssyncset.done $0x0  }
0x4b: {  	s11 =	rddreg [dreg:$0xb];
	[sflag:s12] =	ssyncadd.s32 $0xFFFFC400  }
0x4c: {  	[tilespmem:s16], [sflag:$0x1] =	stream.indirect.gather [hbm4b:s1+s15], $0x80, s11, s15, $0xb8;
	[tilespmem:$0x1FA00] =	vst v63  }
0x4d: {  	s13 =	rddreg [dreg:$0xc]  }
0x4e: {  	[tilespmem:s17], [sflag:$0x2] =	stream.indirect.gather [hbm4b:s1+s15], $0x80, s13, s15, $0xb8;
	[tilespmem:$0x1FA00] =	vst v63  }
0x4f: {  	_ = 	snop  }
0x50: {  	[tilespmem:s18], [sflag:$0x3] =	stream.indirect.gather [hbm4b:s1+s15], $0x80, s22, s15, $0xb8;
	[tilespmem:$0x1FA00] =	vst v63  }
0x51: {  	_ =	swait.ge [sflag:s19], $0x3C00  }
0x52: {  	[sflag:s19] =	ssyncset.done $0x0  }
0x53: {  	[sflag:s19] =	ssyncadd.s32 $0xFFFFC400  }
0x54: {  	[spmem:s2] =	stream.indirect.scatter.add.f32 [tilespmem:s16], [sflag:$0x4], $0x80, s23, s15, $0xb8;
	[tilespmem:$0x1FA00] =	vst v63  }
0x55: {  	_ =	swait.ge [sflag:s12], $0x3C00  }
0x56: {  	[sflag:s12] =	ssyncset.done $0x0  }
0x57: {  	[sflag:s12] =	ssyncadd.s32 $0xFFFFC400  }
0x58: {  	_ =	swait.ge [sflag:s20], $0x3C00  }
0x59: {  	[sflag:s20] =	ssyncset.done $0x0  }
0x5a: {  	[sflag:s20] =	ssyncadd.s32 $0xFFFFC400  }
0x5b: {  	[spmem:s2] =	stream.indirect.scatter.add.f32 [tilespmem:s17], [sflag:$0x4], $0x80, s24, s15, $0xb8;
	[tilespmem:$0x1FA00] =	vst v63  }
0x5c: {  	_ =	swait.ge [sflag:s12], $0x3C00  }
0x5d: {  	[sflag:s12] =	ssyncset.done $0x0  }
0x5e: {  	[sflag:s12] =	ssyncadd.s32 $0xFFFFC400  }
0x5f: {  	_ =	swait.ge [sflag:s21], $0x3C00  }
0x60: {  	[sflag:s21] =	ssyncset.done $0x0  }
0x61: {  	[sflag:s21] =	ssyncadd.s32 $0xFFFFC400  }
0x62: {  	[spmem:s2] =	stream.indirect.scatter.add.f32 [tilespmem:s18], [sflag:$0x4], $0x80, s25, s15, $0xb8;
	[tilespmem:$0x1FA00] =	vst v63  }
0x63: {  	_ =	swait.ge [sflag:s12], $0x3C00  }
0x64: {  	[sflag:s12] =	ssyncset.done $0x0  }
0x65: {  	[sflag:s12] =	ssyncadd.s32 $0xFFFFC400  }
0x66: {  	[tilespmem:s16], [sflag:$0x1] =	stream.indirect.gather [hbm4b:s1+s15], $0x80, s26, s15, $0xb8;
	[tilespmem:$0x1FA00] =	vst v63  }
0x67: {  	_ = 	snop  }
0x68: {  	[tilespmem:s17], [sflag:$0x2] =	stream.indirect.gather [hbm4b:s1+s15], $0x80, s28, s15, $0xb8;
	[tilespmem:$0x1FA00] =	vst v63  }
0x69: {  	_ = 	snop  }
0x6a: {  	[tilespmem:s18], [sflag:$0x3] =	stream.indirect.gather [hbm4b:s1+s15], $0x80, s29, s15, $0xb8;
	[tilespmem:$0x1FA00] =	vst v63  }
0x6b: {  	_ =	swait.ge [sflag:s19], $0x3C00  }
0x6c: {  	[sflag:s19] =	ssyncset.done $0x0  }
0x6d: {  	[sflag:s19] =	ssyncadd.s32 $0xFFFFC400  }
0x6e: {  	[spmem:s2] =	stream.indirect.scatter.add.f32 [tilespmem:s16], [sflag:$0x4], $0x80, s30, s15, $0xb8;
	[tilespmem:$0x1FA00] =	vst v63  }
0x6f: {  	_ =	swait.ge [sflag:s12], $0x3C00  }
0x70: {  	[sflag:s12] =	ssyncset.done $0x0  }
0x71: {  	[sflag:s12] =	ssyncadd.s32 $0xFFFFC400  }
0x72: {  	_ =	swait.ge [sflag:s20], $0x3C00  }
0x73: {  	[sflag:s20] =	ssyncset.done $0x0  }
0x74: {  	[sflag:s20] =	ssyncadd.s32 $0xFFFFC400  }
0x75: {  	[spmem:s2] =	stream.indirect.scatter.add.f32 [tilespmem:s17], [sflag:$0x4], $0x80, s31, s15, $0xb8;
	[tilespmem:$0x1FA00] =	vst v63  }
0x76: {  	_ =	swait.ge [sflag:s12], $0x3C00  }
0x77: {  	[sflag:s12] =	ssyncset.done $0x0  }
0x78: {  	[sflag:s12] =	ssyncadd.s32 $0xFFFFC400  }
0x79: {  	_ =	swait.ge [sflag:s21], $0x3C00  }
0x7a: {  	[sflag:s21] =	ssyncset.done $0x0  }
0x7b: {  	[sflag:s21] =	ssyncadd.s32 $0xFFFFC400  }
0x7c: {  	[spmem:s2] =	stream.indirect.scatter.add.f32 [tilespmem:s18], [sflag:$0x4], $0x80, s0, s15, $0xb8;
	[tilespmem:$0x1FA00] =	vst v63  }
0x7d: {  	_ =	swait.ge [sflag:s12], $0x3C00  }
0x7e: {  	[sflag:s12] =	ssyncset.done $0x0  }
0x7f: {  	[sflag:s12] =	ssyncadd.s32 $0xFFFFC400  }
0x80: {  	[tilespmem:s16], [sflag:$0x1] =	stream.indirect.gather [hbm4b:s1+s15], $0x80, s4, s15, $0xb8;
	[tilespmem:$0x1FA00] =	vst v63  }
0x81: {  	_ = 	snop  }
0x82: {  	[tilespmem:s17], [sflag:$0x2] =	stream.indirect.gather [hbm4b:s1+s15], $0x80, s5, s15, $0xb8;
	[tilespmem:$0x1FA00] =	vst v63  }
0x83: {  	_ = 	snop  }
0x84: {  	[tilespmem:s18], [sflag:$0x3] =	stream.indirect.gather [hbm4b:s1+s15], $0x80, s7, s15, $0xb8;
	[tilespmem:$0x1FA00] =	vst v63  }
0x85: {  	_ =	swait.ge [sflag:s19], $0x3C00  }
0x86: {  	[sflag:s19] =	ssyncset.done $0x0  }
0x87: {  	[sflag:s19] =	ssyncadd.s32 $0xFFFFC400  }
0x88: {  	[spmem:s2] =	stream.indirect.scatter.add.f32 [tilespmem:s16], [sflag:$0x4], $0x80, s8, s15, $0xb8;
	[tilespmem:$0x1FA00] =	vst v63  }
0x89: {  	_ =	swait.ge [sflag:s12], $0x3C00  }
0x8a: {  	[sflag:s12] =	ssyncset.done $0x0  }
0x8b: {  	[sflag:s12] =	ssyncadd.s32 $0xFFFFC400  }
0x8c: {  	_ =	swait.ge [sflag:s20], $0x3C00  }
0x8d: {  	[sflag:s20] =	ssyncset.done $0x0  }
0x8e: {  	[sflag:s20] =	ssyncadd.s32 $0xFFFFC400  }
0x8f: {  	[spmem:s2] =	stream.indirect.scatter.add.f32 [tilespmem:s17], [sflag:$0x4], $0x80, s9, s15, $0xb8;
	[tilespmem:$0x1FA00] =	vst v63  }
0x90: {  	_ =	swait.ge [sflag:s12], $0x3C00  }
0x91: {  	[sflag:s12] =	ssyncset.done $0x0  }
0x92: {  	[sflag:s12] =	ssyncadd.s32 $0xFFFFC400  }
0x93: {  	_ =	swait.ge [sflag:s21], $0x3C00  }
0x94: {  	[sflag:s21] =	ssyncset.done $0x0  }
0x95: {  	[sflag:s21] =	ssyncadd.s32 $0xFFFFC400  }
0x96: {  	[spmem:s2] =	stream.indirect.scatter.add.f32 [tilespmem:s18], [sflag:$0x4], $0x80, s10, s15, $0xb8;
	[tilespmem:$0x1FA00] =	vst v63  }
0x97: {  	s6 =	simm.s32 $0x300;
	_ =	swait.ge [sflag:s12], $0x3C00  }
0x98: {  	s13 =	simm.s32 $0x180;
	s11 =	rddreg [dreg:$0x5];
	[sflag:s12] =	ssyncset.done $0x0  }
.LBB2_2:
0x99: {  	[sflag:s12] =	ssyncadd.s32 $0xFFFFC400;
	s3 =	smov.u32 s6  }
0x9a: {  	s11 =	sadd.s32 s13, s11;
	s13 =	smov.u32 s3;
	s3 =	simm.s32 $0x0  }
0x9b: {  	[tilespmem:s14], [sflag:$0x4] =	stream.linear.gather [hbm4b:s11+s3], $0xC00, $0x38;
	[tilespmem:$0x1FA00] =	vst v63  }
0x9c: {  	_ =	swait.ge [sflag:s12], $0xC00  }
0x9d: {  	[sflag:s12] =	ssyncset.done $0x0  }
0x9e: {  	[sflag:s12] =	ssyncadd.s32 $0xFFFFF400  }
0x9f: {  	[tilespmem:s16], [sflag:$0x1] =	stream.indirect.gather [hbm4b:s1+s15], $0x80, s14, s15, $0xb8;
	[tilespmem:$0x1FA00] =	vst v63  }
0xa0: {  	s3 =	rddreg [dreg:$0x6]  }
0xa1: {  	[tilespmem:s17], [sflag:$0x2] =	stream.indirect.gather [hbm4b:s1+s15], $0x80, s3, s15, $0xb8;
	[tilespmem:$0x1FA00] =	vst v63  }
0xa2: {  	s11 =	rddreg [dreg:$0x7]  }
0xa3: {  	[tilespmem:s18], [sflag:$0x3] =	stream.indirect.gather [hbm4b:s1+s15], $0x80, s11, s15, $0xb8;
	[tilespmem:$0x1FA00] =	vst v63  }
0xa4: {  	_ =	swait.ge [sflag:s19], $0x3C00  }
0xa5: {  	[sflag:s19] =	ssyncset.done $0x0  }
0xa6: {  	s11 =	rddreg [dreg:$0x8];
	[sflag:s19] =	ssyncadd.s32 $0xFFFFC400  }
0xa7: {  	[spmem:s2] =	stream.indirect.scatter.add.f32 [tilespmem:s16], [sflag:$0x4], $0x80, s11, s15, $0xb8;
	[tilespmem:$0x1FA00] =	vst v63  }
0xa8: {  	_ =	swait.ge [sflag:s12], $0x3C00  }
0xa9: {  	[sflag:s12] =	ssyncset.done $0x0  }
0xaa: {  	[sflag:s12] =	ssyncadd.s32 $0xFFFFC400  }
0xab: {  	_ =	swait.ge [sflag:s20], $0x3C00  }
0xac: {  	[sflag:s20] =	ssyncset.done $0x0  }
0xad: {  	s11 =	rddreg [dreg:$0x9];
	[sflag:s20] =	ssyncadd.s32 $0xFFFFC400  }
0xae: {  	[spmem:s2] =	stream.indirect.scatter.add.f32 [tilespmem:s17], [sflag:$0x4], $0x80, s11, s15, $0xb8;
	[tilespmem:$0x1FA00] =	vst v63  }
0xaf: {  	_ =	swait.ge [sflag:s12], $0x3C00  }
0xb0: {  	[sflag:s12] =	ssyncset.done $0x0  }
0xb1: {  	[sflag:s12] =	ssyncadd.s32 $0xFFFFC400  }
0xb2: {  	_ =	swait.ge [sflag:s21], $0x3C00  }
0xb3: {  	[sflag:s21] =	ssyncset.done $0x0  }
0xb4: {  	s11 =	rddreg [dreg:$0xa];
	[sflag:s21] =	ssyncadd.s32 $0xFFFFC400  }
0xb5: {  	[spmem:s2] =	stream.indirect.scatter.add.f32 [tilespmem:s18], [sflag:$0x4], $0x80, s11, s15, $0xb8;
	[tilespmem:$0x1FA00] =	vst v63  }
0xb6: {  	_ =	swait.ge [sflag:s12], $0x3C00  }
0xb7: {  	[sflag:s12] =	ssyncset.done $0x0  }
0xb8: {  	s3 =	rddreg [dreg:$0xb];
	[sflag:s12] =	ssyncadd.s32 $0xFFFFC400  }
0xb9: {  	[tilespmem:s16], [sflag:$0x1] =	stream.indirect.gather [hbm4b:s1+s15], $0x80, s3, s15, $0xb8;
	[tilespmem:$0x1FA00] =	vst v63  }
0xba: {  	s11 =	rddreg [dreg:$0xc]  }
0xbb: {  	[tilespmem:s17], [sflag:$0x2] =	stream.indirect.gather [hbm4b:s1+s15], $0x80, s11, s15, $0xb8;
	[tilespmem:$0x1FA00] =	vst v63  }
0xbc: {  	_ = 	snop  }
0xbd: {  	[tilespmem:s18], [sflag:$0x3] =	stream.indirect.gather [hbm4b:s1+s15], $0x80, s22, s15, $0xb8;
	[tilespmem:$0x1FA00] =	vst v63  }
0xbe: {  	_ =	swait.ge [sflag:s19], $0x3C00  }
0xbf: {  	[sflag:s19] =	ssyncset.done $0x0  }
0xc0: {  	[sflag:s19] =	ssyncadd.s32 $0xFFFFC400  }
0xc1: {  	[spmem:s2] =	stream.indirect.scatter.add.f32 [tilespmem:s16], [sflag:$0x4], $0x80, s23, s15, $0xb8;
	[tilespmem:$0x1FA00] =	vst v63  }
0xc2: {  	_ =	swait.ge [sflag:s12], $0x3C00  }
0xc3: {  	[sflag:s12] =	ssyncset.done $0x0  }
0xc4: {  	[sflag:s12] =	ssyncadd.s32 $0xFFFFC400  }
0xc5: {  	_ =	swait.ge [sflag:s20], $0x3C00  }
0xc6: {  	[sflag:s20] =	ssyncset.done $0x0  }
0xc7: {  	[sflag:s20] =	ssyncadd.s32 $0xFFFFC400  }
0xc8: {  	[spmem:s2] =	stream.indirect.scatter.add.f32 [tilespmem:s17], [sflag:$0x4], $0x80, s24, s15, $0xb8;
	[tilespmem:$0x1FA00] =	vst v63  }
0xc9: {  	_ =	swait.ge [sflag:s12], $0x3C00  }
0xca: {  	[sflag:s12] =	ssyncset.done $0x0  }
0xcb: {  	[sflag:s12] =	ssyncadd.s32 $0xFFFFC400  }
0xcc: {  	_ =	swait.ge [sflag:s21], $0x3C00  }
0xcd: {  	[sflag:s21] =	ssyncset.done $0x0  }
0xce: {  	[sflag:s21] =	ssyncadd.s32 $0xFFFFC400  }
0xcf: {  	[spmem:s2] =	stream.indirect.scatter.add.f32 [tilespmem:s18], [sflag:$0x4], $0x80, s25, s15, $0xb8;
	[tilespmem:$0x1FA00] =	vst v63  }
0xd0: {  	_ =	swait.ge [sflag:s12], $0x3C00  }
0xd1: {  	[sflag:s12] =	ssyncset.done $0x0  }
0xd2: {  	[sflag:s12] =	ssyncadd.s32 $0xFFFFC400  }
0xd3: {  	[tilespmem:s16], [sflag:$0x1] =	stream.indirect.gather [hbm4b:s1+s15], $0x80, s26, s15, $0xb8;
	[tilespmem:$0x1FA00] =	vst v63  }
0xd4: {  	_ = 	snop  }
0xd5: {  	[tilespmem:s17], [sflag:$0x2] =	stream.indirect.gather [hbm4b:s1+s15], $0x80, s28, s15, $0xb8;
	[tilespmem:$0x1FA00] =	vst v63  }
0xd6: {  	_ = 	snop  }
0xd7: {  	[tilespmem:s18], [sflag:$0x3] =	stream.indirect.gather [hbm4b:s1+s15], $0x80, s29, s15, $0xb8;
	[tilespmem:$0x1FA00] =	vst v63  }
0xd8: {  	_ =	swait.ge [sflag:s19], $0x3C00  }
0xd9: {  	[sflag:s19] =	ssyncset.done $0x0  }
0xda: {  	[sflag:s19] =	ssyncadd.s32 $0xFFFFC400  }
0xdb: {  	[spmem:s2] =	stream.indirect.scatter.add.f32 [tilespmem:s16], [sflag:$0x4], $0x80, s30, s15, $0xb8;
	[tilespmem:$0x1FA00] =	vst v63  }
0xdc: {  	_ =	swait.ge [sflag:s12], $0x3C00  }
0xdd: {  	[sflag:s12] =	ssyncset.done $0x0  }
0xde: {  	[sflag:s12] =	ssyncadd.s32 $0xFFFFC400  }
0xdf: {  	_ =	swait.ge [sflag:s20], $0x3C00  }
0xe0: {  	[sflag:s20] =	ssyncset.done $0x0  }
0xe1: {  	[sflag:s20] =	ssyncadd.s32 $0xFFFFC400  }
0xe2: {  	[spmem:s2] =	stream.indirect.scatter.add.f32 [tilespmem:s17], [sflag:$0x4], $0x80, s31, s15, $0xb8;
	[tilespmem:$0x1FA00] =	vst v63  }
0xe3: {  	_ =	swait.ge [sflag:s12], $0x3C00  }
0xe4: {  	[sflag:s12] =	ssyncset.done $0x0  }
0xe5: {  	[sflag:s12] =	ssyncadd.s32 $0xFFFFC400  }
0xe6: {  	_ =	swait.ge [sflag:s21], $0x3C00  }
0xe7: {  	[sflag:s21] =	ssyncset.done $0x0  }
0xe8: {  	[sflag:s21] =	ssyncadd.s32 $0xFFFFC400  }
0xe9: {  	[spmem:s2] =	stream.indirect.scatter.add.f32 [tilespmem:s18], [sflag:$0x4], $0x80, s0, s15, $0xb8;
	[tilespmem:$0x1FA00] =	vst v63  }
0xea: {  	_ =	swait.ge [sflag:s12], $0x3C00  }
0xeb: {  	[sflag:s12] =	ssyncset.done $0x0  }
0xec: {  	[sflag:s12] =	ssyncadd.s32 $0xFFFFC400  }
0xed: {  	[tilespmem:s16], [sflag:$0x1] =	stream.indirect.gather [hbm4b:s1+s15], $0x80, s4, s15, $0xb8;
	[tilespmem:$0x1FA00] =	vst v63  }
0xee: {  	_ = 	snop  }
0xef: {  	[tilespmem:s17], [sflag:$0x2] =	stream.indirect.gather [hbm4b:s1+s15], $0x80, s5, s15, $0xb8;
	[tilespmem:$0x1FA00] =	vst v63  }
0xf0: {  	_ = 	snop  }
0xf1: {  	[tilespmem:s18], [sflag:$0x3] =	stream.indirect.gather [hbm4b:s1+s15], $0x80, s7, s15, $0xb8;
	[tilespmem:$0x1FA00] =	vst v63  }
0xf2: {  	_ =	swait.ge [sflag:s19], $0x3C00  }
0xf3: {  	[sflag:s19] =	ssyncset.done $0x0  }
0xf4: {  	[sflag:s19] =	ssyncadd.s32 $0xFFFFC400  }
0xf5: {  	[spmem:s2] =	stream.indirect.scatter.add.f32 [tilespmem:s16], [sflag:$0x4], $0x80, s8, s15, $0xb8;
	[tilespmem:$0x1FA00] =	vst v63  }
0xf6: {  	_ =	swait.ge [sflag:s12], $0x3C00  }
0xf7: {  	[sflag:s12] =	ssyncset.done $0x0  }
0xf8: {  	[sflag:s12] =	ssyncadd.s32 $0xFFFFC400  }
0xf9: {  	_ =	swait.ge [sflag:s20], $0x3C00  }
0xfa: {  	[sflag:s20] =	ssyncset.done $0x0  }
0xfb: {  	[sflag:s20] =	ssyncadd.s32 $0xFFFFC400  }
0xfc: {  	[spmem:s2] =	stream.indirect.scatter.add.f32 [tilespmem:s17], [sflag:$0x4], $0x80, s9, s15, $0xb8;
	[tilespmem:$0x1FA00] =	vst v63  }
0xfd: {  	_ =	swait.ge [sflag:s12], $0x3C00  }
0xfe: {  	[sflag:s12] =	ssyncset.done $0x0  }
0xff: {  	[sflag:s12] =	ssyncadd.s32 $0xFFFFC400  }
0x100: {  	p1 =	sne.s32 s6, $0x900;
	_ =	swait.ge [sflag:s21], $0x3C00  }
.Ltmp0:
0x101: {  	[sflag:s21] =	ssyncset.done $0x0;
	(pc) =	sbr.rel @p1 .LBB2_2-.Ltmp0, $4  }
0x102: {  	[sflag:s21] =	ssyncadd.s32 $0xFFFFC400  }
0x103: {  	[spmem:s2] =	stream.indirect.scatter.add.f32 [tilespmem:s18], [sflag:$0x4], $0x80, s10, s15, $0xb8;
	[tilespmem:$0x1FA00] =	vst v63  }
0x104: {  	_ =	swait.ge [sflag:s12], $0x3C00  }
0x105: {  	s6 =	sadd.s32 $0x180, s6;
	s11 =	rddreg [dreg:$0x5];
	[sflag:s12] =	ssyncset.done $0x0  }
0x106: {  	[sflag:s12] =	ssyncadd.s32 $0xFFFFC400;
	s3 =	sadd.s32 s13, s11;
	s6 =	simm.s32 $0x0  }
0x107: {  	[tilespmem:s14], [sflag:$0x4] =	stream.linear.gather [hbm4b:s3+s6], $0xC00, $0x38;
	[tilespmem:$0x1FA00] =	vst v63  }
0x108: {  	_ =	swait.ge [sflag:s12], $0xC00  }
0x109: {  	[sflag:s12] =	ssyncset.done $0x0  }
0x10a: {  	[sflag:s12] =	ssyncadd.s32 $0xFFFFF400  }
0x10b: {  	[tilespmem:s16], [sflag:$0x1] =	stream.indirect.gather [hbm4b:s1+s15], $0x80, s14, s15, $0xb8;
	[tilespmem:$0x1FA00] =	vst v63  }
0x10c: {  	s11 =	rddreg [dreg:$0x6]  }
0x10d: {  	[tilespmem:s17], [sflag:$0x2] =	stream.indirect.gather [hbm4b:s1+s15], $0x80, s11, s15, $0xb8;
	[tilespmem:$0x1FA00] =	vst v63  }
0x10e: {  	s13 =	rddreg [dreg:$0x7]  }
0x10f: {  	[tilespmem:s18], [sflag:$0x3] =	stream.indirect.gather [hbm4b:s1+s15], $0x80, s13, s15, $0xb8;
	[tilespmem:$0x1FA00] =	vst v63  }
0x110: {  	_ =	swait.ge [sflag:s19], $0x3C00  }
0x111: {  	[sflag:s19] =	ssyncset.done $0x0  }
0x112: {  	s11 =	rddreg [dreg:$0x8];
	[sflag:s19] =	ssyncadd.s32 $0xFFFFC400  }
0x113: {  	[spmem:s2] =	stream.indirect.scatter.add.f32 [tilespmem:s16], [sflag:$0x4], $0x80, s11, s15, $0xb8;
	[tilespmem:$0x1FA00] =	vst v63  }
0x114: {  	_ =	swait.ge [sflag:s12], $0x3C00  }
0x115: {  	[sflag:s12] =	ssyncset.done $0x0  }
0x116: {  	[sflag:s12] =	ssyncadd.s32 $0xFFFFC400  }
0x117: {  	_ =	swait.ge [sflag:s20], $0x3C00  }
0x118: {  	[sflag:s20] =	ssyncset.done $0x0  }
0x119: {  	s13 =	rddreg [dreg:$0x9];
	[sflag:s20] =	ssyncadd.s32 $0xFFFFC400  }
0x11a: {  	[spmem:s2] =	stream.indirect.scatter.add.f32 [tilespmem:s17], [sflag:$0x4], $0x80, s13, s15, $0xb8;
	[tilespmem:$0x1FA00] =	vst v63  }
0x11b: {  	_ =	swait.ge [sflag:s12], $0x3C00  }
0x11c: {  	[sflag:s12] =	ssyncset.done $0x0  }
0x11d: {  	[sflag:s12] =	ssyncadd.s32 $0xFFFFC400  }
0x11e: {  	_ =	swait.ge [sflag:s21], $0x3C00  }
0x11f: {  	[sflag:s21] =	ssyncset.done $0x0  }
0x120: {  	s6 =	rddreg [dreg:$0xa];
	[sflag:s21] =	ssyncadd.s32 $0xFFFFC400  }
0x121: {  	[spmem:s2] =	stream.indirect.scatter.add.f32 [tilespmem:s18], [sflag:$0x4], $0x80, s6, s15, $0xb8;
	[tilespmem:$0x1FA00] =	vst v63  }
0x122: {  	_ =	swait.ge [sflag:s12], $0x3C00  }
0x123: {  	[sflag:s12] =	ssyncset.done $0x0  }
0x124: {  	s11 =	rddreg [dreg:$0xb];
	[sflag:s12] =	ssyncadd.s32 $0xFFFFC400  }
0x125: {  	[tilespmem:s16], [sflag:$0x1] =	stream.indirect.gather [hbm4b:s1+s15], $0x80, s11, s15, $0xb8;
	[tilespmem:$0x1FA00] =	vst v63  }
0x126: {  	s13 =	rddreg [dreg:$0xc]  }
0x127: {  	[tilespmem:s17], [sflag:$0x2] =	stream.indirect.gather [hbm4b:s1+s15], $0x80, s13, s15, $0xb8;
	[tilespmem:$0x1FA00] =	vst v63  }
0x128: {  	_ = 	snop  }
0x129: {  	[tilespmem:s18], [sflag:$0x3] =	stream.indirect.gather [hbm4b:s1+s15], $0x80, s22, s15, $0xb8;
	[tilespmem:$0x1FA00] =	vst v63  }
0x12a: {  	_ =	swait.ge [sflag:s19], $0x3C00  }
0x12b: {  	[sflag:s19] =	ssyncset.done $0x0  }
0x12c: {  	[sflag:s19] =	ssyncadd.s32 $0xFFFFC400  }
0x12d: {  	[spmem:s2] =	stream.indirect.scatter.add.f32 [tilespmem:s16], [sflag:$0x4], $0x80, s23, s15, $0xb8;
	[tilespmem:$0x1FA00] =	vst v63  }
0x12e: {  	_ =	swait.ge [sflag:s12], $0x3C00  }
0x12f: {  	[sflag:s12] =	ssyncset.done $0x0  }
0x130: {  	[sflag:s12] =	ssyncadd.s32 $0xFFFFC400  }
0x131: {  	_ =	swait.ge [sflag:s20], $0x3C00  }
0x132: {  	[sflag:s20] =	ssyncset.done $0x0  }
0x133: {  	[sflag:s20] =	ssyncadd.s32 $0xFFFFC400  }
0x134: {  	[spmem:s2] =	stream.indirect.scatter.add.f32 [tilespmem:s17], [sflag:$0x4], $0x80, s24, s15, $0xb8;
	[tilespmem:$0x1FA00] =	vst v63  }
0x135: {  	_ =	swait.ge [sflag:s12], $0x3C00  }
0x136: {  	[sflag:s12] =	ssyncset.done $0x0  }
0x137: {  	[sflag:s12] =	ssyncadd.s32 $0xFFFFC400  }
0x138: {  	_ =	swait.ge [sflag:s21], $0x3C00  }
0x139: {  	[sflag:s21] =	ssyncset.done $0x0  }
0x13a: {  	[sflag:s21] =	ssyncadd.s32 $0xFFFFC400  }
0x13b: {  	[spmem:s2] =	stream.indirect.scatter.add.f32 [tilespmem:s18], [sflag:$0x4], $0x80, s25, s15, $0xb8;
	[tilespmem:$0x1FA00] =	vst v63  }
0x13c: {  	_ =	swait.ge [sflag:s12], $0x3C00  }
0x13d: {  	[sflag:s12] =	ssyncset.done $0x0  }
0x13e: {  	[sflag:s12] =	ssyncadd.s32 $0xFFFFC400  }
0x13f: {  	[tilespmem:s16], [sflag:$0x1] =	stream.indirect.gather [hbm4b:s1+s15], $0x80, s26, s15, $0xb8;
	[tilespmem:$0x1FA00] =	vst v63  }
0x140: {  	_ = 	snop  }
0x141: {  	[tilespmem:s17], [sflag:$0x2] =	stream.indirect.gather [hbm4b:s1+s15], $0x80, s28, s15, $0xb8;
	[tilespmem:$0x1FA00] =	vst v63  }
0x142: {  	_ = 	snop  }
0x143: {  	[tilespmem:s18], [sflag:$0x3] =	stream.indirect.gather [hbm4b:s1+s15], $0x80, s29, s15, $0xb8;
	[tilespmem:$0x1FA00] =	vst v63  }
0x144: {  	_ =	swait.ge [sflag:s19], $0x3C00  }
0x145: {  	[sflag:s19] =	ssyncset.done $0x0  }
0x146: {  	[sflag:s19] =	ssyncadd.s32 $0xFFFFC400  }
0x147: {  	[spmem:s2] =	stream.indirect.scatter.add.f32 [tilespmem:s16], [sflag:$0x4], $0x80, s30, s15, $0xb8;
	[tilespmem:$0x1FA00] =	vst v63  }
0x148: {  	_ =	swait.ge [sflag:s12], $0x3C00  }
0x149: {  	[sflag:s12] =	ssyncset.done $0x0  }
0x14a: {  	[sflag:s12] =	ssyncadd.s32 $0xFFFFC400  }
0x14b: {  	_ =	swait.ge [sflag:s20], $0x3C00  }
0x14c: {  	[sflag:s20] =	ssyncset.done $0x0  }
0x14d: {  	[sflag:s20] =	ssyncadd.s32 $0xFFFFC400  }
0x14e: {  	[spmem:s2] =	stream.indirect.scatter.add.f32 [tilespmem:s17], [sflag:$0x4], $0x80, s31, s15, $0xb8;
	[tilespmem:$0x1FA00] =	vst v63  }
0x14f: {  	_ =	swait.ge [sflag:s12], $0x3C00  }
0x150: {  	[sflag:s12] =	ssyncset.done $0x0  }
0x151: {  	[sflag:s12] =	ssyncadd.s32 $0xFFFFC400  }
0x152: {  	_ =	swait.ge [sflag:s21], $0x3C00  }
0x153: {  	[sflag:s21] =	ssyncset.done $0x0  }
0x154: {  	[sflag:s21] =	ssyncadd.s32 $0xFFFFC400  }
0x155: {  	[spmem:s2] =	stream.indirect.scatter.add.f32 [tilespmem:s18], [sflag:$0x4], $0x80, s0, s15, $0xb8;
	[tilespmem:$0x1FA00] =	vst v63  }
0x156: {  	_ =	swait.ge [sflag:s12], $0x3C00  }
0x157: {  	[sflag:s12] =	ssyncset.done $0x0  }
0x158: {  	[sflag:s12] =	ssyncadd.s32 $0xFFFFC400  }
0x159: {  	[tilespmem:s16], [sflag:$0x1] =	stream.indirect.gather [hbm4b:s1+s15], $0x80, s4, s15, $0xb8;
	[tilespmem:$0x1FA00] =	vst v63  }
0x15a: {  	_ = 	snop  }
0x15b: {  	[tilespmem:s17], [sflag:$0x2] =	stream.indirect.gather [hbm4b:s1+s15], $0x80, s5, s15, $0xb8;
	[tilespmem:$0x1FA00] =	vst v63  }
0x15c: {  	_ = 	snop  }
0x15d: {  	[tilespmem:s18], [sflag:$0x3] =	stream.indirect.gather [hbm4b:s1+s15], $0x80, s7, s15, $0xb8;
	[tilespmem:$0x1FA00] =	vst v63  }
0x15e: {  	_ =	swait.ge [sflag:s19], $0x3C00  }
0x15f: {  	[sflag:s19] =	ssyncset.done $0x0  }
0x160: {  	[sflag:s19] =	ssyncadd.s32 $0xFFFFC400  }
0x161: {  	[spmem:s2] =	stream.indirect.scatter.add.f32 [tilespmem:s16], [sflag:$0x4], $0x80, s8, s15, $0xb8;
	[tilespmem:$0x1FA00] =	vst v63  }
0x162: {  	_ =	swait.ge [sflag:s12], $0x3C00  }
0x163: {  	[sflag:s12] =	ssyncset.done $0x0  }
0x164: {  	[sflag:s12] =	ssyncadd.s32 $0xFFFFC400  }
0x165: {  	_ =	swait.ge [sflag:s20], $0x3C00  }
0x166: {  	[sflag:s20] =	ssyncset.done $0x0  }
0x167: {  	[sflag:s20] =	ssyncadd.s32 $0xFFFFC400  }
0x168: {  	[spmem:s2] =	stream.indirect.scatter.add.f32 [tilespmem:s17], [sflag:$0x4], $0x80, s9, s15, $0xb8;
	[tilespmem:$0x1FA00] =	vst v63  }
0x169: {  	_ =	swait.ge [sflag:s12], $0x3C00  }
0x16a: {  	[sflag:s12] =	ssyncset.done $0x0  }
0x16b: {  	[sflag:s12] =	ssyncadd.s32 $0xFFFFC400  }
0x16c: {  	_ =	swait.ge [sflag:s21], $0x3C00  }
0x16d: {  	[sflag:s21] =	ssyncset.done $0x0  }
0x16e: {  	[sflag:s21] =	ssyncadd.s32 $0xFFFFC400  }
0x16f: {  	[spmem:s2] =	stream.indirect.scatter.add.f32 [tilespmem:s18], [sflag:$0x4], $0x80, s10, s15, $0xb8;
	[tilespmem:$0x1FA00] =	vst v63  }
0x170: {  	_ =	swait.ge [sflag:s12], $0x3C00  }
0x171: {  	[sflag:s12] =	ssyncset.done $0x0  }
0x172: {  	[sflag:s12] =	ssyncadd.s32 $0xFFFFC400  }
0x173: {  	[bflag:$0x0] =	sbarrier.arrive $0xFFFF  }
0x174: {  	s13 =	rddreg [dreg:$0xe]  }
0x175: {  	s6 =	rddreg [dreg:$0x10]  }
0x176: {  	s11 =	rddreg [dreg:$0x13]  }
0x177: {  	[hbm:s6], [sflag:s13] =	dma.local [spmem:s11], $0x2700  }
0x178: {  	_ =	swait.ge [sflag:s12], $0x2700  }
0x179: {  	[sflag:s12] =	ssyncset.done $0x0;
	s3 =	rddreg [dreg:$0x11]  }
0x17a: {  	s6 =	simm.s32 @!p0 $0x4;
	s11 =	rddreg [dreg:$0x14];
	[sflag:s12] =	ssyncadd.s32 $0xFFFFD900  }
0x17b: {  	[hbm:s3], [sflag:s13] =	dma.local @!p0 [spmem:s11], $0x100  }
0x17c: {  	_ =	swait.ge @!p0 [sflag:s6], $0x100  }
0x17d: {  	s3 =	rddreg [dreg:$0x15]  }
0x17e: {  	[sflag:s6] =	ssyncset.done @!p0 $0x0;
	s6 =	rddreg [dreg:$0x12];
	s3 =	sadd.s32 $0x1, s3  }
0x17f: {  	p1 =	sne.s32 s3, s6  }
.Ltmp1:
0x180: {  	_ = 	snop;
	(pc) =	sbr.rel @p1 .LBB2_1-.Ltmp1, $3  }
0x181: {  	_ =	sdelay $0x1  }
0x182: {  	[dreg:$0x15] =	wrdreg s3;
	s3 =	simm.s32 @!p0 $0x4  }
0x183: {  	s6 =	smov.u32 s11;
	s11 =	rddreg [dreg:$0x13];
	[sflag:s3] =	ssyncadd.s32 @!p0 $0xFFFFFF00  }
0x184: {  	_ =	sfence.sel $0x180000  }
0x185: {  	[bflag:$0x0] =	sbarrier.arrive $0xFFFF  }
0x186: {  	_ =	strace $0x90000047  }
0x187: {  	s0 =	stileid.u32;
	[bflag:$0x2] =	sbarrier.arrive $0xFFFF  }
0x188: {  	p0 =	sne.s32 s0, $0x0;
	s0 =	rddreg [dreg:$0x4]  }
0x189: {  	s0 =	sadd.s32 @!p0 $0x100000, s0  }
0x18a: {  	[sflag:s0] =	ssyncadd.tile.s32 @!p0 $0x1;
	_ =	shalt  }
.Lfunc_end2:
_tile_overlayer_lowered:
.L_overlay_start_2:
0x18b: {  	(tag) =	ssettag $0x2  }
0x18c: {  	s0 =	rddreg [dreg:$0x0];
	s2 =	stileid.u32  }
0x18d: {  	s1 =	rddreg [dreg:$0x1];
	p0 =	sne.s32 s2, $0x0  }
0x18e: {  	s3 =	rddreg [dreg:$0x2];
	[bflag:$0x3] =	sbarrier.arrive $0xFFFF;
	s2 =	simm.s32 @!p0 $0x1C04  }
0x18f: {  	[timem:s3], [sflag:s2] =	dma.local @!p0 [hbm:s0], s1  }
0x190: {  	s0 =	simm.s32 @!p0 $0x4  }
0x191: {  	_ =	swait.ge @!p0 [sflag:s0], s1  }
0x192: {  	s1 =	ssub.s32 @!p0 $0x0, s1;
	[sflag:s0] =	ssyncset.done @!p0 $0x0  }
0x193: {  	[sflag:s0] =	ssyncadd.s32 @!p0 s1  }
0x194: {  	[bflag:$0x3] =	sbarrier.arrive $0xFFFF  }
0x195: {  	_ =	shalt  }

</sc_bundles>
